<compile_context>
chip_gen: v7x
topology: tpu7x:2x2x1
jax: 0.10.2.dev20260603
libtpu: 0.0.44.dev20260713+nightly
codegen_flags: <defaults>
</compile_context>

<pallas_src>
import functools

import jax
import jax.numpy as jnp
from jax.experimental import pallas as pl
from jax.experimental.pallas import tpu as pltpu

N = 10000
E = 320000
IN = 128
HID = 256
H = 2
NG = 64
BLK = 1000


def _dense_kernel(x_ref, convW_ref, fc1W_ref, V_ref, fc1b_ref,
                  xp_ref, mlp_ref, a_ref):
    xb = x_ref[:]
    xp_ref[:] = jnp.dot(xb, convW_ref[:], preferred_element_type=jnp.float32)
    mlp_ref[:] = jnp.maximum(
        jnp.dot(xb, fc1W_ref[:], preferred_element_type=jnp.float32)
        + fc1b_ref[:], 0.0)
    a_ref[:] = jnp.dot(xb, V_ref[:], preferred_element_type=jnp.float32)


def _pool_kernel(agg_ref, mlp_ref, batch_ref, convb_ref, fcW_ref, fcb_ref,
                 out_ref, sums_ref, cnt_ref):
    i = pl.program_id(0)
    nsteps = pl.num_programs(0)
    gnn = agg_ref[:] * 0.5 + convb_ref[:]
    comb = mlp_ref[:] + jnp.maximum(gnn, 0.0)
    gid = jax.lax.broadcasted_iota(jnp.int32, (BLK, NG), 1)
    ob = (batch_ref[:] == gid).astype(jnp.float32)
    psum = jax.lax.dot_general(ob, comb, (((0,), (0,)), ((), ())),
                               preferred_element_type=jnp.float32)
    pcnt = jax.lax.dot_general(ob, jnp.ones((BLK, 8), jnp.float32),
                               (((0,), (0,)), ((), ())),
                               preferred_element_type=jnp.float32)

    @pl.when(i == 0)
    def _():
        sums_ref[:] = psum
        cnt_ref[:] = pcnt

    @pl.when(i > 0)
    def _():
        sums_ref[:] = sums_ref[:] + psum
        cnt_ref[:] = cnt_ref[:] + pcnt

    @pl.when(i == nsteps - 1)
    def _():
        gf = sums_ref[:] / jnp.maximum(cnt_ref[:, 0:1], 1.0)
        logit = jnp.dot(gf, fcW_ref[:], preferred_element_type=jnp.float32)
        out_ref[:] = jax.nn.sigmoid(logit + fcb_ref[:])


def kernel(normal_features, extreme_features, edge_index, batch,
           conv_W, att_src, att_dst, conv_b, fc1_W, fc1_b, fc_W, fc_b):
    x = jnp.concatenate([normal_features, extreme_features], axis=1)
    K = 2 * IN

    Wr = conv_W.reshape(K, H, HID)
    V_src = jnp.einsum('khc,hc->kh', Wr, att_src)
    V_dst = jnp.einsum('khc,hc->kh', Wr, att_dst)
    V = jnp.concatenate([V_src, V_dst, jnp.zeros((K, 4), jnp.float32)], axis=1)

    nblk = N // BLK
    xp, mlp, a = pl.pallas_call(
        _dense_kernel,
        grid=(nblk,),
        in_specs=[
            pl.BlockSpec((BLK, K), lambda i: (i, 0)),
            pl.BlockSpec((K, H * HID), lambda i: (0, 0)),
            pl.BlockSpec((K, HID), lambda i: (0, 0)),
            pl.BlockSpec((K, 8), lambda i: (0, 0)),
            pl.BlockSpec((1, HID), lambda i: (0, 0)),
        ],
        out_specs=[
            pl.BlockSpec((BLK, H * HID), lambda i: (i, 0)),
            pl.BlockSpec((BLK, HID), lambda i: (i, 0)),
            pl.BlockSpec((BLK, 8), lambda i: (i, 0)),
        ],
        out_shape=[
            jax.ShapeDtypeStruct((N, H * HID), jnp.float32),
            jax.ShapeDtypeStruct((N, HID), jnp.float32),
            jax.ShapeDtypeStruct((N, 8), jnp.float32),
        ],
    )(x, conv_W, fc1_W, V, fc1_b.reshape(1, HID))

    loops = jnp.arange(N, dtype=edge_index.dtype)
    src = jnp.concatenate([edge_index[0], loops])
    dst = jnp.concatenate([edge_index[1], loops])
    a_s = a[:, 0:H]
    a_d = a[:, H:2 * H]
    e = a_s[src] + a_d[dst]
    e = jnp.where(e >= 0, e, 0.2 * e)
    emax = jax.ops.segment_max(e, dst, num_segments=N)
    emax = jnp.where(jnp.isfinite(emax), emax, 0.0)
    ex = jnp.exp(e - emax[dst])
    denom = jax.ops.segment_sum(ex, dst, num_segments=N)
    alpha = ex / (denom[dst] + 1e-16)
    xps = xp[src]
    msg = xps[:, :HID] * alpha[:, 0:1] + xps[:, HID:] * alpha[:, 1:2]
    agg2 = jax.ops.segment_sum(msg, dst, num_segments=N)

    out = pl.pallas_call(
        _pool_kernel,
        grid=(nblk,),
        in_specs=[
            pl.BlockSpec((BLK, HID), lambda i: (i, 0)),
            pl.BlockSpec((BLK, HID), lambda i: (i, 0)),
            pl.BlockSpec((BLK, 1), lambda i: (i, 0)),
            pl.BlockSpec((1, HID), lambda i: (0, 0)),
            pl.BlockSpec((HID, 1), lambda i: (0, 0)),
            pl.BlockSpec((1, 1), lambda i: (0, 0)),
        ],
        out_specs=pl.BlockSpec((NG, 1), lambda i: (0, 0)),
        out_shape=jax.ShapeDtypeStruct((NG, 1), jnp.float32),
        scratch_shapes=[
            pltpu.VMEM((NG, HID), jnp.float32),
            pltpu.VMEM((NG, 8), jnp.float32),
        ],
    )(agg2, mlp, batch.reshape(N, 1), conv_b.reshape(1, HID),
      fc_W, fc_b.reshape(1, 1))
    return out

# --- scband reference (transcript-rebuilt; emitter-appended) ---
"""Pipeline reference for scband-discriminator-36945308680831 (READ-ONLY COPY).

The authoritative reference and input builder live on the scoring server;
editing this copy changes nothing except your own understanding.
"""

import jax, jax.numpy as jnp
import numpy as np

N = 10000
E = 320000
IN = 128
HID = 256
H = 2
NG = 64


def setup_inputs(seed: int = 0) -> dict:
    key = jax.random.key(seed)
    ks = jax.random.split(key, 12)
    inp = {}
    inp['normal_features'] = jax.random.normal(ks[0], (N, IN), dtype=jnp.float32)
    inp['extreme_features'] = jax.random.normal(ks[1], (N, IN), dtype=jnp.float32)
    inp['edge_index'] = jax.random.randint(ks[2], (2, E), 0, N, dtype=jnp.int32)
    inp['batch'] = jnp.sort(jax.random.randint(ks[3], (N,), 0, NG, dtype=jnp.int32))
    # learned params (GATConv(in=2*IN, out=HID, heads=2, concat=False) + joint_fc1 + fc)
    inp['conv_W'] = jax.random.normal(ks[4], (2 * IN, H * HID), dtype=jnp.float32) * 0.05
    inp['att_src'] = jax.random.normal(ks[5], (H, HID), dtype=jnp.float32) * 0.05
    inp['att_dst'] = jax.random.normal(ks[6], (H, HID), dtype=jnp.float32) * 0.05
    inp['conv_b'] = jnp.zeros((HID,), dtype=jnp.float32)
    inp['fc1_W'] = jax.random.normal(ks[7], (2 * IN, HID), dtype=jnp.float32) * 0.05
    inp['fc1_b'] = jnp.zeros((HID,), dtype=jnp.float32)
    inp['fc_W'] = jax.random.normal(ks[8], (HID, 1), dtype=jnp.float32) * 0.05
    inp['fc_b'] = jnp.zeros((1,), dtype=jnp.float32)
    return inp


def reference(normal_features, extreme_features, edge_index, batch,
              conv_W, att_src, att_dst, conv_b, fc1_W, fc1_b, fc_W, fc_b):
    x = jnp.concatenate([normal_features, extreme_features], axis=1)  # [N, 2*IN]
    # ---- GATConv (heads=2, concat=False, add_self_loops=True) ----
    loops = jnp.arange(N, dtype=edge_index.dtype)
    src = jnp.concatenate([edge_index[0], loops])
    dst = jnp.concatenate([edge_index[1], loops])
    xp = (x @ conv_W).reshape(N, H, HID)  # [N, H, C]
    a_src = jnp.sum(xp * att_src[None, :, :], axis=-1)  # [N, H]
    a_dst = jnp.sum(xp * att_dst[None, :, :], axis=-1)  # [N, H]
    e = jax.nn.leaky_relu(a_src[src] + a_dst[dst], negative_slope=0.2)  # [E+N, H]
    emax = jax.ops.segment_max(e, dst, num_segments=N)
    emax = jnp.where(jnp.isfinite(emax), emax, 0.0)
    ex = jnp.exp(e - emax[dst])
    denom = jax.ops.segment_sum(ex, dst, num_segments=N)
    alpha = ex / (denom[dst] + 1e-16)  # softmax over incoming edges
    msg = xp[src] * alpha[:, :, None]
    agg = jax.ops.segment_sum(msg, dst, num_segments=N)  # [N, H, C]
    gnn = jnp.mean(agg, axis=1) + conv_b  # concat=False -> average heads
    x_gnn = jax.nn.relu(gnn)
    # ---- joint MLP branch ----
    x_mlp = jax.nn.relu(x @ fc1_W + fc1_b)
    x_combined = x_mlp + x_gnn
    # ---- global mean pool over batch ids ----
    sums = jax.ops.segment_sum(x_combined, batch, num_segments=NG)
    counts = jax.ops.segment_sum(jnp.ones((N, 1), x_combined.dtype), batch, num_segments=NG)
    graph_feature = sums / jnp.maximum(counts, 1.0)
    out = jax.nn.sigmoid(graph_feature @ fc_W + fc_b)
    return out

if __name__ == "__main__":
    import jax
    _d = setup_inputs()
    print(jax.jit(kernel)(*tuple(_d.values())))

</pallas_src>

<mosaic_0001>
module attributes {stable_mosaic.version = 14 : i64} {
  func.func @_dense_kernel(%arg0: i32, %arg1: memref<1000x256xf32, #tpu.memory_space<vmem>>, %arg2: memref<256x512xf32, #tpu.memory_space<vmem>>, %arg3: memref<256x256xf32, #tpu.memory_space<vmem>>, %arg4: memref<256x8xf32, #tpu.memory_space<vmem>>, %arg5: memref<1x256xf32, #tpu.memory_space<vmem>>, %arg6: memref<1000x512xf32, #tpu.memory_space<vmem>>, %arg7: memref<1000x256xf32, #tpu.memory_space<vmem>>, %arg8: memref<1000x8xf32, #tpu.memory_space<vmem>>) attributes {dimension_semantics = [#tpu.dimension_semantics<arbitrary>], iteration_bounds = array<i64: 10>, scalar_prefetch = 0 : i64, scratch_operands = 0 : i64, tpu.core_type = #tpu.core_type<tc>, window_params = [{transform_indices = @transform_0, window_bounds = array<i64: 1000, 256>}, {pipeline_mode = #tpu.pipeline_mode<synchronous>, transform_indices = @transform_1, window_bounds = array<i64: 256, 512>}, {pipeline_mode = #tpu.pipeline_mode<synchronous>, transform_indices = @transform_2, window_bounds = array<i64: 256, 256>}, {pipeline_mode = #tpu.pipeline_mode<synchronous>, transform_indices = @transform_3, window_bounds = array<i64: 256, 8>}, {pipeline_mode = #tpu.pipeline_mode<synchronous>, transform_indices = @transform_4, window_bounds = array<i64: 1, 256>}, {transform_indices = @transform_5, window_bounds = array<i64: 1000, 512>}, {transform_indices = @transform_6, window_bounds = array<i64: 1000, 256>}, {transform_indices = @transform_7, window_bounds = array<i64: 1000, 8>}]} {
    %get3A = arith.constant 0 : index
    %get3A_0 = arith.constant 0 : index
    %get3A_1 = vector.load %arg1[%get3A, %get3A_0] : memref<1000x256xf32, #tpu.memory_space<vmem>>, vector<1000x256xf32>
    %get3A_2 = arith.constant 0 : index
    %get3A_3 = arith.constant 0 : index
    %get3A_4 = vector.load %arg2[%get3A_2, %get3A_3] : memref<256x512xf32, #tpu.memory_space<vmem>>, vector<256x512xf32>
    %dot_general3A = arith.constant dense<0.000000e+00> : vector<1000x512xf32>
    %dot_general3A_5 = tpu.matmul %get3A_1, %get3A_4, %dot_general3A {dimension_numbers = #tpu.dot_dimension_numbers<[1], [0], [0], [1], [0, 0, 1, 1], [], []>, transpose_lhs_hint = false} : vector<1000x256xf32>, vector<256x512xf32>, vector<1000x512xf32> -> vector<1000x512xf32>
    %swap3A = arith.constant 0 : index
    %swap3A_6 = arith.constant 0 : index
    %swap3A_7 = vector.load %arg6[%swap3A, %swap3A_6] : memref<1000x512xf32, #tpu.memory_space<vmem>>, vector<1000x512xf32>
    tpu.vector_store %arg6[%swap3A, %swap3A_6], %dot_general3A_5 {strides = array<i32>} : memref<1000x512xf32, #tpu.memory_space<vmem>>, vector<1000x512xf32>,
    %get3A_8 = arith.constant 0 : index
    %get3A_9 = arith.constant 0 : index
    %get3A_10 = vector.load %arg3[%get3A_8, %get3A_9] : memref<256x256xf32, #tpu.memory_space<vmem>>, vector<256x256xf32>
    %dot_general3A_11 = arith.constant dense<0.000000e+00> : vector<1000x256xf32>
    %dot_general3A_12 = tpu.matmul %get3A_1, %get3A_10, %dot_general3A_11 {dimension_numbers = #tpu.dot_dimension_numbers<[1], [0], [0], [1], [0, 0, 1, 1], [], []>, transpose_lhs_hint = false} : vector<1000x256xf32>, vector<256x256xf32>, vector<1000x256xf32> -> vector<1000x256xf32>
    %get3A_13 = arith.constant 0 : index
    %get3A_14 = arith.constant 0 : index
    %get3A_15 = vector.load %arg5[%get3A_13, %get3A_14] : memref<1x256xf32, #tpu.memory_space<vmem>>, vector<1x256xf32>
    %add3A = vector.broadcast %get3A_15 : vector<1x256xf32> to vector<1000x256xf32>
    %add3A_16 = arith.addf %dot_general3A_12, %add3A : vector<1000x256xf32>
    %max3A = arith.constant 0.000000e+00 : f32
    %max3A_17 = vector.broadcast %max3A : f32 to vector<1000x256xf32>
    %max3A_18 = arith.maximumf %add3A_16, %max3A_17 : vector<1000x256xf32>
    %swap3A_19 = arith.constant 0 : index
    %swap3A_20 = arith.constant 0 : index
    %swap3A_21 = vector.load %arg7[%swap3A_19, %swap3A_20] : memref<1000x256xf32, #tpu.memory_space<vmem>>, vector<1000x256xf32>
    tpu.vector_store %arg7[%swap3A_19, %swap3A_20], %max3A_18 {strides = array<i32>} : memref<1000x256xf32, #tpu.memory_space<vmem>>, vector<1000x256xf32>,
    %get3A_22 = arith.constant 0 : index
    %get3A_23 = arith.constant 0 : index
    %get3A_24 = vector.load %arg4[%get3A_22, %get3A_23] : memref<256x8xf32, #tpu.memory_space<vmem>>, vector<256x8xf32>
    %dot_general3A_25 = arith.constant dense<0.000000e+00> : vector<1000x8xf32>
    %dot_general3A_26 = tpu.matmul %get3A_1, %get3A_24, %dot_general3A_25 {dimension_numbers = #tpu.dot_dimension_numbers<[1], [0], [0], [1], [0, 0, 1, 1], [], []>, transpose_lhs_hint = false} : vector<1000x256xf32>, vector<256x8xf32>, vector<1000x8xf32> -> vector<1000x8xf32>
    %swap3A_27 = arith.constant 0 : index
    %swap3A_28 = arith.constant 0 : index
    %swap3A_29 = vector.load %arg8[%swap3A_27, %swap3A_28] : memref<1000x8xf32, #tpu.memory_space<vmem>>, vector<1000x8xf32>
    tpu.vector_store %arg8[%swap3A_27, %swap3A_28], %dot_general3A_26 {strides = array<i32>} : memref<1000x8xf32, #tpu.memory_space<vmem>>, vector<1000x8xf32>,
    return
  }
  func.func @transform_0(%arg0: i32) -> (i32, i32) {
    %c0_i32 = arith.constant 0 : i32
    %c0_i32_0 = arith.constant 0 : i32
    return %arg0, %c0_i32 : i32, i32
  }
  func.func @transform_1(%arg0: i32) -> (i32, i32) {
    %c0_i32 = arith.constant 0 : i32
    %c0_i32_0 = arith.constant 0 : i32
    %c0_i32_1 = arith.constant 0 : i32
    return %c0_i32, %c0_i32_0 : i32, i32
  }
  func.func @transform_2(%arg0: i32) -> (i32, i32) {
    %c0_i32 = arith.constant 0 : i32
    %c0_i32_0 = arith.constant 0 : i32
    %c0_i32_1 = arith.constant 0 : i32
    return %c0_i32, %c0_i32_0 : i32, i32
  }
  func.func @transform_3(%arg0: i32) -> (i32, i32) {
    %c0_i32 = arith.constant 0 : i32
    %c0_i32_0 = arith.constant 0 : i32
    %c0_i32_1 = arith.constant 0 : i32
    return %c0_i32, %c0_i32_0 : i32, i32
  }
  func.func @transform_4(%arg0: i32) -> (i32, i32) {
    %c0_i32 = arith.constant 0 : i32
    %c0_i32_0 = arith.constant 0 : i32
    %c0_i32_1 = arith.constant 0 : i32
    return %c0_i32, %c0_i32_0 : i32, i32
  }
  func.func @transform_5(%arg0: i32) -> (i32, i32) {
    %c0_i32 = arith.constant 0 : i32
    %c0_i32_0 = arith.constant 0 : i32
    return %arg0, %c0_i32 : i32, i32
  }
  func.func @transform_6(%arg0: i32) -> (i32, i32) {
    %c0_i32 = arith.constant 0 : i32
    %c0_i32_0 = arith.constant 0 : i32
    return %arg0, %c0_i32 : i32, i32
  }
  func.func @transform_7(%arg0: i32) -> (i32, i32) {
    %c0_i32 = arith.constant 0 : i32
    %c0_i32_0 = arith.constant 0 : i32
    return %arg0, %c0_i32 : i32, i32
  }
}

module attributes {stable_mosaic.version = 14 : i64} {
  func.func @_pool_kernel(%arg0: i32, %arg1: memref<1000x256xf32, #tpu.memory_space<vmem>>, %arg2: memref<1000x256xf32, #tpu.memory_space<vmem>>, %arg3: memref<1000x1xi32, #tpu.memory_space<vmem>>, %arg4: memref<1x256xf32, #tpu.memory_space<vmem>>, %arg5: memref<256x1xf32, #tpu.memory_space<vmem>>, %arg6: memref<1x1xf32, #tpu.memory_space<vmem>>, %arg7: memref<64x1xf32, #tpu.memory_space<vmem>>, %arg8: memref<64x256xf32, #tpu.memory_space<vmem>>, %arg9: memref<64x8xf32, #tpu.memory_space<vmem>>) attributes {dimension_semantics = [#tpu.dimension_semantics<arbitrary>], iteration_bounds = array<i64: 10>, scalar_prefetch = 0 : i64, scratch_operands = 2 : i64, tpu.core_type = #tpu.core_type<tc>, window_params = [{transform_indices = @transform_0, window_bounds = array<i64: 1000, 256>}, {transform_indices = @transform_1, window_bounds = array<i64: 1000, 256>}, {transform_indices = @transform_2, window_bounds = array<i64: 1000, 1>}, {pipeline_mode = #tpu.pipeline_mode<synchronous>, transform_indices = @transform_3, window_bounds = array<i64: 1, 256>}, {pipeline_mode = #tpu.pipeline_mode<synchronous>, transform_indices = @transform_4, window_bounds = array<i64: 256, 1>}, {pipeline_mode = #tpu.pipeline_mode<synchronous>, transform_indices = @transform_5, window_bounds = array<i64: 1, 1>}, {pipeline_mode = #tpu.pipeline_mode<synchronous>, transform_indices = @transform_6, window_bounds = array<i64: 64, 1>}]} {
    %get3A = arith.constant 0 : index
    %get3A_0 = arith.constant 0 : index
    %get3A_1 = vector.load %arg1[%get3A, %get3A_0] : memref<1000x256xf32, #tpu.memory_space<vmem>>, vector<1000x256xf32>
    %mul3A = arith.constant 5.000000e-01 : f32
    %mul3A_2 = vector.broadcast %mul3A : f32 to vector<1000x256xf32>
    %mul3A_3 = arith.mulf %get3A_1, %mul3A_2 : vector<1000x256xf32>
    %get3A_4 = arith.constant 0 : index
    %get3A_5 = arith.constant 0 : index
    %get3A_6 = vector.load %arg4[%get3A_4, %get3A_5] : memref<1x256xf32, #tpu.memory_space<vmem>>, vector<1x256xf32>
    %add3A = vector.broadcast %get3A_6 : vector<1x256xf32> to vector<1000x256xf32>
    %add3A_7 = arith.addf %mul3A_3, %add3A : vector<1000x256xf32>
    %get3A_8 = arith.constant 0 : index
    %get3A_9 = arith.constant 0 : index
    %get3A_10 = vector.load %arg2[%get3A_8, %get3A_9] : memref<1000x256xf32, #tpu.memory_space<vmem>>, vector<1000x256xf32>
    %max3A = arith.constant 0.000000e+00 : f32
    %max3A_11 = vector.broadcast %max3A : f32 to vector<1000x256xf32>
    %max3A_12 = arith.maximumf %add3A_7, %max3A_11 : vector<1000x256xf32>
    %add3A_13 = arith.addf %get3A_10, %max3A_12 : vector<1000x256xf32>
    %iota3A = tpu.iota {dimensions = array<i32: 1>} : vector<1000x64xi32>
    %get3A_14 = arith.constant 0 : index
    %get3A_15 = arith.constant 0 : index
    %get3A_16 = vector.load %arg3[%get3A_14, %get3A_15] : memref<1000x1xi32, #tpu.memory_space<vmem>>, vector<1000x1xi32>
    %eq3A = vector.broadcast %get3A_16 : vector<1000x1xi32> to vector<1000x64xi32>
    %eq3A_17 = arith.cmpi eq, %eq3A, %iota3A : vector<1000x64xi32>
    %convert_element_type3A = arith.extui %eq3A_17 : vector<1000x64xi1> to vector<1000x64xi32>
    %convert_element_type3A_18 = arith.sitofp %convert_element_type3A : vector<1000x64xi32> to vector<1000x64xf32>
    %dot_general3A = arith.constant dense<0.000000e+00> : vector<64x256xf32>
    %dot_general3A_19 = tpu.matmul %convert_element_type3A_18, %add3A_13, %dot_general3A {dimension_numbers = #tpu.dot_dimension_numbers<[0], [0], [1], [1], [0, 1, 1, 1], [], []>, transpose_lhs_hint = false} : vector<1000x64xf32>, vector<1000x256xf32>, vector<64x256xf32> -> vector<64x256xf32>
    %broadcast_in_dim3A = arith.constant 1.000000e+00 : f32
    %broadcast_in_dim3A_20 = vector.broadcast %broadcast_in_dim3A : f32 to vector<1000x8xf32>
    %dot_general3A_21 = arith.constant dense<0.000000e+00> : vector<64x8xf32>
    %dot_general3A_22 = tpu.matmul %convert_element_type3A_18, %broadcast_in_dim3A_20, %dot_general3A_21 {dimension_numbers = #tpu.dot_dimension_numbers<[0], [0], [1], [1], [0, 1, 1, 1], [], []>, transpose_lhs_hint = false} : vector<1000x64xf32>, vector<1000x8xf32>, vector<64x8xf32> -> vector<64x8xf32>
    %eq3A_23 = arith.constant 0 : i32
    %eq3A_24 = arith.cmpi eq, %arg0, %eq3A_23 : i32
    %convert_element_type3A_25 = arith.extui %eq3A_24 : i1 to i32
    %cond3A = arith.constant 0 : i32
    %cond3A_26 = arith.cmpi ne, %convert_element_type3A_25, %cond3A : i32
    scf.if %cond3A_26 {
      %swap3A = arith.constant 0 : index
      %swap3A_36 = arith.constant 0 : index
      %swap3A_37 = vector.load %arg8[%swap3A, %swap3A_36] : memref<64x256xf32, #tpu.memory_space<vmem>>, vector<64x256xf32>
      tpu.vector_store %arg8[%swap3A, %swap3A_36], %dot_general3A_19 {strides = array<i32>} : memref<64x256xf32, #tpu.memory_space<vmem>>, vector<64x256xf32>,
      %swap3A_38 = arith.constant 0 : index
      %swap3A_39 = arith.constant 0 : index
      %swap3A_40 = vector.load %arg9[%swap3A_38, %swap3A_39] : memref<64x8xf32, #tpu.memory_space<vmem>>, vector<64x8xf32>
      tpu.vector_store %arg9[%swap3A_38, %swap3A_39], %dot_general3A_22 {strides = array<i32>} : memref<64x8xf32, #tpu.memory_space<vmem>>, vector<64x8xf32>,
    } else {
    }
    %gt3A = arith.constant 0 : i32
    %gt3A_27 = arith.cmpi sgt, %arg0, %gt3A : i32
    %convert_element_type3A_28 = arith.extui %gt3A_27 : i1 to i32
    %cond3A_29 = arith.constant 0 : i32
    %cond3A_30 = arith.cmpi ne, %convert_element_type3A_28, %cond3A_29 : i32
    scf.if %cond3A_30 {
      %get3A_36 = arith.constant 0 : index
      %get3A_37 = arith.constant 0 : index
      %get3A_38 = vector.load %arg8[%get3A_36, %get3A_37] : memref<64x256xf32, #tpu.memory_space<vmem>>, vector<64x256xf32>
      %add3A_39 = arith.addf %get3A_38, %dot_general3A_19 : vector<64x256xf32>
      %swap3A = arith.constant 0 : index
      %swap3A_40 = arith.constant 0 : index
      %swap3A_41 = vector.load %arg8[%swap3A, %swap3A_40] : memref<64x256xf32, #tpu.memory_space<vmem>>, vector<64x256xf32>
      tpu.vector_store %arg8[%swap3A, %swap3A_40], %add3A_39 {strides = array<i32>} : memref<64x256xf32, #tpu.memory_space<vmem>>, vector<64x256xf32>,
      %get3A_42 = arith.constant 0 : index
      %get3A_43 = arith.constant 0 : index
      %get3A_44 = vector.load %arg9[%get3A_42, %get3A_43] : memref<64x8xf32, #tpu.memory_space<vmem>>, vector<64x8xf32>
      %add3A_45 = arith.addf %get3A_44, %dot_general3A_22 : vector<64x8xf32>
      %swap3A_46 = arith.constant 0 : index
      %swap3A_47 = arith.constant 0 : index
      %swap3A_48 = vector.load %arg9[%swap3A_46, %swap3A_47] : memref<64x8xf32, #tpu.memory_space<vmem>>, vector<64x8xf32>
      tpu.vector_store %arg9[%swap3A_46, %swap3A_47], %add3A_45 {strides = array<i32>} : memref<64x8xf32, #tpu.memory_space<vmem>>, vector<64x8xf32>,
    } else {
    }
    %eq3A_31 = arith.constant 9 : i32
    %eq3A_32 = arith.cmpi eq, %arg0, %eq3A_31 : i32
    %convert_element_type3A_33 = arith.extui %eq3A_32 : i1 to i32
    %cond3A_34 = arith.constant 0 : i32
    %cond3A_35 = arith.cmpi ne, %convert_element_type3A_33, %cond3A_34 : i32
    scf.if %cond3A_35 {
      %get3A_36 = arith.constant 0 : index
      %get3A_37 = arith.constant 0 : index
      %get3A_38 = vector.load %arg8[%get3A_36, %get3A_37] : memref<64x256xf32, #tpu.memory_space<vmem>>, vector<64x256xf32>
      %get3A_39 = arith.constant 0 : index
      %get3A_40 = arith.constant 0 : index
      %get3A_41 = vector.load %arg9[%get3A_39, %get3A_40] : memref<64x8xf32, #tpu.memory_space<vmem>>, vector<64x1xf32>
      %max3A_42 = arith.constant 1.000000e+00 : f32
      %max3A_43 = vector.broadcast %max3A_42 : f32 to vector<64x1xf32>
      %max3A_44 = arith.maximumf %get3A_41, %max3A_43 : vector<64x1xf32>
      %div3A = vector.broadcast %max3A_44 : vector<64x1xf32> to vector<64x256xf32>
      %div3A_45 = arith.divf %get3A_38, %div3A : vector<64x256xf32>
      %get3A_46 = arith.constant 0 : index
      %get3A_47 = arith.constant 0 : index
      %get3A_48 = vector.load %arg5[%get3A_46, %get3A_47] : memref<256x1xf32, #tpu.memory_space<vmem>>, vector<256x1xf32>
      %dot_general3A_49 = arith.constant dense<0.000000e+00> : vector<64x1xf32>
      %dot_general3A_50 = tpu.matmul %div3A_45, %get3A_48, %dot_general3A_49 {dimension_numbers = #tpu.dot_dimension_numbers<[1], [0], [0], [1], [0, 0, 1, 1], [], []>, transpose_lhs_hint = false} : vector<64x256xf32>, vector<256x1xf32>, vector<64x1xf32> -> vector<64x1xf32>
      %get3A_51 = arith.constant 0 : index
      %get3A_52 = arith.constant 0 : index
      %get3A_53 = vector.load %arg6[%get3A_51, %get3A_52] : memref<1x1xf32, #tpu.memory_space<vmem>>, vector<1x1xf32>
      %add3A_54 = vector.broadcast %get3A_53 : vector<1x1xf32> to vector<64x1xf32>
      %add3A_55 = arith.addf %dot_general3A_50, %add3A_54 : vector<64x1xf32>
      %logistic3A = arith.negf %add3A_55 : vector<64x1xf32>
      %logistic3A_56 = math.exp %logistic3A : vector<64x1xf32>
      %logistic3A_57 = arith.constant 1.000000e+00 : f32
      %logistic3A_58 = vector.broadcast %logistic3A_57 : f32 to vector<64x1xf32>
      %logistic3A_59 = arith.addf %logistic3A_58, %logistic3A_56 : vector<64x1xf32>
      %logistic3A_60 = arith.divf %logistic3A_58, %logistic3A_59 : vector<64x1xf32>
      %swap3A = arith.constant 0 : index
      %swap3A_61 = arith.constant 0 : index
      %swap3A_62 = vector.load %arg7[%swap3A, %swap3A_61] : memref<64x1xf32, #tpu.memory_space<vmem>>, vector<64x1xf32>
      tpu.vector_store %arg7[%swap3A, %swap3A_61], %logistic3A_60 {strides = array<i32>} : memref<64x1xf32, #tpu.memory_space<vmem>>, vector<64x1xf32>,
    } else {
    }
    return
  }
  func.func @transform_0(%arg0: i32) -> (i32, i32) {
    %c0_i32 = arith.constant 0 : i32
    %c0_i32_0 = arith.constant 0 : i32
    return %arg0, %c0_i32 : i32, i32
  }
  func.func @transform_1(%arg0: i32) -> (i32, i32) {
    %c0_i32 = arith.constant 0 : i32
    %c0_i32_0 = arith.constant 0 : i32
    return %arg0, %c0_i32 : i32, i32
  }
  func.func @transform_2(%arg0: i32) -> (i32, i32) {
    %c0_i32 = arith.constant 0 : i32
    %c0_i32_0 = arith.constant 0 : i32
    return %arg0, %c0_i32 : i32, i32
  }
  func.func @transform_3(%arg0: i32) -> (i32, i32) {
    %c0_i32 = arith.constant 0 : i32
    %c0_i32_0 = arith.constant 0 : i32
    %c0_i32_1 = arith.constant 0 : i32
    return %c0_i32, %c0_i32_0 : i32, i32
  }
  func.func @transform_4(%arg0: i32) -> (i32, i32) {
    %c0_i32 = arith.constant 0 : i32
    %c0_i32_0 = arith.constant 0 : i32
    %c0_i32_1 = arith.constant 0 : i32
    return %c0_i32, %c0_i32_0 : i32, i32
  }
  func.func @transform_5(%arg0: i32) -> (i32, i32) {
    %c0_i32 = arith.constant 0 : i32
    %c0_i32_0 = arith.constant 0 : i32
    %c0_i32_1 = arith.constant 0 : i32
    return %c0_i32, %c0_i32_0 : i32, i32
  }
  func.func @transform_6(%arg0: i32) -> (i32, i32) {
    %c0_i32 = arith.constant 0 : i32
    %c0_i32_0 = arith.constant 0 : i32
    %c0_i32_1 = arith.constant 0 : i32
    return %c0_i32, %c0_i32_0 : i32, i32
  }
}

</mosaic_0001>

<sc_bundles>
// kernel: scatter_offload_async_start.1
scs
__scs_entry_jumppad:
0x0: {  	(pc) =	sbr.rel $0x88, $3  }
0x1: {  	(tag) =	ssettag $0x0;
	lr =	simm.s32 $0x1  }
0x2: {  	[smem:$0x3F95] =	sst lr;
	_ =	strace $0xD0000000  }
0x3: {  	_ = 	snop  }
0x4: {  	_ = 	snop  }
0x5: {  	_ = 	snop  }
0x6: {  	_ = 	snop  }
0x7: {  	_ = 	snop  }
__scs_overlays_trampoline_lowered:
0x8: {  	[smem:$0x3FA4] =	sst s0  }
0x9: {  	[smem:$0x3FA5] =	sst s1  }
0xa: {  	[smem:$0x3FA6] =	sst s2  }
0xb: {  	[smem:$0x3FA7] =	sst s3  }
0xc: {  	[smem:$0x3FA8] =	sst s4  }
0xd: {  	[smem:$0x3FA9] =	sst s5  }
0xe: {  	[smem:$0x3FAA] =	sst s6  }
0xf: {  	[smem:$0x3FAB] =	sst s7  }
0x10: {  	[smem:$0x3FAC] =	sst s8  }
0x11: {  	[smem:$0x3FAD] =	sst s9;
	s0 =	simm.s32 @!p0 $0x0  }
0x12: {  	s1 =	sld [smem:$0x3F93];
	s0 =	simm.s32 @p0 $0x1  }
0x13: {  	[smem:$0x3FAE] =	sst s0;
	s0 =	simm.s32 @!p1 $0x0  }
0x14: {  	s2 =	sld [smem:$0x3F92];
	s0 =	simm.s32 @p1 $0x1  }
0x15: {  	[smem:$0x3FAF] =	sst s0;
	s0 =	simm.s32 @!p2 $0x0  }
0x16: {  	s3 =	sld [smem:$0x3FDB];
	s0 =	simm.s32 @p2 $0x1  }
0x17: {  	s4 =	simm.s32 $0x1BF5;
	[smem:$0x3FB1] =	sst s0  }
0x18: {  	s0 =	sld [smem:$0x3F94];
	_ =	swait.ge [sflag:s4], $0x0  }
0x19: {  	s7 =	sld [smem:$0x3F95]  }
0x1a: {  	s8 =	sadd.s32 $0xFFFFE003, lr  }
0x1b: {  	s9 =	sadd.s32 $0xFFFFFEF7, lr;
	s5 =	simm.s32 $0xFFFFFFFF;
	p2 =	slt.u32 s8, $0xFFFFF086  }
0x1c: {  	p1 =	slt.u32 s9, $0xF7A;
	s5 =	simm.s32 @!p2 $0x0  }
0x1d: {  	s5 =	simm.s32 @p1 $0x1;
	p0 =	seq.s32 s7, s2  }
0x1e: {  	s7 =	smul.u32 @!p0 $0xF7A, s2;
	p2 =	seq.s32 @!p0 s5, $0x0  }
0x1f: {  	s9 =	smul.u32 $0xF7A, s1;
	s8 =	simm.s32 @!p0 $0x1BF5;
	p2 =	por !p2, p0  }
0x20: {  	[sflag:s8] =	ssyncset.s32 @!p0 $0xFFFFF086;
	s6 =	sadd.s32 @!p0 s3, s7;
	s7 =	simm.s32 @!p0 $0x108  }
0x21: {  	s3 =	sadd.s32 s3, s9;
	s6 =	sadd.s32 @!p0 $0x88, s6;
	s7 =	simm.s32 @p2 $0x1082  }
0x22: {  	[simem:s7], [sflag:s8] =	dma.local @!p0 [hbm:s6], $0xF7A  }
0x23: {  	s9 =	sor.u32 $0xD0000000, s2;
	s6 =	simm.s32 $0x108;
	_ =	swait.ge @!p0 [sflag:s8], $0x0  }
0x24: {  	s3 =	sadd.s32 $0x88, s3;
	s6 =	simm.s32 @!p1 $0x1082;
	[sflag:s4] =	ssyncset.s32 $0xFFFFF086  }
0x25: {  	[simem:s6], [sflag:s4] =	dma.local [hbm:s3], $0xF7A  }
0x26: {  	[smem:$0x3F95] =	sst s1;
	(tag) =	ssettag s2;
	_ =	strace s9  }
0x27: {  	s1 =	sld [smem:$0x3FA5]  }
0x28: {  	s2 =	sld [smem:$0x3FA6]  }
0x29: {  	s4 =	sld [smem:$0x3FA8]  }
0x2a: {  	p0 =	seq.s32 s5, $0x0;
	s5 =	sld [smem:$0x3FA9]  }
0x2b: {  	s6 =	sld [smem:$0x3FAA]  }
0x2c: {  	s7 =	sld [smem:$0x3FAB]  }
0x2d: {  	s3 =	simm.s32 $0x108;
	s8 =	sld [smem:$0x3FAC]  }
0x2e: {  	s3 =	simm.s32 @!p0 $0x1082;
	s9 =	sld [smem:$0x3FAD]  }
0x2f: {  	lr =	sadd.s32 s0, s3;
	s0 =	sld [smem:$0x3FA4]  }
0x30: {  	s3 =	sld [smem:$0x3FA7]  }
0x31: {  	[smem:$0x3FB0] =	sst s10  }
0x32: {  	s10 =	sld [smem:$0x3FAE];
	_ =	sdelay $0x3  }
0x33: {  	p0 =	seq.s32 s10, $0x1;
	s10 =	sld [smem:$0x3FB0];
	_ =	sdelay $0x3  }
0x34: {  	[smem:$0x3FB0] =	sst s10  }
0x35: {  	s10 =	sld [smem:$0x3FAF];
	_ =	sdelay $0x3  }
0x36: {  	p1 =	seq.s32 s10, $0x1;
	s10 =	sld [smem:$0x3FB0];
	_ =	sdelay $0x3  }
0x37: {  	[smem:$0x3FB0] =	sst s10  }
0x38: {  	s10 =	sld [smem:$0x3FB1]  }
0x39: {  	_ = 	snop;
	(pc) =	sbr.ind lr, $3  }
0x3a: {  	_ = 	snop  }
0x3b: {  	_ = 	snop  }
0x3c: {  	p2 =	seq.s32 s10, $0x1;
	s10 =	sld [smem:$0x3FB0]  }
0x3d: {  	_ =	shalt  }
0x3e: {  	_ =	shalt  }
0x3f: {  	_ =	shalt  }
0x40: {  	_ =	shalt  }
0x41: {  	_ =	shalt  }
0x42: {  	_ =	shalt  }
0x43: {  	_ =	shalt  }
0x44: {  	_ =	shalt  }
0x45: {  	_ =	shalt  }
0x46: {  	_ =	shalt  }
0x47: {  	_ =	shalt  }
0x48: {  	_ =	shalt  }
0x49: {  	_ =	shalt  }
0x4a: {  	_ =	shalt  }
0x4b: {  	_ =	shalt  }
0x4c: {  	_ =	shalt  }
0x4d: {  	_ =	shalt  }
0x4e: {  	_ =	shalt  }
0x4f: {  	_ =	shalt  }
0x50: {  	_ =	shalt  }
0x51: {  	_ =	shalt  }
0x52: {  	_ =	shalt  }
0x53: {  	_ =	shalt  }
0x54: {  	_ =	shalt  }
0x55: {  	_ =	shalt  }
0x56: {  	_ =	shalt  }
0x57: {  	_ =	shalt  }
0x58: {  	_ =	shalt  }
0x59: {  	_ =	shalt  }
0x5a: {  	_ =	shalt  }
0x5b: {  	_ =	shalt  }
0x5c: {  	_ =	shalt  }
0x5d: {  	_ =	shalt  }
0x5e: {  	_ =	shalt  }
0x5f: {  	_ =	shalt  }
0x60: {  	_ =	shalt  }
0x61: {  	_ =	shalt  }
0x62: {  	_ =	shalt  }
0x63: {  	_ =	shalt  }
0x64: {  	_ =	shalt  }
0x65: {  	_ =	shalt  }
0x66: {  	_ =	shalt  }
0x67: {  	_ =	shalt  }
0x68: {  	_ =	shalt  }
0x69: {  	_ =	shalt  }
0x6a: {  	_ =	shalt  }
0x6b: {  	_ =	shalt  }
0x6c: {  	_ =	shalt  }
0x6d: {  	_ =	shalt  }
0x6e: {  	_ =	shalt  }
0x6f: {  	_ =	shalt  }
0x70: {  	_ =	shalt  }
0x71: {  	_ =	shalt  }
0x72: {  	_ =	shalt  }
0x73: {  	_ =	shalt  }
0x74: {  	_ =	shalt  }
0x75: {  	_ =	shalt  }
0x76: {  	_ =	shalt  }
0x77: {  	_ =	shalt  }
0x78: {  	_ =	shalt  }
0x79: {  	_ =	shalt  }
0x7a: {  	_ =	shalt  }
0x7b: {  	_ =	shalt  }
0x7c: {  	_ =	shalt  }
0x7d: {  	_ =	shalt  }
0x7e: {  	_ =	shalt  }
0x7f: {  	_ =	shalt  }
0x80: {  	_ =	shalt  }
0x81: {  	_ =	shalt  }
0x82: {  	_ =	shalt  }
0x83: {  	_ =	shalt  }
0x84: {  	_ =	shalt  }
0x85: {  	_ =	shalt  }
0x86: {  	_ =	shalt  }
0x87: {  	_ =	shalt  }
.Lfunc_end0:
.L_simem_size_0:
called_computation.1_lowered:
.L_overlay_start_0:
0x88: {  	s0 =	sld [smem:$0x3FD9]  }
0x89: {  	s1 =	sld [smem:$0x3FFE];
	_ =	sdelay $0x3  }
0x8a: {  	s0 =	sadd.s32 s1, s0  }
0x8b: {  	[smem:$0x3FBC] =	sst s0  }
0x8c: {  	_ = 	snop  }
0x8d: {  	(tm) =	ssettm $0x1  }
0x8e: {  	s15 =	sld [smem:$0x3FFB];
	_ =	sdelay $0x3  }
0x8f: {  	_ =	strace s15  }
0x90: {  	s0 =	sld [smem:$0x3FFC];
	_ =	sdelay $0x3  }
0x91: {  	_ =	strace s0  }
0x92: {  	s0 =	sld [smem:$0x3FFD];
	_ =	sdelay $0x3  }
0x93: {  	_ =	strace s0  }
0x94: {  	_ =	strace $0x8FFFFFFF  }
0x95: {  	s16 =	sld [smem:$0x3FDB];
	_ =	sdelay $0x1  }
0x96: {  	s17 =	simm.s32 $_scs_section_size  }
0x97: {  	s2 =	simm.s32 $_size__tile_overlayer_lowered;
	s3 =	simm.s32 $_tile_overlayer_lowered  }
0x98: {  	s20 =	simm.s32 $0x1BFF;
	s19 =	sshll.u32 s3, $0x1;
	s0 =	sadd.s32 s17, s16  }
0x99: {  	s4 =	simm.s32 $0x0;
	s18 =	sshll.u32 s2, $0x1;
	s2 =	sadd.s32 s19, s0  }
0x9a: {  	[timem:s4], [sflag:s20] =	dma.local [hbm:s2], s18  }
0x9b: {  	_ =	swait.ge [sflag:s20], s18  }
0x9c: {  	s1 =	ssub.s32 $0x0, s18;
	[sflag:s20] =	ssyncset.done $0x0  }
0x9d: {  	[sflag:s20] =	ssyncadd.s32 s1;
	_ =	sdelay $0x1  }
0x9e: {  	s21 =	simm.s32 $0x1B8B  }
0x9f: {  	_ =	swait.ge [sflag:s21], $0x1  }
0xa0: {  	[sflag:s21] =	ssyncset.done $0x0  }
0xa1: {  	s23 =	simm.s32 $0x1B8E;
	s22 =	sld [smem:$0x3FFE];
	[sflag:s21] =	ssyncadd.s32 $0xFFFFFFFF  }
0xa2: {  	s24 =	simm.s32 $execute0_lowered;
	[smem:$0x3FD2] =	sst s23  }
0xa3: {  	s2 =	sshll.u32 s24, $0x1;
	_ =	strace $0x80000049;
	[dreg:$0x1] =	wrdreg $0xFFFFFFFF  }
0xa4: {  	s25 =	simm.s32 $_size_execute0_lowered;
	s0 =	sadd.s32 s0, s2;
	[dreg:$0x0] =	wrdreg $0x0  }
0xa5: {  	s2 =	sshll.u32 s25, $0x1;
	[dreg:$0x2] =	wrdreg s0  }
0xa6: {  	[dreg:$0x3] =	wrdreg s2  }
0xa7: {  	[dreg:$0x4] =	wrdreg $0xC0  }
0xa8: {  	_ =	task [dreg:s4], $0x5FFFF  }
0xa9: {  	[dreg:$0x1] =	wrdreg $0xFFFFFFFF  }
0xaa: {  	[dreg:$0x0] =	wrdreg $0x60  }
0xab: {  	[dreg:$0x2] =	wrdreg s22  }
0xac: {  	[dreg:$0x3] =	wrdreg $0x9  }
0xad: {  	_ =	task.clear_ibuf [dreg:s4], $0x4FFFF;
	_ =	strace $0x90000049  }
0xae: {  	s26 =	simm.s32 $0x9;
	_ =	strace $0x8000004B  }
0xaf: {  	_ =	swait.ge [sflag:s26], $0x1  }
0xb0: {  	[sflag:s26] =	ssyncadd.s32 $0xFFFFFFFF  }
0xb1: {  	_ =	strace $0x9000004B  }
0xb2: {  	_ =	sfence  }
0xb3: {  	s28 =	sld [smem:$0x0];
	_ =	sdelay $0x1  }
0xb4: {  	s29 =	srdreg.scid  }
0xb5: {  	s30 =	sshll.u32 s29, $0xD;
	s31 =	sshrl.u32 s29, $0x2  }
0xb6: {  	s1 =	sand.u32 $0x1, s29;
	s2 =	sand.u32 $0x4000, s30;
	s0 =	sadd.s32 s31, s28  }
0xb7: {  	s1 =	sor.u32 s2, s1;
	s0 =	sshll.u32 s0, $0x11  }
0xb8: {  	s0 =	sor.u32 s0, s1  }
0xb9: {  	s0 =	sadd.s32 $0x8F2B, s0  }
0xba: {  	[sflag:s0] =	ssyncadd.remote.s32 $0x1  }
0xbb: {  	_ =	sfence.sel $0xFFFF  }
0xbc: {  	[dreg:$0x0] =	wrdreg $0xFFFFFFFF;
	(pc) =	sbr.abs _section_cstart, $3  }
0xbd: {  	[dreg:$0x1] =	wrdreg $0xFFFFFFFF  }
0xbe: {  	_ =	task.clear_ibuf [dreg:s4], $0x2FFFF;
	_ =	strace $0x9FFFFFFF  }
0xbf: {  	(tm) =	ssettm $0x7FFFFFFF  }
tec
execute0_lowered:
.L_overlay_start_1:
0x0: {  	(tag) =	ssettag $0x1  }
0x1: {  	s8 =	rddreg [dreg:$0x0];
	_ =	strace $0x8000004A;
	s11 =	simm.s32 $0x1  }
0x2: {  	v0 =	vimm.s32 $0x0;
	[sflag:s11] =	ssyncpa.u1 $0x0  }
0x3: {  	[tilespmem:$0x28] =	vst v0  }
0x4: {  	[tilespmem:$0x38] =	vst v0  }
0x5: {  	[tilespmem:$0x48] =	vst v0  }
0x6: {  	[tilespmem:$0x58] =	vst v0  }
0x7: {  	[tilespmem:$0x68] =	vst v0  }
0x8: {  	[tilespmem:$0x78] =	vst v0  }
0x9: {  	[tilespmem:$0x88] =	vst v0  }
0xa: {  	[tilespmem:$0x98] =	vst v0  }
0xb: {  	[tilespmem:$0xA8] =	vst v0  }
0xc: {  	[tilespmem:$0xB8] =	vst v0  }
0xd: {  	[tilespmem:$0xC8] =	vst v0  }
0xe: {  	[tilespmem:$0xD8] =	vst v0  }
0xf: {  	[tilespmem:$0xE8] =	vst v0  }
0x10: {  	[tilespmem:$0xF8] =	vst v0  }
0x11: {  	[tilespmem:$0x108] =	vst v0  }
0x12: {  	[tilespmem:$0x118] =	vst v0  }
0x13: {  	[tilespmem:$0x128] =	vst v0  }
0x14: {  	[tilespmem:$0x138] =	vst v0  }
0x15: {  	[tilespmem:$0x148] =	vst v0  }
0x16: {  	[tilespmem:$0x158] =	vst v0  }
0x17: {  	[tilespmem:$0x168] =	vst v0  }
0x18: {  	[tilespmem:$0x178] =	vst v0  }
0x19: {  	[tilespmem:$0x188] =	vst v0  }
0x1a: {  	[tilespmem:$0x198] =	vst v0  }
0x1b: {  	[tilespmem:$0x1A8] =	vst v0  }
0x1c: {  	[tilespmem:$0x1B8] =	vst v0  }
0x1d: {  	[tilespmem:$0x1C8] =	vst v0  }
0x1e: {  	[tilespmem:$0x1D8] =	vst v0  }
0x1f: {  	[tilespmem:$0x1E8] =	vst v0  }
0x20: {  	[tilespmem:$0x1F8] =	vst v0  }
0x21: {  	[tilespmem:$0x208] =	vst v0  }
0x22: {  	[tilespmem:$0x218] =	vst v0  }
0x23: {  	[tilespmem:$0x228] =	vst v0  }
0x24: {  	[tilespmem:$0x238] =	vst v0  }
0x25: {  	[tilespmem:$0x248] =	vst v0  }
0x26: {  	[tilespmem:$0x258] =	vst v0  }
0x27: {  	[tilespmem:$0x268] =	vst v0  }
0x28: {  	[tilespmem:$0x278] =	vst v0  }
0x29: {  	[tilespmem:$0x288] =	vst v0  }
0x2a: {  	[tilespmem:$0x298] =	vst v0  }
0x2b: {  	[tilespmem:$0x2A8] =	vst v0  }
0x2c: {  	[tilespmem:$0x2B8] =	vst v0  }
0x2d: {  	[tilespmem:$0x2C8] =	vst v0  }
0x2e: {  	[tilespmem:$0x2D8] =	vst v0  }
0x2f: {  	[tilespmem:$0x2E8] =	vst v0  }
0x30: {  	[tilespmem:$0x2F8] =	vst v0  }
0x31: {  	[tilespmem:$0x308] =	vst v0  }
0x32: {  	[tilespmem:$0x318] =	vst v0  }
0x33: {  	[tilespmem:$0x328] =	vst v0  }
0x34: {  	[tilespmem:$0x338] =	vst v0  }
0x35: {  	[tilespmem:$0x348] =	vst v0  }
0x36: {  	[tilespmem:$0x358] =	vst v0  }
0x37: {  	[tilespmem:$0x368] =	vst v0  }
0x38: {  	[tilespmem:$0x378] =	vst v0  }
0x39: {  	[tilespmem:$0x388] =	vst v0  }
0x3a: {  	[tilespmem:$0x398] =	vst v0  }
0x3b: {  	[tilespmem:$0x3A8] =	vst v0  }
0x3c: {  	[tilespmem:$0x3B8] =	vst v0  }
0x3d: {  	[tilespmem:$0x3C8] =	vst v0  }
0x3e: {  	[tilespmem:$0x3D8] =	vst v0  }
0x3f: {  	[tilespmem:$0x3E8] =	vst v0  }
0x40: {  	[tilespmem:$0x3F8] =	vst v0  }
0x41: {  	[tilespmem:$0x408] =	vst v0  }
0x42: {  	[tilespmem:$0x418] =	vst v0  }
0x43: {  	[tilespmem:$0x428] =	vst v0  }
0x44: {  	[tilespmem:$0x438] =	vst v0  }
0x45: {  	[tilespmem:$0x448] =	vst v0  }
0x46: {  	[tilespmem:$0x458] =	vst v0  }
0x47: {  	[tilespmem:$0x468] =	vst v0  }
0x48: {  	[tilespmem:$0x478] =	vst v0  }
0x49: {  	[tilespmem:$0x488] =	vst v0  }
0x4a: {  	[tilespmem:$0x498] =	vst v0  }
0x4b: {  	[tilespmem:$0x4A8] =	vst v0  }
0x4c: {  	[tilespmem:$0x4B8] =	vst v0  }
0x4d: {  	[tilespmem:$0x4C8] =	vst v0  }
0x4e: {  	[tilespmem:$0x4D8] =	vst v0  }
0x4f: {  	[tilespmem:$0x4E8] =	vst v0  }
0x50: {  	[tilespmem:$0x4F8] =	vst v0  }
0x51: {  	[tilespmem:$0x508] =	vst v0  }
0x52: {  	[tilespmem:$0x518] =	vst v0  }
0x53: {  	[tilespmem:$0x528] =	vst v0  }
0x54: {  	[tilespmem:$0x538] =	vst v0  }
0x55: {  	[tilespmem:$0x548] =	vst v0  }
0x56: {  	[tilespmem:$0x558] =	vst v0  }
0x57: {  	[tilespmem:$0x568] =	vst v0  }
0x58: {  	[tilespmem:$0x578] =	vst v0  }
0x59: {  	[tilespmem:$0x588] =	vst v0  }
0x5a: {  	[tilespmem:$0x598] =	vst v0  }
0x5b: {  	[tilespmem:$0x5A8] =	vst v0  }
0x5c: {  	[tilespmem:$0x5B8] =	vst v0  }
0x5d: {  	[tilespmem:$0x5C8] =	vst v0  }
0x5e: {  	[tilespmem:$0x5D8] =	vst v0  }
0x5f: {  	[tilespmem:$0x5E8] =	vst v0  }
0x60: {  	[tilespmem:$0x5F8] =	vst v0  }
0x61: {  	[tilespmem:$0x608] =	vst v0  }
0x62: {  	[tilespmem:$0x618] =	vst v0  }
0x63: {  	[tilespmem:$0x628] =	vst v0  }
0x64: {  	[tilespmem:$0x638] =	vst v0  }
0x65: {  	[tilespmem:$0x648] =	vst v0  }
0x66: {  	[tilespmem:$0x658] =	vst v0  }
0x67: {  	[tilespmem:$0x668] =	vst v0  }
0x68: {  	[tilespmem:$0x678] =	vst v0  }
0x69: {  	[tilespmem:$0x688] =	vst v0  }
0x6a: {  	[tilespmem:$0x698] =	vst v0  }
0x6b: {  	[tilespmem:$0x6A8] =	vst v0  }
0x6c: {  	[tilespmem:$0x6B8] =	vst v0  }
0x6d: {  	[tilespmem:$0x6C8] =	vst v0  }
0x6e: {  	[tilespmem:$0x6D8] =	vst v0  }
0x6f: {  	[tilespmem:$0x6E8] =	vst v0  }
0x70: {  	[tilespmem:$0x6F8] =	vst v0  }
0x71: {  	[tilespmem:$0x708] =	vst v0  }
0x72: {  	[tilespmem:$0x718] =	vst v0  }
0x73: {  	[tilespmem:$0x728] =	vst v0  }
0x74: {  	[tilespmem:$0x738] =	vst v0  }
0x75: {  	[tilespmem:$0x748] =	vst v0  }
0x76: {  	[tilespmem:$0x758] =	vst v0  }
0x77: {  	[tilespmem:$0x768] =	vst v0  }
0x78: {  	[tilespmem:$0x778] =	vst v0  }
0x79: {  	[tilespmem:$0x788] =	vst v0  }
0x7a: {  	[tilespmem:$0x798] =	vst v0  }
0x7b: {  	[tilespmem:$0x7A8] =	vst v0  }
0x7c: {  	[tilespmem:$0x7B8] =	vst v0  }
0x7d: {  	[tilespmem:$0x7C8] =	vst v0  }
0x7e: {  	[tilespmem:$0x7D8] =	vst v0  }
0x7f: {  	[tilespmem:$0x7E8] =	vst v0  }
0x80: {  	[tilespmem:$0x7F8] =	vst v0  }
0x81: {  	[tilespmem:$0x808] =	vst v0  }
0x82: {  	[tilespmem:$0x818] =	vst v0  }
0x83: {  	[tilespmem:$0x828] =	vst v0  }
0x84: {  	[tilespmem:$0x838] =	vst v0  }
0x85: {  	[tilespmem:$0x848] =	vst v0  }
0x86: {  	[tilespmem:$0x858] =	vst v0  }
0x87: {  	[tilespmem:$0x868] =	vst v0  }
0x88: {  	[tilespmem:$0x878] =	vst v0  }
0x89: {  	[tilespmem:$0x888] =	vst v0  }
0x8a: {  	[tilespmem:$0x898] =	vst v0  }
0x8b: {  	[tilespmem:$0x8A8] =	vst v0  }
0x8c: {  	[tilespmem:$0x8B8] =	vst v0  }
0x8d: {  	[tilespmem:$0x8C8] =	vst v0  }
0x8e: {  	[tilespmem:$0x8D8] =	vst v0  }
0x8f: {  	[tilespmem:$0x8E8] =	vst v0  }
0x90: {  	[tilespmem:$0x8F8] =	vst v0  }
0x91: {  	[tilespmem:$0x908] =	vst v0  }
0x92: {  	[tilespmem:$0x918] =	vst v0  }
0x93: {  	[tilespmem:$0x928] =	vst v0  }
0x94: {  	[tilespmem:$0x938] =	vst v0  }
0x95: {  	[tilespmem:$0x948] =	vst v0  }
0x96: {  	[tilespmem:$0x958] =	vst v0  }
0x97: {  	[tilespmem:$0x968] =	vst v0  }
0x98: {  	[tilespmem:$0x978] =	vst v0  }
0x99: {  	[tilespmem:$0x988] =	vst v0  }
0x9a: {  	[tilespmem:$0x998] =	vst v0  }
0x9b: {  	[tilespmem:$0x9A8] =	vst v0  }
0x9c: {  	[tilespmem:$0x9B8] =	vst v0  }
0x9d: {  	[tilespmem:$0x9C8] =	vst v0  }
0x9e: {  	[tilespmem:$0x9D8] =	vst v0  }
0x9f: {  	[tilespmem:$0x9E8] =	vst v0  }
0xa0: {  	[tilespmem:$0x9F8] =	vst v0  }
0xa1: {  	[tilespmem:$0xA08] =	vst v0  }
0xa2: {  	[tilespmem:$0xA18] =	vst v0  }
0xa3: {  	[tilespmem:$0xA28] =	vst v0  }
0xa4: {  	[tilespmem:$0xA38] =	vst v0  }
0xa5: {  	[tilespmem:$0xA48] =	vst v0  }
0xa6: {  	[tilespmem:$0xA58] =	vst v0  }
0xa7: {  	[tilespmem:$0xA68] =	vst v0  }
0xa8: {  	[tilespmem:$0xA78] =	vst v0  }
0xa9: {  	[tilespmem:$0xA88] =	vst v0  }
0xaa: {  	[tilespmem:$0xA98] =	vst v0  }
0xab: {  	[tilespmem:$0xAA8] =	vst v0  }
0xac: {  	[tilespmem:$0xAB8] =	vst v0  }
0xad: {  	[tilespmem:$0xAC8] =	vst v0  }
0xae: {  	[tilespmem:$0xAD8] =	vst v0  }
0xaf: {  	[tilespmem:$0xAE8] =	vst v0  }
0xb0: {  	[tilespmem:$0xAF8] =	vst v0  }
0xb1: {  	[tilespmem:$0xB08] =	vst v0  }
0xb2: {  	[tilespmem:$0xB18] =	vst v0  }
0xb3: {  	[tilespmem:$0xB28] =	vst v0  }
0xb4: {  	[tilespmem:$0xB38] =	vst v0  }
0xb5: {  	[tilespmem:$0xB48] =	vst v0  }
0xb6: {  	[tilespmem:$0xB58] =	vst v0  }
0xb7: {  	[tilespmem:$0xB68] =	vst v0  }
0xb8: {  	[tilespmem:$0xB78] =	vst v0  }
0xb9: {  	[tilespmem:$0xB88] =	vst v0  }
0xba: {  	[tilespmem:$0xB98] =	vst v0  }
0xbb: {  	[tilespmem:$0xBA8] =	vst v0  }
0xbc: {  	[tilespmem:$0xBB8] =	vst v0  }
0xbd: {  	[tilespmem:$0xBC8] =	vst v0  }
0xbe: {  	[tilespmem:$0xBD8] =	vst v0  }
0xbf: {  	[tilespmem:$0xBE8] =	vst v0  }
0xc0: {  	[tilespmem:$0xBF8] =	vst v0  }
0xc1: {  	[tilespmem:$0xC08] =	vst v0  }
0xc2: {  	[tilespmem:$0xC18] =	vst v0  }
0xc3: {  	[tilespmem:$0xC28] =	vst v0  }
0xc4: {  	[tilespmem:$0xC38] =	vst v0  }
0xc5: {  	[tilespmem:$0xC48] =	vst v0  }
0xc6: {  	[tilespmem:$0xC58] =	vst v0  }
0xc7: {  	[tilespmem:$0xC68] =	vst v0  }
0xc8: {  	[tilespmem:$0xC78] =	vst v0  }
0xc9: {  	[tilespmem:$0xC88] =	vst v0  }
0xca: {  	[tilespmem:$0xC98] =	vst v0  }
0xcb: {  	[tilespmem:$0xCA8] =	vst v0  }
0xcc: {  	[tilespmem:$0xCB8] =	vst v0  }
0xcd: {  	[tilespmem:$0xCC8] =	vst v0  }
0xce: {  	[tilespmem:$0xCD8] =	vst v0  }
0xcf: {  	[tilespmem:$0xCE8] =	vst v0  }
0xd0: {  	[tilespmem:$0xCF8] =	vst v0  }
0xd1: {  	[tilespmem:$0xD08] =	vst v0  }
0xd2: {  	[tilespmem:$0xD18] =	vst v0  }
0xd3: {  	[tilespmem:$0xD28] =	vst v0  }
0xd4: {  	[tilespmem:$0xD38] =	vst v0  }
0xd5: {  	[tilespmem:$0xD48] =	vst v0  }
0xd6: {  	[tilespmem:$0xD58] =	vst v0  }
0xd7: {  	[tilespmem:$0xD68] =	vst v0  }
0xd8: {  	[tilespmem:$0xD78] =	vst v0  }
0xd9: {  	[tilespmem:$0xD88] =	vst v0  }
0xda: {  	[tilespmem:$0xD98] =	vst v0  }
0xdb: {  	[tilespmem:$0xDA8] =	vst v0  }
0xdc: {  	[tilespmem:$0xDB8] =	vst v0  }
0xdd: {  	[tilespmem:$0xDC8] =	vst v0  }
0xde: {  	[tilespmem:$0xDD8] =	vst v0  }
0xdf: {  	[tilespmem:$0xDE8] =	vst v0  }
0xe0: {  	[tilespmem:$0xDF8] =	vst v0  }
0xe1: {  	[tilespmem:$0xE08] =	vst v0  }
0xe2: {  	[tilespmem:$0xE18] =	vst v0  }
0xe3: {  	[tilespmem:$0xE28] =	vst v0  }
0xe4: {  	[tilespmem:$0xE38] =	vst v0  }
0xe5: {  	[tilespmem:$0xE48] =	vst v0  }
0xe6: {  	[tilespmem:$0xE58] =	vst v0  }
0xe7: {  	[tilespmem:$0xE68] =	vst v0  }
0xe8: {  	[tilespmem:$0xE78] =	vst v0  }
0xe9: {  	[tilespmem:$0xE88] =	vst v0  }
0xea: {  	[tilespmem:$0xE98] =	vst v0  }
0xeb: {  	[tilespmem:$0xEA8] =	vst v0  }
0xec: {  	[tilespmem:$0xEB8] =	vst v0  }
0xed: {  	[tilespmem:$0xEC8] =	vst v0  }
0xee: {  	[tilespmem:$0xED8] =	vst v0  }
0xef: {  	[tilespmem:$0xEE8] =	vst v0  }
0xf0: {  	[tilespmem:$0xEF8] =	vst v0  }
0xf1: {  	[tilespmem:$0xF08] =	vst v0  }
0xf2: {  	[tilespmem:$0xF18] =	vst v0  }
0xf3: {  	[tilespmem:$0xF28] =	vst v0  }
0xf4: {  	[tilespmem:$0xF38] =	vst v0  }
0xf5: {  	[tilespmem:$0xF48] =	vst v0  }
0xf6: {  	[tilespmem:$0xF58] =	vst v0  }
0xf7: {  	[tilespmem:$0xF68] =	vst v0  }
0xf8: {  	[tilespmem:$0xF78] =	vst v0  }
0xf9: {  	[tilespmem:$0xF88] =	vst v0  }
0xfa: {  	[tilespmem:$0xF98] =	vst v0  }
0xfb: {  	[tilespmem:$0xFA8] =	vst v0  }
0xfc: {  	[tilespmem:$0xFB8] =	vst v0  }
0xfd: {  	[tilespmem:$0xFC8] =	vst v0  }
0xfe: {  	[tilespmem:$0xFD8] =	vst v0  }
0xff: {  	[tilespmem:$0xFE8] =	vst v0  }
0x100: {  	[tilespmem:$0xFF8] =	vst v0  }
0x101: {  	[tilespmem:$0x1018] =	vst v0  }
0x102: {  	[tilespmem:$0x10D8] =	vst v0  }
0x103: {  	[tilespmem:$0x1B28] =	vst v0  }
0x104: {  	[tilespmem:$0x1B18] =	vst v0  }
0x105: {  	[tilespmem:$0x1B08] =	vst v0  }
0x106: {  	[tilespmem:$0x1AF8] =	vst v0  }
0x107: {  	[tilespmem:$0x1AE8] =	vst v0  }
0x108: {  	[tilespmem:$0x1AD8] =	vst v0  }
0x109: {  	[tilespmem:$0x1AC8] =	vst v0  }
0x10a: {  	[tilespmem:$0x1AB8] =	vst v0  }
0x10b: {  	[tilespmem:$0x1AA8] =	vst v0  }
0x10c: {  	[tilespmem:$0x1A98] =	vst v0  }
0x10d: {  	[tilespmem:$0x1A88] =	vst v0  }
0x10e: {  	[tilespmem:$0x1A78] =	vst v0  }
0x10f: {  	[tilespmem:$0x1A68] =	vst v0  }
0x110: {  	[tilespmem:$0x1A58] =	vst v0  }
0x111: {  	[tilespmem:$0x1A48] =	vst v0  }
0x112: {  	[tilespmem:$0x1A38] =	vst v0  }
0x113: {  	[tilespmem:$0x1A28] =	vst v0  }
0x114: {  	[tilespmem:$0x1A18] =	vst v0  }
0x115: {  	[tilespmem:$0x1A08] =	vst v0  }
0x116: {  	[tilespmem:$0x19F8] =	vst v0  }
0x117: {  	[tilespmem:$0x19E8] =	vst v0  }
0x118: {  	[tilespmem:$0x19D8] =	vst v0  }
0x119: {  	[tilespmem:$0x19C8] =	vst v0  }
0x11a: {  	[tilespmem:$0x19B8] =	vst v0  }
0x11b: {  	[tilespmem:$0x19A8] =	vst v0  }
0x11c: {  	[tilespmem:$0x1998] =	vst v0  }
0x11d: {  	[tilespmem:$0x1988] =	vst v0  }
0x11e: {  	[tilespmem:$0x1978] =	vst v0  }
0x11f: {  	[tilespmem:$0x1968] =	vst v0  }
0x120: {  	[tilespmem:$0x1958] =	vst v0  }
0x121: {  	[tilespmem:$0x1948] =	vst v0  }
0x122: {  	[tilespmem:$0x1938] =	vst v0  }
0x123: {  	[tilespmem:$0x1928] =	vst v0  }
0x124: {  	[tilespmem:$0x1918] =	vst v0  }
0x125: {  	[tilespmem:$0x1908] =	vst v0  }
0x126: {  	[tilespmem:$0x18F8] =	vst v0  }
0x127: {  	[tilespmem:$0x18E8] =	vst v0  }
0x128: {  	[tilespmem:$0x18D8] =	vst v0  }
0x129: {  	[tilespmem:$0x18C8] =	vst v0  }
0x12a: {  	[tilespmem:$0x18B8] =	vst v0  }
0x12b: {  	[tilespmem:$0x18A8] =	vst v0  }
0x12c: {  	[tilespmem:$0x1898] =	vst v0  }
0x12d: {  	[tilespmem:$0x1888] =	vst v0  }
0x12e: {  	[tilespmem:$0x1878] =	vst v0  }
0x12f: {  	[tilespmem:$0x1868] =	vst v0  }
0x130: {  	[tilespmem:$0x1858] =	vst v0  }
0x131: {  	[tilespmem:$0x1848] =	vst v0  }
0x132: {  	[tilespmem:$0x1838] =	vst v0  }
0x133: {  	[tilespmem:$0x1828] =	vst v0  }
0x134: {  	[tilespmem:$0x1818] =	vst v0  }
0x135: {  	[tilespmem:$0x1808] =	vst v0  }
0x136: {  	[tilespmem:$0x17F8] =	vst v0  }
0x137: {  	[tilespmem:$0x17E8] =	vst v0  }
0x138: {  	[tilespmem:$0x17D8] =	vst v0  }
0x139: {  	[tilespmem:$0x17C8] =	vst v0  }
0x13a: {  	[tilespmem:$0x17B8] =	vst v0  }
0x13b: {  	[tilespmem:$0x17A8] =	vst v0  }
0x13c: {  	[tilespmem:$0x1798] =	vst v0  }
0x13d: {  	[tilespmem:$0x1788] =	vst v0  }
0x13e: {  	[tilespmem:$0x1778] =	vst v0  }
0x13f: {  	[tilespmem:$0x1768] =	vst v0  }
0x140: {  	[tilespmem:$0x1758] =	vst v0  }
0x141: {  	[tilespmem:$0x1748] =	vst v0  }
0x142: {  	[tilespmem:$0x1738] =	vst v0  }
0x143: {  	[tilespmem:$0x1728] =	vst v0  }
0x144: {  	[tilespmem:$0x1718] =	vst v0  }
0x145: {  	[tilespmem:$0x1708] =	vst v0  }
0x146: {  	[tilespmem:$0x16F8] =	vst v0  }
0x147: {  	[tilespmem:$0x16E8] =	vst v0  }
0x148: {  	[tilespmem:$0x16D8] =	vst v0  }
0x149: {  	[tilespmem:$0x16C8] =	vst v0  }
0x14a: {  	[tilespmem:$0x16B8] =	vst v0  }
0x14b: {  	[tilespmem:$0x16A8] =	vst v0  }
0x14c: {  	[tilespmem:$0x1698] =	vst v0  }
0x14d: {  	[tilespmem:$0x1688] =	vst v0  }
0x14e: {  	[tilespmem:$0x1678] =	vst v0  }
0x14f: {  	[tilespmem:$0x1668] =	vst v0  }
0x150: {  	[tilespmem:$0x1658] =	vst v0  }
0x151: {  	[tilespmem:$0x1648] =	vst v0  }
0x152: {  	[tilespmem:$0x1638] =	vst v0  }
0x153: {  	[tilespmem:$0x1628] =	vst v0  }
0x154: {  	[tilespmem:$0x1618] =	vst v0  }
0x155: {  	[tilespmem:$0x1608] =	vst v0  }
0x156: {  	[tilespmem:$0x15F8] =	vst v0  }
0x157: {  	[tilespmem:$0x15E8] =	vst v0  }
0x158: {  	[tilespmem:$0x15D8] =	vst v0  }
0x159: {  	[tilespmem:$0x15C8] =	vst v0  }
0x15a: {  	[tilespmem:$0x15B8] =	vst v0  }
0x15b: {  	[tilespmem:$0x15A8] =	vst v0  }
0x15c: {  	[tilespmem:$0x1598] =	vst v0  }
0x15d: {  	[tilespmem:$0x1588] =	vst v0  }
0x15e: {  	[tilespmem:$0x1578] =	vst v0  }
0x15f: {  	[tilespmem:$0x1568] =	vst v0  }
0x160: {  	[tilespmem:$0x1558] =	vst v0  }
0x161: {  	[tilespmem:$0x1548] =	vst v0  }
0x162: {  	[tilespmem:$0x1538] =	vst v0  }
0x163: {  	[tilespmem:$0x1528] =	vst v0  }
0x164: {  	[tilespmem:$0x1518] =	vst v0  }
0x165: {  	[tilespmem:$0x1508] =	vst v0  }
0x166: {  	[tilespmem:$0x14F8] =	vst v0  }
0x167: {  	[tilespmem:$0x14E8] =	vst v0  }
0x168: {  	[tilespmem:$0x14D8] =	vst v0  }
0x169: {  	[tilespmem:$0x14C8] =	vst v0  }
0x16a: {  	[tilespmem:$0x14B8] =	vst v0  }
0x16b: {  	[tilespmem:$0x14A8] =	vst v0  }
0x16c: {  	[tilespmem:$0x1498] =	vst v0  }
0x16d: {  	[tilespmem:$0x1488] =	vst v0  }
0x16e: {  	[tilespmem:$0x1478] =	vst v0  }
0x16f: {  	[tilespmem:$0x1468] =	vst v0  }
0x170: {  	[tilespmem:$0x1458] =	vst v0  }
0x171: {  	[tilespmem:$0x1448] =	vst v0  }
0x172: {  	[tilespmem:$0x1438] =	vst v0  }
0x173: {  	[tilespmem:$0x1428] =	vst v0  }
0x174: {  	[tilespmem:$0x1418] =	vst v0  }
0x175: {  	[tilespmem:$0x1408] =	vst v0  }
0x176: {  	[tilespmem:$0x13F8] =	vst v0  }
0x177: {  	[tilespmem:$0x13E8] =	vst v0  }
0x178: {  	[tilespmem:$0x13D8] =	vst v0  }
0x179: {  	[tilespmem:$0x13C8] =	vst v0  }
0x17a: {  	[tilespmem:$0x13B8] =	vst v0  }
0x17b: {  	[tilespmem:$0x13A8] =	vst v0  }
0x17c: {  	[tilespmem:$0x1398] =	vst v0  }
0x17d: {  	[tilespmem:$0x1388] =	vst v0  }
0x17e: {  	[tilespmem:$0x1378] =	vst v0  }
0x17f: {  	[tilespmem:$0x1368] =	vst v0  }
0x180: {  	[tilespmem:$0x1358] =	vst v0  }
0x181: {  	[tilespmem:$0x1348] =	vst v0  }
0x182: {  	[tilespmem:$0x1338] =	vst v0  }
0x183: {  	[tilespmem:$0x1328] =	vst v0  }
0x184: {  	[tilespmem:$0x1318] =	vst v0  }
0x185: {  	[tilespmem:$0x1308] =	vst v0  }
0x186: {  	[tilespmem:$0x12F8] =	vst v0  }
0x187: {  	[tilespmem:$0x12E8] =	vst v0  }
0x188: {  	[tilespmem:$0x12D8] =	vst v0  }
0x189: {  	[tilespmem:$0x12C8] =	vst v0  }
0x18a: {  	[tilespmem:$0x12B8] =	vst v0  }
0x18b: {  	[tilespmem:$0x12A8] =	vst v0  }
0x18c: {  	[tilespmem:$0x1298] =	vst v0  }
0x18d: {  	[tilespmem:$0x1288] =	vst v0  }
0x18e: {  	[tilespmem:$0x1278] =	vst v0  }
0x18f: {  	[tilespmem:$0x1268] =	vst v0  }
0x190: {  	[tilespmem:$0x1258] =	vst v0  }
0x191: {  	[tilespmem:$0x1248] =	vst v0  }
0x192: {  	[tilespmem:$0x1238] =	vst v0  }
0x193: {  	[tilespmem:$0x1228] =	vst v0  }
0x194: {  	[tilespmem:$0x1218] =	vst v0  }
0x195: {  	[tilespmem:$0x1208] =	vst v0  }
0x196: {  	[tilespmem:$0x11F8] =	vst v0  }
0x197: {  	[tilespmem:$0x11E8] =	vst v0  }
0x198: {  	[tilespmem:$0x11D8] =	vst v0  }
0x199: {  	[tilespmem:$0x11C8] =	vst v0  }
0x19a: {  	[tilespmem:$0x11B8] =	vst v0  }
0x19b: {  	[tilespmem:$0x11A8] =	vst v0  }
0x19c: {  	[tilespmem:$0x1198] =	vst v0  }
0x19d: {  	[tilespmem:$0x1188] =	vst v0  }
0x19e: {  	[tilespmem:$0x1178] =	vst v0  }
0x19f: {  	[tilespmem:$0x1168] =	vst v0  }
0x1a0: {  	[tilespmem:$0x1158] =	vst v0  }
0x1a1: {  	[tilespmem:$0x1148] =	vst v0  }
0x1a2: {  	[tilespmem:$0x1138] =	vst v0  }
0x1a3: {  	[tilespmem:$0x1128] =	vst v0  }
0x1a4: {  	[tilespmem:$0x1118] =	vst v0  }
0x1a5: {  	s2 =	stileid.u32;
	[tilespmem:$0x1108] =	vst v0  }
0x1a6: {  	s0 =	smul.u32 $0x2F, s2;
	[tilespmem:$0x10F8] =	vst v0  }
0x1a7: {  	s1 =	smin.u32 s2, $0xC;
	[tilespmem:$0x10E8] =	vst v0  }
0x1a8: {  	[tilespmem:$0x10B8] =	vst v0;
	s0 =	sadd.s32 s1, s0  }
0x1a9: {  	p0 =	slt.u32 s2, $0xC;
	[tilespmem:$0x10C8] =	vst v0;
	s1 =	simm.s32 $0x5100;
	s3 =	smul.u32 $0x1B0, s0  }
0x1aa: {  	s1 =	simm.s32 @!p0 $0x4F50;
	[tilespmem:$0x10A8] =	vst v0  }
0x1ab: {  	[tilespmem:$0x1038] =	vst v0;
	s0 =	sadd.s32 s1, s3  }
0x1ac: {  	[tilespmem:$0x1098] =	vst v0;
	s4 =	smin.u32 s0, $0x50910  }
0x1ad: {  	[tilespmem:$0x1088] =	vst v0;
	s0 =	ssub.s32 s4, s3  }
0x1ae: {  	s5 =	simm.s32 $0x2;
	s29 =	simm.s32 $0x7;
	[tilespmem:$0x1078] =	vst v0;
	p0 =	sgt.s32 s0, $0x0  }
0x1af: {  	s13 =	simm.s32 $0x8;
	s30 =	simm.s32 $0x9;
	[tilespmem:$0x1068] =	vst v0;
	s0 =	simm.s32 @!p0 $0x0  }
0x1b0: {  	p4 =	por $0x0, $0x0;
	s14 =	simm.s32 $0xA;
	[tilespmem:$0x1058] =	vst v0;
	s6 =	smulhi.u32 $0x4BDA12F7, s0  }
0x1b1: {  	s18 =	simm.s32 $0x0;
	s15 =	simm.s32 $0x0;
	s17 =	simm.s32 $0x0;
	[tilespmem:$0x1048] =	vst v0  }
0x1b2: {  	s7 =	sadd.s32 $0x638C00, s8;
	s31 =	sshll.u32 s2, $0x5;
	[tilespmem:$0x1028] =	vst v0;
	s12 =	sshrl.u32 s6, $0x7  }
0x1b3: {  	[tilespmem:$0x1008] =	vst v0;
	[sflag:s5] =	ssyncpa.u1 $0x0;
	v0 =	vimm.s32 $0xFFFFFFFF;
	s5 =	sadd.s32 $0xFE600, s8;
	s10 =	smul.u32 $0x1B0, s12  }
.Ltmp0:
0x1b4: {  	[dreg:$0x2] =	wrdreg s31;
	[tilespmem:$0x3648] =	vst v0;
	[sflag:s29] =	ssyncpa.u1 $0x0;
	(pc) =	sbr.rel .LBB2_1-.Ltmp0, $4  }
0x1b5: {  	[sflag:s13] =	ssyncpa.u1 $0x0;
	s13 =	simm.s32 $0x0;
	p0 =	sne.s32 s0, s10  }
0x1b6: {  	[sflag:s30] =	ssyncpa.u1 $0x0;
	s1 =	sadd.s32 $0x12FA00, s8;
	s11 =	simm.s32 @!p0 $0x0  }
0x1b7: {  	s16 =	smov.u32 s3;
	[dreg:$0x3] =	wrdreg s3;
	s11 =	sadd.s32 s11, s12  }
0x1b8: {  	v0 =	vlaneseq.u32;
	s6 =	sadd.s32 $0xF4400, s8;
	p0 =	por $0x1, $0x1;
	s8 =	sadd.s32 $0x1, s11  }
.LBB2_18:
0x1b9: {  	s0 =	simm.s32 $0x2  }
0x1ba: {  	_ =	swait.ge [sflag:s0], $0x0  }
0x1bb: {  	[sflag:s0] =	ssyncset.done $0x0;
	s0 =	simm.s32 $0x0  }
.LBB2_19:
0x1bc: {  	_ =	swait.ge [sflag:s14], s0  }
0x1bd: {  	s31 =	ssub.s32 $0x0, s0;
	v1 =	vmov s20;
	vm0 =	veq.s32 v0, $0x0;
	[sflag:s14] =	ssyncset.done $0x0  }
0x1be: {  	vm15 =	veq.s32 v0, $0x2;
	v1 =	vsel vm0, s24, v1;
	[sflag:s14] =	ssyncadd.s32 s31  }
0x1bf: {  	v1 =	vsel vm15, s18, v1;
	[sflag:s14] =	ssyncpa.u1 $0x1  }
0x1c0: {  	[tilespmem:$0x3648] =	vst v1  }
.LBB2_20:
0x1c1: {  	s0 =	sadd.s32 $0x1B0, s16  }
0x1c2: {  	s2 =	smov.u32 s3;
	p1 =	slt.s32 s0, s4  }
0x1c3: {  	s2 =	smov.u32 @p1 s0;
	p1 =	sne.s32 s17, s8  }
.Ltmp1:
0x1c4: {  	_ = 	snop;
	(pc) =	sbr.rel @!p1 .LBB2_21-.Ltmp1, $4  }
0x1c5: {  	_ = 	snop  }
0x1c6: {  	s18 =	smov.u32 s15  }
0x1c7: {  	s31 =	sadd.s32 $0x1, s17;
	s15 =	smov.u32 s16;
	p0 =	por !p0, !p0  }
0x1c8: {  	p4 =	por !p4, !p4;
	s17 =	smov.u32 s31;
	s16 =	smov.u32 s2  }
.LBB2_1:
0x1c9: {  	p2 =	sge.u32 s17, s11  }
0x1ca: {  	s0 =	smulhi.u32 @!p2 $0xAAAAAAAB, s17  }
0x1cb: {  	s19 =	smov.u32 s16;
	p3 =	sgt.s32 @!p2 s16, $0x50760  }
0x1cc: {  	s20 =	sshra.s32 @!p2 s16, $0x1F;
	p3 =	por !p3, p2;
	s0 =	sshrl.u32 @!p2 s0, $0x1  }
0x1cd: {  	s20 =	sand.u32 @!p2 s20, s16;
	s19 =	simm.s32 @p3 $0x50760;
	s0 =	smul.u32 @!p2 $0x3, s0  }
0x1ce: {  	s19 =	ssub.s32 @!p2 s19, s20  }
0x1cf: {  	s19 =	sadd.s32 @!p2 $0xFFFAF8A0, s19;
	s0 =	ssub.s32 @!p2 s17, s0  }
0x1d0: {  	s20 =	sshll.u32 @!p2 s19, $0x2;
	p3 =	sgt.s32 @!p2 s19, $0x1AF;
	s0 =	smul.u32 @!p2 $0x6C0, s0  }
0x1d1: {  	s21 =	sand.u32 @!p2 $0x7, s16;
	s19 =	ssub.s32 @!p2 $0x6C0, s20;
	p3 =	por !p3, p2  }
0x1d2: {  	s20 =	sshrl.u32 @!p2 s16, $0x3;
	s19 =	sshrl.u32 @!p2 s19, $0x2;
	s0 =	sshrl.u32 @!p2 s0, $0x2  }
0x1d3: {  	s20 =	sadd.s32 @!p2 s5, s20;
	s19 =	simm.s32 @!p3 $0x0;
	s0 =	sadd.s32 @!p2 $0x3878, s0  }
0x1d4: {  	[tilespmem:s0], [sflag:$0x8] =	stream.linear.gather @!p2 [hbm4b:s20+s21], s19, $0x38;
	[tilespmem:$0x1F0E8] =	vst v63  }
0x1d5: {  	s20 =	sadd.s32 $0xFFFFFFFF, s17  }
0x1d6: {  	p2 =	sge.u32 s20, s11  }
0x1d7: {  	p3 =	sgt.s32 @!p2 s15, $0x50760  }
0x1d8: {  	s0 =	smov.u32 s15;
	s19 =	sshra.s32 @!p2 s15, $0x1F;
	p3 =	por !p3, p2  }
0x1d9: {  	s19 =	sand.u32 @!p2 s19, s15;
	s0 =	simm.s32 @p3 $0x50760  }
0x1da: {  	s0 =	ssub.s32 @!p2 s0, s19  }
0x1db: {  	s0 =	sadd.s32 @!p2 $0xFFFAF8A0, s0  }
0x1dc: {  	s19 =	sshll.u32 @!p2 s0, $0x2  }
0x1dd: {  	p3 =	sgt.s32 @!p2 s0, $0x1AF;
	s0 =	ssub.s32 @!p2 $0x6C0, s19  }
0x1de: {  	p3 =	por !p3, p2;
	s0 =	sshrl.u32 @!p2 s0, $0x2  }
0x1df: {  	s21 =	simm.s32 @!p2 $0x8;
	s19 =	sand.u32 @!p2 $0x1, s20;
	s0 =	simm.s32 @!p3 $0x0  }
0x1e0: {  	s19 =	smul.u32 @!p2 $0x6C0, s19;
	_ =	swait.ge @!p2 [sflag:s21], s0  }
0x1e1: {  	s22 =	ssub.s32 @!p2 $0x0, s0;
	[sflag:s21] =	ssyncset.done @!p2 $0x0  }
0x1e2: {  	s19 =	sshrl.u32 @!p2 s19, $0x2;
	[sflag:s21] =	ssyncadd.s32 @!p2 s22;
	s21 =	sshrl.u32 @!p2 s15, $0x3  }
0x1e3: {  	s19 =	sadd.s32 @!p2 $0x3D88, s19;
	s22 =	sand.u32 @!p2 $0x7, s15;
	s21 =	sadd.s32 @!p2 s6, s21  }
0x1e4: {  	[tilespmem:s19], [sflag:$0x9] =	stream.linear.gather @!p2 [hbm4b:s21+s22], s0, $0x38;
	[tilespmem:$0x1F0E8] =	vst v63  }
0x1e5: {  	s19 =	ssub.s32 @!p2 $0x50910, s15  }
0x1e6: {  	p3 =	slt.s32 @!p2 s19, $0x1  }
0x1e7: {  	p3 =	por p2, p3  }
.Ltmp2:
0x1e8: {  	_ = 	snop;
	(pc) =	sbr.rel @p3 .LBB2_7-.Ltmp2, $1  }
0x1e9: {  	_ =	sdelay $0x3  }
0x1ea: {  	s0 =	smulhi.u32 $0xAAAAAAAB, s20;
	_ =	sdelay $0x1  }
0x1eb: {  	s0 =	sshrl.u32 s0, $0x1  }
0x1ec: {  	s0 =	smul.u32 $0x3, s0;
	_ =	sdelay $0x1  }
0x1ed: {  	s0 =	ssub.s32 s20, s0  }
0x1ee: {  	s21 =	simm.s32 $0x1;
	s0 =	smul.u32 $0x6C0, s0  }
.Ltmp3:
0x1ef: {  	s21 =	simm.s32 @!p0 $0x0;
	(pc) =	sbr.rel .LBB2_4-.Ltmp3, $4  }
0x1f0: {  	s31 =	smul.u32 $0x36000, s21  }
0x1f1: {  	p3 =	slt.s32 @!p2 s19, $0x1B0;
	s0 =	sshrl.u32 s0, $0x2  }
0x1f2: {  	p2 =	por !p3, p2;
	s20 =	sshrl.u32 s31, $0x2;
	s0 =	sadd.s32 $0x3878, s0  }
0x1f3: {  	s19 =	simm.s32 @p2 $0x1B0;
	s21 =	simm.s32 $0x0;
	s20 =	sadd.s32 $0x40E8, s20;
	v1 =	vmov s0  }
.LBB2_3:
0x1f4: {  	p2 =	sge.s32 s21, s19  }
.Ltmp4:
0x1f5: {  	_ = 	snop;
	(pc) =	sbr.rel @p2 .LBB2_7-.Ltmp4, $2  }
0x1f6: {  	_ =	sdelay $0x2  }
0x1f7: {  	s20 =	sadd.s32 $0x800, s20  }
.LBB2_4:
0x1f8: {  	p2 =	sle.s32 s19, s21  }
.Ltmp5:
0x1f9: {  	_ = 	snop;
	(pc) =	sbr.rel @p2 .LBB2_3-.Ltmp5, $2  }
0x1fa: {  	_ =	sdelay $0x2  }
0x1fb: {  	s22 =	smov.u32 s21;
	s21 =	sadd.s32 $0x10, s21  }
0x1fc: {  	s0 =	ssub.s32 s19, s22  }
0x1fd: {  	p2 =	slt.s32 s0, $0x10  }
0x1fe: {  	s0 =	simm.s32 @!p2 $0x10  }
0x1ff: {  	v2 =	vmov s0  }
0x200: {  	vm0 =	vgt.s32 v2, v0;
	_ =	sdelay $0x5  }
0x201: {  	v2 =	vld.idx.msk [tilespmem:v1+s22+$0x0 ss:$0x1], vm0;
	_ =	sdelay $0x2  }
0x202: {  	s23 =	smov.u32 s19;
	p2 =	slt.s32 s21, s19  }
0x203: {  	s24 =	smov.u32 s20;
	s25 =	simm.s32 $0x0;
	s23 =	smov.u32 @p2 s21  }
.LBB2_6:
0x204: {  	(v2sf) =	vpush v2, s25;
	_ =	sdelay $0xc  }
0x205: {  	s25 =	sadd.s32 $0x1, s25  }
0x206: {  	s31 =	sadd.s32 s25, s22  }
0x207: {  	p2 =	slt.s32 s31, s23;
	s0 =	spop (v2sf)  }
.Ltmp6:
0x208: {  	s0 =	sshll.u32 s0, $0x4;
	(pc) =	sbr.rel @p2 .LBB2_6-.Ltmp6, $4  }
0x209: {  	s0 =	sand.u32 $0x1FFFFFF0, s0  }
0x20a: {  	s0 =	sadd.s32 s7, s0  }
0x20b: {  	[tilespmem:s24], [sflag:$0x7] =	stream.linear.gather [hbm4b:s0+s13], $0x2, $0x38;
	[tilespmem:$0x1F0E8] =	vst v63  }
0x20c: {  	s24 =	sadd.s32 $0x80, s24  }
.Ltmp7:
0x20d: {  	_ = 	snop;
	(pc) =	sbr.rel .LBB2_3-.Ltmp7, $1  }
0x20e: {  	_ =	sdelay $0x3  }
.LBB2_7:
0x20f: {  	p2 =	slt.u32 s17, $0x2  }
.Ltmp8:
0x210: {  	_ = 	snop;
	(pc) =	sbr.rel @p2 .LBB2_20-.Ltmp8, $1  }
0x211: {  	_ =	sdelay $0x3  }
0x212: {  	p2 =	sgt.s32 s18, $0x50760;
	s0 =	smov.u32 s18  }
0x213: {  	s19 =	sshra.s32 s18, $0x1F;
	s20 =	ssub.s32 $0x50910, s18;
	s0 =	simm.s32 @!p2 $0x50760  }
0x214: {  	s19 =	sand.u32 s19, s18;
	p2 =	slt.s32 s20, $0x1B0;
	s21 =	smov.u32 s20  }
0x215: {  	s0 =	ssub.s32 s0, s19;
	s21 =	simm.s32 @!p2 $0x1B0  }
0x216: {  	s0 =	sadd.s32 $0xFFFAF8A0, s0;
	s26 =	sshll.u32 s21, $0x1  }
0x217: {  	s2 =	simm.s32 $0x7;
	s28 =	sshll.u32 s0, $0x2;
	s19 =	sand.u32 $0x3FFFFFFE, s26  }
0x218: {  	p2 =	sgt.s32 s0, $0x1AF;
	s29 =	ssub.s32 $0x6C0, s28;
	_ =	swait.ge [sflag:s2], s19  }
0x219: {  	s19 =	ssub.s32 $0x0, s19;
	[sflag:s2] =	ssyncset.done $0x0;
	s0 =	sshrl.u32 s29, $0x2  }
0x21a: {  	s30 =	simm.s32 $0x9;
	[sflag:s2] =	ssyncadd.s32 s19;
	s0 =	simm.s32 @p2 $0x0  }
0x21b: {  	_ =	swait.ge [sflag:s30], s0  }
0x21c: {  	s0 =	ssub.s32 $0x0, s0;
	[sflag:s30] =	ssyncset.done $0x0  }
0x21d: {  	[sflag:s30] =	ssyncadd.s32 s0  }
0x21e: {  	v1 =	vld [tilespmem:$0x3648];
	_ =	sdelay $0x4  }
0x21f: {  	(v2sf) =	vpush v1, $0x0  }
0x220: {  	(v2sf) =	vpush v1, $0x1  }
0x221: {  	(v2sf) =	vpush v1, $0x2;
	_ =	sdelay $0x3  }
0x222: {  	s0 =	sadd.s32 $0x1B0, s18  }
0x223: {  	p2 =	slt.s32 s4, s0  }
0x224: {  	s0 =	smov.u32 @p2 s4;
	p2 =	sgt.s32 s20, $0x0  }
0x225: {  	s22 =	ssub.s32 s0, s18;
	s20 =	simm.s32 @!p2 $0x0  }
0x226: {  	p2 =	slt.s32 s20, s22  }
0x227: {  	s22 =	smov.u32 @p2 s20  }
0x228: {  	s21 =	simm.s32 $0x1;
	p2 =	slt.s32 s22, $0x1  }
.Ltmp9:
0x229: {  	s21 =	simm.s32 @!p4 $0x0;
	(pc) =	sbr.rel @p2 .LBB2_12-.Ltmp9, $4  }
0x22a: {  	s31 =	smul.u32 $0x6C0, s21  }
0x22b: {  	s23 =	spop (v2sf)  }
0x22c: {  	s0 =	sshrl.u32 s31, $0x2;
	s25 =	spop (v2sf)  }
0x22d: {  	s19 =	sadd.s32 $0x3D88, s0;
	s18 =	spop (v2sf)  }
0x22e: {  	s0 =	smin.u32 s22, $0x10  }
0x22f: {  	v1 =	vmov s0  }
0x230: {  	p3 =	sgt.s32 s22, $0x10;
	vm1 =	vgt.u32 v1, v0  }
.Ltmp10:
0x231: {  	_ = 	snop;
	(pc) =	sbr.rel @!p3 .LBB2_11-.Ltmp10, $2  }
0x232: {  	_ =	sdelay $0x2  }
0x233: {  	s24 =	simm.s32 $0x10;
	s26 =	sadd.s32 $0xFFFFFFF0, s22;
	s20 =	smov.u32 s19;
	vm0 =	vmmov vm1  }
.LBB2_10:
0x234: {  	s0 =	smin.u32 s26, $0x10;
	s24 =	sadd.s32 $0x10, s24;
	v1 =	vld.msk [tilespmem:s20+$0x0 ss:$0x1], vm1  }
0x235: {  	v2 =	vmov s0;
	p3 =	slt.s32 s24, s22  }
0x236: {  	vm1 =	vgt.u32 v2, v0  }
.Ltmp11:
0x237: {  	(pc) =	sbr.rel @p3 .LBB2_10-.Ltmp11, $3  }
0x238: {  	_ =	sdelay $0x1  }
0x239: {  	v1 =	vshll.u32 v1, $0x4  }
0x23a: {  	s26 =	sadd.s32 $0xFFFFFFF0, s26;
	[tilespmem:s20+$0x0] =	vst.msk vm0, v1;
	s20 =	sadd.s32 $0x10, s20;
	vm0 =	vmmov vm1  }
.LBB2_11:
0x23b: {  	_ =	sdelay $0x4  }
0x23c: {  	v1 =	vld.msk [tilespmem:s20+$0x0 ss:$0x1], vm1;
	_ =	sdelay $0x4  }
0x23d: {  	v1 =	vshll.u32 v1, $0x4  }
0x23e: {  	[tilespmem:s20+$0x0] =	vst.msk vm0, v1  }
.LBB2_12:
0x23f: {  	s0 =	sand.u32 $0x1, s17  }
0x240: {  	s0 =	smul.u32 $0x1B0, s0  }
0x241: {  	p3 =	sne.s32 s25, $0xFFFFFFFF  }
0x242: {  	v1 =	vld.msk @!p3 [tilespmem:s0+$0x3D88], $0x1;
	_ =	sdelay $0x4  }
0x243: {  	(v2sf) =	vpush @!p3 v1, $0x0;
	_ =	sdelay $0xc  }
.Ltmp12:
0x244: {  	_ = 	snop;
	(pc) =	sbr.rel @p2 .LBB2_18-.Ltmp12, $4  }
0x245: {  	_ = 	snop  }
0x246: {  	s24 =	spop @!p3 (v2sf)  }
0x247: {  	s18 =	simm.s32 @!p3 $0x0;
	s20 =	smov.u32 s24  }
0x248: {  	[sflag:s14] =	ssyncpa.u1 $0x0;
	s24 =	smov.u32 @p3 s23;
	s20 =	smov.u32 @p3 s25  }
0x249: {  	v1 =	vld.msk [tilespmem:s19+$0x0], $0x1;
	_ =	sdelay $0x4  }
0x24a: {  	(v2sf) =	vpush v1, $0x0;
	_ =	sdelay $0xd  }
0x24b: {  	s0 =	simm.s32 @!p4 $0x0  }
0x24c: {  	s26 =	smul.u32 $0x36000, s21;
	s25 =	ssub.s32 $0x0, s22;
	s28 =	spop (v2sf)  }
0x24d: {  	s0 =	simm.s32 @p4 $0x1;
	s23 =	sadd.s32 $0x1, s25;
	p2 =	seq.s32 s24, s28  }
0x24e: {  	[smem:$0x7FD] =	sst s0;
	s0 =	sshrl.u32 s26, $0x2;
	p3 =	sgt.s32 @!p2 s24, $0x0  }
0x24f: {  	s21 =	sadd.s32 $0x40E8, s0;
	s0 =	smov.u32 s24;
	p3 =	por !p3, p2  }
0x250: {  	s0 =	simm.s32 @p3 $0x0;
	p3 =	seq.s32 s23, $0x0  }
.Ltmp13:
0x251: {  	_ = 	snop;
	(pc) =	sbr.rel @p3 .LBB2_15-.Ltmp13, $4  }
0x252: {  	s3 =	smov.u32 s8;
	s12 =	smov.u32 s5;
	s8 =	smov.u32 s6  }
0x253: {  	s22 =	simm.s32 $0x0;
	s29 =	simm.s32 @!p2 $0x1;
	s0 =	smin.u32 @!p2 s0, $0x270FF  }
0x254: {  	s30 =	simm.s32 @!p2 $0x1B38;
	s29 =	smov.u32 @p2 s22;
	s26 =	sand.u32 @!p2 $0x3FFF8, s0  }
0x255: {  	s31 =	sand.u32 @!p2 $0x7, s0;
	s0 =	sadd.s32 @!p2 s1, s26;
	s26 =	sadd.s32 $0x1, s19  }
.LBB2_14:
0x256: {  	s2 =	smov.u32 s29  }
0x257: {  	[tilespmem:s30], [sflag:$0x2] =	stream.linear.gather @!p2 [hbm4b:s0+s31], $0x2, $0x38;
	[tilespmem:$0x1F0E8] =	vst v63  }
0x258: {  	s23 =	sadd.s32 $0x1, s23;
	s0 =	smov.u32 s28;
	v1 =	vld.msk [tilespmem:s26+$0x0], $0x1  }
0x259: {  	p3 =	seq.s32 s23, $0x0;
	_ =	sdelay $0x3  }
0x25a: {  	(v2sf) =	vpush v1, $0x0;
	_ =	sdelay $0xe  }
0x25b: {  	s28 =	spop (v2sf)  }
0x25c: {  	p2 =	seq.s32 s0, s28  }
0x25d: {  	p4 =	sgt.s32 @!p2 s0, $0x0;
	s30 =	sshll.u32 @!p2 s29, $0x6;
	s29 =	sadd.s32 @!p2 $0x1, s29  }
.Ltmp14:
0x25e: {  	p4 =	por !p4, p2;
	s30 =	sshra.s32 @!p2 s30, $0x2;
	(pc) =	sbr.rel @!p3 .LBB2_14-.Ltmp14, $4  }
0x25f: {  	s29 =	smov.u32 @p2 s2;
	s0 =	simm.s32 @p4 $0x0;
	s30 =	sadd.s32 @!p2 $0x1B38, s30  }
0x260: {  	s0 =	smin.u32 @!p2 s0, $0x270FF  }
0x261: {  	s2 =	sand.u32 @!p2 $0x3FFF8, s0;
	s31 =	sand.u32 @!p2 $0x7, s0  }
0x262: {  	s26 =	sadd.s32 $0x1, s26;
	s0 =	sadd.s32 @!p2 s1, s2  }
.LBB2_15:
0x263: {  	[tilespmem:s30], [sflag:$0x2] =	stream.linear.gather @!p2 [hbm4b:s0+s31], $0x2, $0x38;
	[tilespmem:$0x1F0E8] =	vst v63  }
0x264: {  	s31 =	sshll.u32 s29, $0x1  }
0x265: {  	s2 =	simm.s32 $0x2;
	s0 =	sand.u32 $0x3FFFFFFE, s31  }
0x266: {  	_ =	swait.ge [sflag:s2], s0  }
0x267: {  	s0 =	ssub.s32 $0x0, s0;
	[sflag:s2] =	ssyncset.done $0x0  }
0x268: {  	[sflag:s2] =	ssyncadd.s32 s0  }
0x269: {  	v1 =	vld.msk [tilespmem:s19+$0x0], $0x1;
	_ =	sdelay $0x4  }
0x26a: {  	(v2sf) =	vpush v1, $0x0;
	_ =	sdelay $0xe  }
0x26b: {  	s23 =	spop (v2sf)  }
0x26c: {  	p2 =	sne.s32 s24, s23  }
0x26d: {  	p4 =	sne.s32 @p2 s24, s20  }
0x26e: {  	p3 =	por !p4, !p2  }
0x26f: {  	s0 =	simm.s32 @!p3 $0x0  }
0x270: {  	v1 =	vld.msk @!p3 [tilespmem:s0+$0x1B38], $0x3  }
0x271: {  	p5 =	sgt.u32 @!p3 s24, $0x270FF  }
0x272: {  	s2 =	sshll.u32 @!p3 s18, $0x6;
	p6 =	por @p2 p5, !p4  }
0x273: {  	s2 =	sshra.s32 @!p3 s2, $0x2;
	p1 =	por p6, !p2;
	p6 =	por p4, !p2  }
0x274: {  	s26 =	sadd.s32 @!p3 $0x28, s2;
	s28 =	sand.u32 @!p1 $0x3FFF8, s24;
	s29 =	sshll.u32 @!p6 s18, $0x6  }
0x275: {  	s24 =	sand.u32 @!p1 $0x7, s24;
	[tilespmem:s2+$0x28] =	vst.add.f32.msk @!p3 $0x3, v1;
	s2 =	sadd.s32 @!p1 s1, s28;
	s28 =	sshra.s32 @!p6 s29, $0x2  }
0x276: {  	[hbm4b:s2+s24] =	stream.linear.scatter @!p1 [tilespmem:s26], [sflag:$0xA], $0x2, $0x38;
	[tilespmem:$0x1F0E8] =	vst v63  }
0x277: {  	s0 =	rddreg [dreg:$0x2];
	s2 =	sadd.s32 @!p6 $0x28, s28;
	s24 =	simm.s32 @!p6 $0x1  }
0x278: {  	[spmem:s0] =	stream.linear.scatter @!p6 [tilespmem:s2], [sflag:$0x1], $0x2, $0x38;
	[tilespmem:$0x1F0E8] =	vst v63  }
0x279: {  	s0 =	sadd.s32 @p2 $0x1, s18;
	_ =	swait.ge @!p6 [sflag:s24], $0x2  }
0x27a: {  	s2 =	sshrl.u32 @p2 s0, $0x4;
	[sflag:s24] =	ssyncset.done @!p6 $0x0  }
0x27b: {  	s2 =	smulhi.u32 @p2 $0x97B425F, s2;
	[sflag:s24] =	ssyncadd.s32 @!p6 $0xFFFFFFFE  }
0x27c: {  	s24 =	sadd.s32 $0x1, s25;
	v1 =	vld.msk @p2 [tilespmem:s21+$0x0], $0x3  }
0x27d: {  	p1 =	por @p2 !p5, !p4;
	s2 =	smul.u32 @p2 $0x1B0, s2;
	p4 =	seq.s32 s24, $0x0  }
.Ltmp15:
0x27e: {  	p1 =	por !p1, !p2;
	s25 =	simm.s32 @!p3 $0x0;
	(pc) =	sbr.rel @p4 .LBB2_17-.Ltmp15, $4  }
0x27f: {  	s26 =	sshll.u32 @!p2 s18, $0x6;
	s25 =	simm.s32 @!p1 $0x8;
	s0 =	ssub.s32 @p2 s0, s2  }
0x280: {  	s26 =	sshra.s32 @!p2 s26, $0x2;
	s28 =	sadd.s32 @!p3 $0x0, s25;
	s29 =	sshll.u32 @p2 s0, $0x4  }
0x281: {  	s25 =	simm.s32 $0x0;
	s2 =	simm.s32 @p2 $0x1;
	s28 =	smov.u32 @p3 s22;
	[tilespmem:s29+$0x28] =	vst.msk @p2 $0x3, v1  }
0x282: {  	s18 =	smov.u32 @p2 s0;
	s25 =	smov.u32 @p2 s28;
	s22 =	smov.u32 @p2 s2;
	v1 =	vld.msk @!p2 [tilespmem:s21+$0x0], $0x3  }
.LBB2_16:
0x283: {  	_ =	sdelay $0x3  }
0x284: {  	s19 =	sadd.s32 $0x1, s19;
	[tilespmem:s26+$0x28] =	vst.add.f32.msk @!p2 $0x3, v1  }
0x285: {  	v1 =	vld.msk [tilespmem:s19+$0x0], $0x1;
	_ =	sdelay $0x4  }
0x286: {  	(v2sf) =	vpush v1, $0x0;
	_ =	sdelay $0xe  }
0x287: {  	s0 =	smov.u32 s23;
	s23 =	spop (v2sf)  }
0x288: {  	p2 =	sne.s32 s0, s23  }
0x289: {  	p5 =	sne.s32 @p2 s0, s20  }
0x28a: {  	p4 =	por !p5, !p2  }
0x28b: {  	s30 =	sshll.u32 @!p4 s22, $0x6  }
0x28c: {  	s30 =	sshra.s32 @!p4 s30, $0x2  }
0x28d: {  	p1 =	sgt.u32 @!p4 s0, $0x270FF;
	v1 =	vld.msk @!p4 [tilespmem:s30+$0x1B38], $0x3  }
0x28e: {  	s31 =	sshll.u32 @!p4 s18, $0x6;
	p6 =	por @p2 p1, !p5;
	p1 =	por @p2 !p1, !p5  }
0x28f: {  	s5 =	simm.s32 @!p4 $0x0;
	s31 =	sshra.s32 @!p4 s31, $0x2;
	p1 =	por !p1, !p2  }
0x290: {  	p5 =	por p5, !p2;
	s5 =	simm.s32 @!p1 $0x8;
	p1 =	por p6, !p2  }
0x291: {  	s30 =	sadd.s32 @!p4 $0x28, s31;
	s6 =	sshll.u32 @!p5 s18, $0x6;
	s10 =	sand.u32 @!p1 $0x3FFF8, s0  }
0x292: {  	s6 =	sshra.s32 @!p5 s6, $0x2;
	s0 =	sand.u32 @!p1 $0x7, s0;
	s10 =	sadd.s32 @!p1 s1, s10;
	[tilespmem:s31+$0x28] =	vst.add.f32.msk @!p4 $0x3, v1  }
0x293: {  	[hbm4b:s10+s0] =	stream.linear.scatter @!p1 [tilespmem:s30], [sflag:$0xA], $0x2, $0x38;
	[tilespmem:$0x1F0E8] =	vst v63  }
0x294: {  	s2 =	rddreg [dreg:$0x2];
	s0 =	sadd.s32 @!p5 $0x28, s6;
	s6 =	simm.s32 @!p5 $0x1  }
0x295: {  	[spmem:s2] =	stream.linear.scatter @!p5 [tilespmem:s0], [sflag:$0x1], $0x2, $0x38;
	[tilespmem:$0x1F0E8] =	vst v63  }
0x296: {  	s28 =	sadd.s32 @p2 $0x1, s18;
	_ =	swait.ge @!p5 [sflag:s6], $0x2  }
0x297: {  	s29 =	sshrl.u32 @p2 s28, $0x4;
	[sflag:s6] =	ssyncset.done @!p5 $0x0  }
0x298: {  	s21 =	sadd.s32 $0x80, s21;
	s29 =	smulhi.u32 @p2 $0x97B425F, s29;
	[sflag:s6] =	ssyncadd.s32 @!p5 $0xFFFFFFFE  }
0x299: {  	s24 =	sadd.s32 $0x1, s24;
	v1 =	vld.msk @p2 [tilespmem:s21+$0x0], $0x3  }
0x29a: {  	p3 =	seq.s32 s24, $0x0;
	s29 =	smul.u32 @p2 $0x1B0, s29  }
.Ltmp16:
0x29b: {  	_ = 	snop;
	(pc) =	sbr.rel @!p3 .LBB2_16-.Ltmp16, $4  }
0x29c: {  	s28 =	ssub.s32 @p2 s28, s29  }
0x29d: {  	s26 =	sshll.u32 @!p2 s18, $0x6;
	s5 =	sadd.s32 @!p4 s5, s25;
	s10 =	sshll.u32 @p2 s28, $0x4  }
0x29e: {  	s9 =	sadd.s32 @p2 $0x1, s22;
	s26 =	sshra.s32 @!p2 s26, $0x2;
	s5 =	smov.u32 @p4 s25;
	[tilespmem:s10+$0x28] =	vst.msk @p2 $0x3, v1  }
0x29f: {  	s22 =	smov.u32 @p2 s9;
	s18 =	smov.u32 @p2 s28;
	s25 =	smov.u32 @p2 s5;
	v1 =	vld.msk @!p2 [tilespmem:s21+$0x0], $0x3  }
.LBB2_17:
.Ltmp17:
0x2a0: {  	_ = 	snop;
	(pc) =	sbr.rel .LBB2_19-.Ltmp17, $4  }
0x2a1: {  	s2 =	sld [smem:$0x7FD]  }
0x2a2: {  	s0 =	sshrl.u32 s25, $0x2  }
0x2a3: {  	s24 =	smov.u32 s23;
	s6 =	smov.u32 s8;
	s5 =	smov.u32 s12  }
0x2a4: {  	s8 =	smov.u32 s3;
	s3 =	rddreg [dreg:$0x3];
	p4 =	seq.s32 s2, $0x1;
	[tilespmem:s26+$0x28] =	vst.add.f32.msk @!p2 $0x3, v1  }
.LBB2_21:
0x2a5: {  	_ =	sfence.sel $0x180000  }
0x2a6: {  	s0 =	simm.s32 $0x7;
	[bflag:$0x0] =	sbarrier.arrive $0xFFFF  }
0x2a7: {  	s25 =	simm.s32 $0x8;
	[sflag:s0] =	ssyncpa.u1 $0x1  }
0x2a8: {  	s26 =	simm.s32 $0x9;
	[sflag:s25] =	ssyncpa.u1 $0x1  }
0x2a9: {  	s28 =	simm.s32 $0x2;
	[sflag:s26] =	ssyncpa.u1 $0x1  }
0x2aa: {  	[sflag:s28] =	ssyncpa.u1 $0x1  }
0x2ab: {  	v0 =	vld [tilespmem:$0x3648];
	_ =	sdelay $0x4  }
0x2ac: {  	(v2sf) =	vpush v0, $0x0  }
0x2ad: {  	(v2sf) =	vpush v0, $0x1;
	_ =	sdelay $0x1  }
0x2ae: {  	(v2sf) =	vpush v0, $0x2;
	_ =	sdelay $0xb  }
0x2af: {  	s0 =	spop (v2sf)  }
0x2b0: {  	s2 =	spop (v2sf)  }
0x2b1: {  	s3 =	smov.u32 s0;
	p0 =	sne.s32 s0, s2  }
0x2b2: {  	s4 =	spop (v2sf);
	s3 =	simm.s32 @!p0 $0xFFFFFFFF  }
0x2b3: {  	v2 =	vimm.s32 $0x1;
	v3 =	vlaneseq.u32;
	p0 =	seq.s32 s4, $0xFFFFFFFF;
	v1 =	vmov s3  }
0x2b4: {  	s7 =	stileid.u32;
	v0 =	vperm.xlane v0, v2;
	p1 =	sne.s32 @!p0 s0, s2;
	v1 =	vperm.xlane v1, v3  }
0x2b5: {  	vm0 =	vcmask $0x3F04;
	s6 =	simm.s32 $0x3648;
	s0 =	simm.s32 @!p0 $0x1;
	p1 =	por !p1, p0  }
0x2b6: {  	s3 =	sshll.u32 s7, $0x1;
	s2 =	sshll.u32 @!p0 s4, $0x6;
	s0 =	simm.s32 @p1 $0x0;
	v0 =	vsel vm0, v1, v0  }
0x2b7: {  	s5 =	sor.u32 $0x200, s3;
	s2 =	sshra.s32 @!p0 s2, $0x2;
	s0 =	sor.u32 @!p0 s0, s3;
	[tilespmem:$0x3648] =	vst v0  }
0x2b8: {  	[spmem:s5] =	stream.linear.scatter [tilespmem:s6], [sflag:$0x1], $0x2, $0x38;
	[tilespmem:$0x1F0E8] =	vst v63  }
0x2b9: {  	s2 =	sadd.s32 @!p0 $0x28, s2;
	s0 =	sshll.u32 @!p0 s0, $0x4  }
0x2ba: {  	[spmem:s0] =	stream.linear.scatter @!p0 [tilespmem:s2], [sflag:$0x1], $0x10, $0x38;
	[tilespmem:$0x1F0E8] =	vst v63  }
0x2bb: {  	s0 =	simm.s32 @!p0 $0x12  }
0x2bc: {  	s3 =	simm.s32 $0x1;
	s0 =	simm.s32 @p0 $0x2  }
0x2bd: {  	_ =	swait.ge [sflag:s3], s0  }
0x2be: {  	s0 =	ssub.s32 $0x0, s0;
	[sflag:s3] =	ssyncset.done $0x0  }
0x2bf: {  	[sflag:s3] =	ssyncadd.s32 s0  }
0x2c0: {  	_ =	sfence.stream.spmem  }
0x2c1: {  	s29 =	simm.s32 $0x3;
	[bflag:$0x0] =	sbarrier.arrive $0xFFFF  }
0x2c2: {  	s30 =	simm.s32 $0x4;
	[sflag:s29] =	ssyncpa.u1 $0x1  }
0x2c3: {  	s31 =	simm.s32 $0x3C;
	[sflag:s30] =	ssyncpa.u1 $0x1  }
0x2c4: {  	p0 =	sne.s32 s7, $0x0;
	[sflag:s31] =	ssyncpa.u1 $0x1  }
0x2c5: {  	_ =	sfence @p0  }
0x2c6: {  	[sflag:s3] =	ssyncpa.u1 @p0 $0x1  }
0x2c7: {  	_ =	strace @p0 $0x9000004A  }
0x2c8: {  	[bflag:$0x2] =	sbarrier.arrive @p0 $0xFFFF  }
0x2c9: {  	_ =	shalt @p0  }
.LBB2_22:
0x2ca: {  	_ =	sfence.stream.spmem;
	s0 =	simm.s32 $0x5  }
0x2cb: {  	s2 =	simm.s32 $0x200;
	s3 =	simm.s32 $0x3658;
	[sflag:s0] =	ssyncpa.u1 $0x0  }
0x2cc: {  	[tilespmem:s3], [sflag:$0x5] =	stream.linear.gather [spmem:s2], $0x20, $0x38;
	[tilespmem:$0x1F0E8] =	vst v63  }
0x2cd: {  	s30 =	simm.s32 $0x3678;
	s2 =	simm.s32 $0x0  }
0x2ce: {  	[tilespmem:s30], [sflag:$0x5] =	stream.linear.gather [spmem:s2], $0x200, $0x38;
	[tilespmem:$0x1F0E8] =	vst v63  }
.Ltmp18:
0x2cf: {  	_ = 	snop;
	(pc) =	sbr.rel .LBB2_23-.Ltmp18, $4  }
0x2d0: {  	_ =	swait.ge [sflag:s0], $0x220  }
0x2d1: {  	[sflag:s0] =	ssyncset.done $0x0  }
0x2d2: {  	s31 =	simm.s32 $0x6;
	[sflag:s0] =	ssyncadd.s32 $0xFFFFFDE0  }
0x2d3: {  	s3 =	simm.s32 $0x0;
	[sflag:s31] =	ssyncpa.u1 $0x0  }
.LBB2_28:
0x2d4: {  	p0 =	slt.u32 s4, $0x27100  }
0x2d5: {  	s0 =	sand.u32 @p0 $0x3FFF8, s4  }
0x2d6: {  	s4 =	sand.u32 @p0 $0x7, s4;
	s5 =	simm.s32 @p0 $0x3638;
	s0 =	sadd.s32 @p0 s1, s0  }
0x2d7: {  	[tilespmem:s5], [sflag:$0x6] =	stream.linear.gather @p0 [hbm4b:s0+s4], $0x2, $0x38;
	[tilespmem:$0x1F0E8] =	vst v63  }
0x2d8: {  	s0 =	simm.s32 @p0 $0x6  }
0x2d9: {  	_ =	swait.ge @p0 [sflag:s0], $0x2  }
0x2da: {  	[sflag:s0] =	ssyncset.done @p0 $0x0  }
0x2db: {  	[sflag:s0] =	ssyncadd.s32 @p0 $0xFFFFFFFE  }
0x2dc: {  	v1 =	vld @p0 [tilespmem:$0x3638];
	_ =	sdelay $0x2  }
0x2dd: {  	s0 =	sshll.u32 @p0 s3, $0x6  }
0x2de: {  	s5 =	sshll.u32 @!p0 s3, $0x6;
	s4 =	sshrl.u32 @p0 s0, $0x2  }
0x2df: {  	s5 =	smov.u32 @p0 s0;
	[tilespmem:s4+$0x3678] =	vst.add.f32.msk @p0 $0xffff, v1  }
0x2e0: {  	s0 =	sshrl.u32 s5, $0x2;
	[tilespmem:s2+$0x3658] =	vst.msk $0x1, v0  }
0x2e1: {  	v0 =	vld [tilespmem:s0+$0x3678];
	_ =	sdelay $0x2  }
0x2e2: {  	s31 =	sshll.u32 s2, $0x6  }
0x2e3: {  	s0 =	sshra.s32 s31, $0x2  }
0x2e4: {  	s2 =	sadd.s32 $0x1, s2;
	[tilespmem:s0+$0x3678] =	vst v0  }
.LBB2_30:
0x2e5: {  	s3 =	sadd.s32 $0x1, s3  }
0x2e6: {  	p0 =	sne.s32 s3, $0x20  }
.Ltmp19:
0x2e7: {  	_ = 	snop;
	(pc) =	sbr.rel @!p0 .LBB2_31-.Ltmp19, $1  }
0x2e8: {  	_ =	sdelay $0x3  }
.LBB2_23:
0x2e9: {  	v0 =	vld.msk [tilespmem:s3+$0x3658], $0x1;
	_ =	sdelay $0x4  }
0x2ea: {  	(v2sf) =	vpush v0, $0x0;
	_ =	sdelay $0xe  }
0x2eb: {  	s4 =	spop (v2sf)  }
0x2ec: {  	p0 =	seq.s32 s4, $0xFFFFFFFF  }
.Ltmp20:
0x2ed: {  	_ = 	snop;
	(pc) =	sbr.rel @p0 .LBB2_30-.Ltmp20, $1  }
0x2ee: {  	_ =	sdelay $0x3  }
0x2ef: {  	p0 =	slt.s32 s2, $0x1  }
.Ltmp21:
0x2f0: {  	_ = 	snop;
	(pc) =	sbr.rel @p0 .LBB2_28-.Ltmp21, $1  }
0x2f1: {  	_ =	sdelay $0x3  }
0x2f2: {  	s5 =	simm.s32 $0x3658;
	p0 =	por $0x0, $0x0  }
0x2f3: {  	v1 =	vld.msk @!p0 [tilespmem:s5+$0x0], $0x1;
	_ =	sdelay $0x4  }
0x2f4: {  	(v2sf) =	vpush @!p0 v1, $0x0;
	_ =	sdelay $0xd  }
0x2f5: {  	p2 =	sne.s32 s2, $0x1  }
.Ltmp22:
0x2f6: {  	s0 =	spop @!p0 (v2sf);
	(pc) =	sbr.rel @!p2 .LBB2_27-.Ltmp22, $4  }
0x2f7: {  	p1 =	seq.s32 @!p0 s4, s0  }
0x2f8: {  	s6 =	simm.s32 $0x0;
	p1 =	por !p1, p0  }
0x2f9: {  	s0 =	simm.s32 $0xFFFFFFFF;
	s6 =	simm.s32 @p1 $0xFFFFFFFF  }
0x2fa: {  	s7 =	simm.s32 $0x1;
	s6 =	smov.u32 @p0 s0  }
.LBB2_26:
0x2fb: {  	s0 =	smov.u32 s6;
	p0 =	sne.s32 s6, $0xFFFFFFFF  }
0x2fc: {  	s5 =	sadd.s32 $0x1, s5;
	s6 =	smov.u32 s7;
	s7 =	sadd.s32 $0x1, s7  }
0x2fd: {  	p1 =	sne.s32 s2, s7;
	v1 =	vld.msk @!p0 [tilespmem:s5+$0x0], $0x1;
	_ =	sdelay $0x4  }
0x2fe: {  	(v2sf) =	vpush @!p0 v1, $0x0;
	_ =	sdelay $0xe  }
.Ltmp23:
0x2ff: {  	s8 =	spop @!p0 (v2sf);
	(pc) =	sbr.rel @p1 .LBB2_26-.Ltmp23, $4  }
0x300: {  	p2 =	seq.s32 @!p0 s4, s8  }
0x301: {  	p2 =	por !p2, p0  }
0x302: {  	s6 =	simm.s32 @p2 $0xFFFFFFFF  }
0x303: {  	s6 =	smov.u32 @p0 s0  }
.LBB2_27:
0x304: {  	p0 =	sne.s32 s6, $0xFFFFFFFF  }
.Ltmp24:
0x305: {  	_ = 	snop;
	(pc) =	sbr.rel @!p0 .LBB2_28-.Ltmp24, $1  }
0x306: {  	_ =	sdelay $0x3  }
0x307: {  	s0 =	sshll.u32 s3, $0x4  }
0x308: {  	s0 =	sand.u32 $0x3FFFFFF0, s0  }
0x309: {  	v0 =	vld [tilespmem:s0+$0x3678]  }
.Ltmp25:
0x30a: {  	_ = 	snop;
	(pc) =	sbr.rel .LBB2_30-.Ltmp25, $4  }
0x30b: {  	_ = 	snop  }
0x30c: {  	s31 =	sshll.u32 s6, $0x6  }
0x30d: {  	s0 =	sshra.s32 s31, $0x2  }
0x30e: {  	[tilespmem:s0+$0x3678] =	vst.add.f32.msk $0xffff, v0  }
.LBB2_31:
0x30f: {  	p0 =	slt.s32 s2, $0x1  }
.Ltmp26:
0x310: {  	_ = 	snop;
	(pc) =	sbr.rel @p0 .LBB2_35-.Ltmp26, $3  }
0x311: {  	_ =	sdelay $0x1  }
0x312: {  	s0 =	simm.s32 $0x6  }
0x313: {  	s3 =	simm.s32 $0x0;
	[sflag:s0] =	ssyncpa.u1 $0x1  }
0x314: {  	s0 =	simm.s32 $0x3658  }
0x315: {  	v0 =	vld.msk [tilespmem:s0+$0x0], $0x1;
	_ =	sdelay $0x4  }
0x316: {  	(v2sf) =	vpush v0, $0x0;
	_ =	sdelay $0xd  }
0x317: {  	s2 =	sadd.s32 $0xFFFFFFFF, s2  }
0x318: {  	p1 =	sne.s32 s2, $0x0;
	s0 =	spop (v2sf)  }
.Ltmp27:
0x319: {  	p0 =	sgt.u32 s0, $0x270FF;
	(pc) =	sbr.rel @!p1 .LBB2_34-.Ltmp27, $4  }
0x31a: {  	s4 =	simm.s32 $0x3678;
	s5 =	sand.u32 @!p0 $0x3FFF8, s0  }
0x31b: {  	s6 =	simm.s32 $0x0;
	s0 =	sand.u32 @!p0 $0x7, s0;
	s5 =	sadd.s32 @!p0 s1, s5  }
0x31c: {  	[hbm4b:s5+s0] =	stream.linear.scatter @!p0 [tilespmem:s4], [sflag:$0x5], $0x2, $0x38;
	[tilespmem:$0x1F0E8] =	vst v63  }
0x31d: {  	s6 =	simm.s32 @!p0 $0x8;
	s5 =	simm.s32 $0x3659  }
.LBB2_33:
0x31e: {  	v0 =	vld.msk [tilespmem:s5+$0x0], $0x1;
	s2 =	sadd.s32 $0xFFFFFFFF, s2;
	s3 =	sadd.s32 s3, s6  }
0x31f: {  	p0 =	sne.s32 s2, $0x0;
	_ =	sdelay $0x3  }
0x320: {  	(v2sf) =	vpush v0, $0x0;
	_ =	sdelay $0xe  }
.Ltmp28:
0x321: {  	s0 =	spop (v2sf);
	(pc) =	sbr.rel @p0 .LBB2_33-.Ltmp28, $4  }
0x322: {  	s6 =	simm.s32 $0x0;
	p1 =	sgt.u32 s0, $0x270FF  }
0x323: {  	s4 =	sadd.s32 $0x10, s4;
	s6 =	simm.s32 @!p1 $0x8;
	s7 =	sand.u32 @!p1 $0x3FFF8, s0  }
0x324: {  	s5 =	sadd.s32 $0x1, s5;
	s0 =	sand.u32 @!p1 $0x7, s0;
	s7 =	sadd.s32 @!p1 s1, s7  }
0x325: {  	[hbm4b:s7+s0] =	stream.linear.scatter @!p1 [tilespmem:s4], [sflag:$0x5], $0x2, $0x38;
	[tilespmem:$0x1F0E8] =	vst v63  }
.LBB2_34:
0x326: {  	s0 =	sadd.s32 s3, s6  }
0x327: {  	s3 =	sshrl.u32 s0, $0x2  }
.LBB2_35:
0x328: {  	s0 =	simm.s32 $0x5  }
0x329: {  	_ =	swait.ge [sflag:s0], s3  }
0x32a: {  	s1 =	ssub.s32 $0x0, s3;
	[sflag:s0] =	ssyncset.done $0x0  }
0x32b: {  	[sflag:s0] =	ssyncadd.s32 s1  }
0x32c: {  	[sflag:s0] =	ssyncpa.u1 $0x1  }
0x32d: {  	s30 =	simm.s32 $0x1;
	_ =	sfence  }
0x32e: {  	[sflag:s30] =	ssyncpa.u1 $0x1  }
0x32f: {  	_ =	strace $0x9000004A  }
0x330: {  	[bflag:$0x2] =	sbarrier.arrive $0xFFFF  }
0x331: {  	s31 =	rddreg [dreg:$0x1]  }
0x332: {  	s0 =	sadd.s32 $0x100000, s31  }
0x333: {  	[sflag:s0] =	ssyncadd.tile.s32 $0x1;
	_ =	shalt  }
.Lfunc_end2:
_tile_overlayer_lowered:
.L_overlay_start_2:
0x334: {  	(tag) =	ssettag $0x2  }
0x335: {  	s0 =	rddreg [dreg:$0x0];
	s2 =	stileid.u32  }
0x336: {  	s1 =	rddreg [dreg:$0x1];
	p0 =	sne.s32 s2, $0x0  }
0x337: {  	s3 =	rddreg [dreg:$0x2];
	[bflag:$0x3] =	sbarrier.arrive $0xFFFF;
	s2 =	simm.s32 @!p0 $0x1C01  }
0x338: {  	[timem:s3], [sflag:s2] =	dma.local @!p0 [hbm:s0], s1  }
0x339: {  	s0 =	simm.s32 @!p0 $0x1  }
0x33a: {  	_ =	swait.ge @!p0 [sflag:s0], s1  }
0x33b: {  	s1 =	ssub.s32 @!p0 $0x0, s1;
	[sflag:s0] =	ssyncset.done @!p0 $0x0  }
0x33c: {  	[sflag:s0] =	ssyncadd.s32 @!p0 s1  }
0x33d: {  	[bflag:$0x3] =	sbarrier.arrive $0xFFFF  }
0x33e: {  	_ =	shalt  }

// kernel: scatter_offload_async_start.2
scs
__scs_entry_jumppad:
0x0: {  	(pc) =	sbr.rel $0x88, $3  }
0x1: {  	(tag) =	ssettag $0x0;
	lr =	simm.s32 $0x1  }
0x2: {  	[smem:$0x3F95] =	sst lr;
	_ =	strace $0xD0000000  }
0x3: {  	_ = 	snop  }
0x4: {  	_ = 	snop  }
0x5: {  	_ = 	snop  }
0x6: {  	_ = 	snop  }
0x7: {  	_ = 	snop  }
__scs_overlays_trampoline_lowered:
0x8: {  	[smem:$0x3FA4] =	sst s0  }
0x9: {  	[smem:$0x3FA5] =	sst s1  }
0xa: {  	[smem:$0x3FA6] =	sst s2  }
0xb: {  	[smem:$0x3FA7] =	sst s3  }
0xc: {  	[smem:$0x3FA8] =	sst s4  }
0xd: {  	[smem:$0x3FA9] =	sst s5  }
0xe: {  	[smem:$0x3FAA] =	sst s6  }
0xf: {  	[smem:$0x3FAB] =	sst s7  }
0x10: {  	[smem:$0x3FAC] =	sst s8  }
0x11: {  	[smem:$0x3FAD] =	sst s9;
	s0 =	simm.s32 @!p0 $0x0  }
0x12: {  	s1 =	sld [smem:$0x3F93];
	s0 =	simm.s32 @p0 $0x1  }
0x13: {  	[smem:$0x3FAE] =	sst s0;
	s0 =	simm.s32 @!p1 $0x0  }
0x14: {  	s2 =	sld [smem:$0x3F92];
	s0 =	simm.s32 @p1 $0x1  }
0x15: {  	[smem:$0x3FAF] =	sst s0;
	s0 =	simm.s32 @!p2 $0x0  }
0x16: {  	s3 =	sld [smem:$0x3FDB];
	s0 =	simm.s32 @p2 $0x1  }
0x17: {  	s4 =	simm.s32 $0x1BF5;
	[smem:$0x3FB1] =	sst s0  }
0x18: {  	s0 =	sld [smem:$0x3F94];
	_ =	swait.ge [sflag:s4], $0x0  }
0x19: {  	s7 =	sld [smem:$0x3F95]  }
0x1a: {  	s8 =	sadd.s32 $0xFFFFE003, lr  }
0x1b: {  	s9 =	sadd.s32 $0xFFFFFEF7, lr;
	s5 =	simm.s32 $0xFFFFFFFF;
	p2 =	slt.u32 s8, $0xFFFFF086  }
0x1c: {  	p1 =	slt.u32 s9, $0xF7A;
	s5 =	simm.s32 @!p2 $0x0  }
0x1d: {  	s5 =	simm.s32 @p1 $0x1;
	p0 =	seq.s32 s7, s2  }
0x1e: {  	s7 =	smul.u32 @!p0 $0xF7A, s2;
	p2 =	seq.s32 @!p0 s5, $0x0  }
0x1f: {  	s9 =	smul.u32 $0xF7A, s1;
	s8 =	simm.s32 @!p0 $0x1BF5;
	p2 =	por !p2, p0  }
0x20: {  	[sflag:s8] =	ssyncset.s32 @!p0 $0xFFFFF086;
	s6 =	sadd.s32 @!p0 s3, s7;
	s7 =	simm.s32 @!p0 $0x108  }
0x21: {  	s3 =	sadd.s32 s3, s9;
	s6 =	sadd.s32 @!p0 $0x88, s6;
	s7 =	simm.s32 @p2 $0x1082  }
0x22: {  	[simem:s7], [sflag:s8] =	dma.local @!p0 [hbm:s6], $0xF7A  }
0x23: {  	s9 =	sor.u32 $0xD0000000, s2;
	s6 =	simm.s32 $0x108;
	_ =	swait.ge @!p0 [sflag:s8], $0x0  }
0x24: {  	s3 =	sadd.s32 $0x88, s3;
	s6 =	simm.s32 @!p1 $0x1082;
	[sflag:s4] =	ssyncset.s32 $0xFFFFF086  }
0x25: {  	[simem:s6], [sflag:s4] =	dma.local [hbm:s3], $0xF7A  }
0x26: {  	[smem:$0x3F95] =	sst s1;
	(tag) =	ssettag s2;
	_ =	strace s9  }
0x27: {  	s1 =	sld [smem:$0x3FA5]  }
0x28: {  	s2 =	sld [smem:$0x3FA6]  }
0x29: {  	s4 =	sld [smem:$0x3FA8]  }
0x2a: {  	p0 =	seq.s32 s5, $0x0;
	s5 =	sld [smem:$0x3FA9]  }
0x2b: {  	s6 =	sld [smem:$0x3FAA]  }
0x2c: {  	s7 =	sld [smem:$0x3FAB]  }
0x2d: {  	s3 =	simm.s32 $0x108;
	s8 =	sld [smem:$0x3FAC]  }
0x2e: {  	s3 =	simm.s32 @!p0 $0x1082;
	s9 =	sld [smem:$0x3FAD]  }
0x2f: {  	lr =	sadd.s32 s0, s3;
	s0 =	sld [smem:$0x3FA4]  }
0x30: {  	s3 =	sld [smem:$0x3FA7]  }
0x31: {  	[smem:$0x3FB0] =	sst s10  }
0x32: {  	s10 =	sld [smem:$0x3FAE];
	_ =	sdelay $0x3  }
0x33: {  	p0 =	seq.s32 s10, $0x1;
	s10 =	sld [smem:$0x3FB0];
	_ =	sdelay $0x3  }
0x34: {  	[smem:$0x3FB0] =	sst s10  }
0x35: {  	s10 =	sld [smem:$0x3FAF];
	_ =	sdelay $0x3  }
0x36: {  	p1 =	seq.s32 s10, $0x1;
	s10 =	sld [smem:$0x3FB0];
	_ =	sdelay $0x3  }
0x37: {  	[smem:$0x3FB0] =	sst s10  }
0x38: {  	s10 =	sld [smem:$0x3FB1]  }
0x39: {  	_ = 	snop;
	(pc) =	sbr.ind lr, $3  }
0x3a: {  	_ = 	snop  }
0x3b: {  	_ = 	snop  }
0x3c: {  	p2 =	seq.s32 s10, $0x1;
	s10 =	sld [smem:$0x3FB0]  }
0x3d: {  	_ =	shalt  }
0x3e: {  	_ =	shalt  }
0x3f: {  	_ =	shalt  }
0x40: {  	_ =	shalt  }
0x41: {  	_ =	shalt  }
0x42: {  	_ =	shalt  }
0x43: {  	_ =	shalt  }
0x44: {  	_ =	shalt  }
0x45: {  	_ =	shalt  }
0x46: {  	_ =	shalt  }
0x47: {  	_ =	shalt  }
0x48: {  	_ =	shalt  }
0x49: {  	_ =	shalt  }
0x4a: {  	_ =	shalt  }
0x4b: {  	_ =	shalt  }
0x4c: {  	_ =	shalt  }
0x4d: {  	_ =	shalt  }
0x4e: {  	_ =	shalt  }
0x4f: {  	_ =	shalt  }
0x50: {  	_ =	shalt  }
0x51: {  	_ =	shalt  }
0x52: {  	_ =	shalt  }
0x53: {  	_ =	shalt  }
0x54: {  	_ =	shalt  }
0x55: {  	_ =	shalt  }
0x56: {  	_ =	shalt  }
0x57: {  	_ =	shalt  }
0x58: {  	_ =	shalt  }
0x59: {  	_ =	shalt  }
0x5a: {  	_ =	shalt  }
0x5b: {  	_ =	shalt  }
0x5c: {  	_ =	shalt  }
0x5d: {  	_ =	shalt  }
0x5e: {  	_ =	shalt  }
0x5f: {  	_ =	shalt  }
0x60: {  	_ =	shalt  }
0x61: {  	_ =	shalt  }
0x62: {  	_ =	shalt  }
0x63: {  	_ =	shalt  }
0x64: {  	_ =	shalt  }
0x65: {  	_ =	shalt  }
0x66: {  	_ =	shalt  }
0x67: {  	_ =	shalt  }
0x68: {  	_ =	shalt  }
0x69: {  	_ =	shalt  }
0x6a: {  	_ =	shalt  }
0x6b: {  	_ =	shalt  }
0x6c: {  	_ =	shalt  }
0x6d: {  	_ =	shalt  }
0x6e: {  	_ =	shalt  }
0x6f: {  	_ =	shalt  }
0x70: {  	_ =	shalt  }
0x71: {  	_ =	shalt  }
0x72: {  	_ =	shalt  }
0x73: {  	_ =	shalt  }
0x74: {  	_ =	shalt  }
0x75: {  	_ =	shalt  }
0x76: {  	_ =	shalt  }
0x77: {  	_ =	shalt  }
0x78: {  	_ =	shalt  }
0x79: {  	_ =	shalt  }
0x7a: {  	_ =	shalt  }
0x7b: {  	_ =	shalt  }
0x7c: {  	_ =	shalt  }
0x7d: {  	_ =	shalt  }
0x7e: {  	_ =	shalt  }
0x7f: {  	_ =	shalt  }
0x80: {  	_ =	shalt  }
0x81: {  	_ =	shalt  }
0x82: {  	_ =	shalt  }
0x83: {  	_ =	shalt  }
0x84: {  	_ =	shalt  }
0x85: {  	_ =	shalt  }
0x86: {  	_ =	shalt  }
0x87: {  	_ =	shalt  }
.Lfunc_end0:
.L_simem_size_0:
called_computation.2_lowered:
.L_overlay_start_0:
0x88: {  	s0 =	sld [smem:$0x3FD9]  }
0x89: {  	s1 =	sld [smem:$0x3FFE];
	_ =	sdelay $0x3  }
0x8a: {  	s0 =	sadd.s32 s1, s0  }
0x8b: {  	[smem:$0x3FBC] =	sst s0  }
0x8c: {  	_ = 	snop  }
0x8d: {  	(tm) =	ssettm $0x1  }
0x8e: {  	s15 =	sld [smem:$0x3FFB];
	_ =	sdelay $0x3  }
0x8f: {  	_ =	strace s15  }
0x90: {  	s0 =	sld [smem:$0x3FFC];
	_ =	sdelay $0x3  }
0x91: {  	_ =	strace s0  }
0x92: {  	s0 =	sld [smem:$0x3FFD];
	_ =	sdelay $0x3  }
0x93: {  	_ =	strace s0  }
0x94: {  	_ =	strace $0x8FFFFFFF  }
0x95: {  	s16 =	sld [smem:$0x3FDB];
	_ =	sdelay $0x1  }
0x96: {  	s17 =	simm.s32 $_scs_section_size  }
0x97: {  	s2 =	simm.s32 $_size__tile_overlayer_lowered;
	s3 =	simm.s32 $_tile_overlayer_lowered  }
0x98: {  	s20 =	simm.s32 $0x1BFF;
	s19 =	sshll.u32 s3, $0x1;
	s0 =	sadd.s32 s17, s16  }
0x99: {  	s4 =	simm.s32 $0x0;
	s18 =	sshll.u32 s2, $0x1;
	s2 =	sadd.s32 s19, s0  }
0x9a: {  	[timem:s4], [sflag:s20] =	dma.local [hbm:s2], s18  }
0x9b: {  	_ =	swait.ge [sflag:s20], s18  }
0x9c: {  	s1 =	ssub.s32 $0x0, s18;
	[sflag:s20] =	ssyncset.done $0x0  }
0x9d: {  	[sflag:s20] =	ssyncadd.s32 s1;
	_ =	sdelay $0x1  }
0x9e: {  	s21 =	simm.s32 $0x1B8B  }
0x9f: {  	_ =	swait.ge [sflag:s21], $0x1  }
0xa0: {  	[sflag:s21] =	ssyncset.done $0x0  }
0xa1: {  	s23 =	simm.s32 $0x1B8E;
	s22 =	sld [smem:$0x3FFE];
	[sflag:s21] =	ssyncadd.s32 $0xFFFFFFFF  }
0xa2: {  	s24 =	simm.s32 $execute0_lowered;
	[smem:$0x3FD2] =	sst s23  }
0xa3: {  	s2 =	sshll.u32 s24, $0x1;
	_ =	strace $0x8000004C;
	[dreg:$0x1] =	wrdreg $0xFFFFFFFF  }
0xa4: {  	s25 =	simm.s32 $_size_execute0_lowered;
	s0 =	sadd.s32 s0, s2;
	[dreg:$0x0] =	wrdreg $0x0  }
0xa5: {  	s2 =	sshll.u32 s25, $0x1;
	[dreg:$0x2] =	wrdreg s0  }
0xa6: {  	[dreg:$0x3] =	wrdreg s2  }
0xa7: {  	[dreg:$0x4] =	wrdreg $0xC0  }
0xa8: {  	_ =	task [dreg:s4], $0x5FFFF  }
0xa9: {  	[dreg:$0x1] =	wrdreg $0xFFFFFFFF  }
0xaa: {  	[dreg:$0x0] =	wrdreg $0x60  }
0xab: {  	[dreg:$0x2] =	wrdreg s22  }
0xac: {  	[dreg:$0x3] =	wrdreg $0x9  }
0xad: {  	_ =	task.clear_ibuf [dreg:s4], $0x4FFFF;
	_ =	strace $0x9000004C  }
0xae: {  	s26 =	simm.s32 $0x9;
	_ =	strace $0x8000004E  }
0xaf: {  	_ =	swait.ge [sflag:s26], $0x1  }
0xb0: {  	[sflag:s26] =	ssyncadd.s32 $0xFFFFFFFF  }
0xb1: {  	_ =	strace $0x9000004E  }
0xb2: {  	_ =	sfence  }
0xb3: {  	s28 =	sld [smem:$0x0];
	_ =	sdelay $0x1  }
0xb4: {  	s29 =	srdreg.scid  }
0xb5: {  	s30 =	sshll.u32 s29, $0xD;
	s31 =	sshrl.u32 s29, $0x2  }
0xb6: {  	s1 =	sand.u32 $0x1, s29;
	s2 =	sand.u32 $0x4000, s30;
	s0 =	sadd.s32 s31, s28  }
0xb7: {  	s1 =	sor.u32 s2, s1;
	s0 =	sshll.u32 s0, $0x11  }
0xb8: {  	s0 =	sor.u32 s0, s1  }
0xb9: {  	s0 =	sadd.s32 $0x8F2B, s0  }
0xba: {  	[sflag:s0] =	ssyncadd.remote.s32 $0x1  }
0xbb: {  	_ =	sfence.sel $0xFFFF  }
0xbc: {  	[dreg:$0x0] =	wrdreg $0xFFFFFFFF;
	(pc) =	sbr.abs _section_cstart, $3  }
0xbd: {  	[dreg:$0x1] =	wrdreg $0xFFFFFFFF  }
0xbe: {  	_ =	task.clear_ibuf [dreg:s4], $0x2FFFF;
	_ =	strace $0x9FFFFFFF  }
0xbf: {  	(tm) =	ssettm $0x7FFFFFFF  }
tec
execute0_lowered:
.L_overlay_start_1:
0x0: {  	(tag) =	ssettag $0x1  }
0x1: {  	s0 =	rddreg [dreg:$0x0];
	_ =	strace $0x8000004D;
	s1 =	simm.s32 $0x1  }
0x2: {  	s8 =	simm.s32 $0x208;
	v0 =	vimm.s32 $0x0;
	[sflag:s1] =	ssyncpa.u1 $0x0  }
0x3: {  	[tilespmem:s8+$0x70] =	vst v0  }
0x4: {  	[tilespmem:s8+$0x60] =	vst v0  }
0x5: {  	[tilespmem:s8+$0x50] =	vst v0  }
0x6: {  	[tilespmem:s8+$0x40] =	vst v0  }
0x7: {  	[tilespmem:s8+$0x30] =	vst v0  }
0x8: {  	s1 =	sadd.s32 $0x58000, s0;
	s10 =	sadd.s32 $0xF4400, s0;
	[tilespmem:s8+$0x20] =	vst v0  }
0x9: {  	s4 =	sadd.s32 $0x108800, s0;
	s5 =	sadd.s32 $0xFE600, s0;
	s0 =	simm.s32 $0x40;
	[tilespmem:s8+$0x10] =	vst v0  }
.LBB2_1:
0xa: {  	s0 =	sadd.s32 $0x40, s0;
	[tilespmem:s8+$0x0] =	vst v0;
	s8 =	sadd.s32 $0x80, s8  }
0xb: {  	p0 =	slt.u32 s0, $0x3880;
	[tilespmem:s8+$0x70] =	vst v0  }
0xc: {  	[tilespmem:s8+$0x60] =	vst v0  }
.Ltmp0:
0xd: {  	[tilespmem:s8+$0x50] =	vst v0;
	(pc) =	sbr.rel @p0 .LBB2_1-.Ltmp0, $4  }
0xe: {  	[tilespmem:s8+$0x40] =	vst v0  }
0xf: {  	[tilespmem:s8+$0x30] =	vst v0  }
0x10: {  	[tilespmem:s8+$0x20] =	vst v0  }
0x11: {  	[tilespmem:s8+$0x10] =	vst v0  }
0x12: {  	s3 =	stileid.u32  }
0x13: {  	s0 =	smul.u32 $0xB8, s3  }
0x14: {  	s2 =	smin.u32 s3, $0x3  }
0x15: {  	s0 =	sor.u32 s2, s0  }
0x16: {  	p0 =	slt.u32 s3, $0x3;
	s6 =	smul.u32 $0x70, s0;
	s0 =	simm.s32 $0x50F0  }
0x17: {  	s0 =	simm.s32 @!p0 $0x5080  }
0x18: {  	s0 =	sadd.s32 s0, s6  }
0x19: {  	s7 =	smin.u32 s0, $0x50910  }
0x1a: {  	s0 =	ssub.s32 s7, s6  }
0x1b: {  	p0 =	sgt.s32 s0, $0x0  }
0x1c: {  	s26 =	simm.s32 $0x2;
	s0 =	simm.s32 @!p0 $0x0  }
0x1d: {  	s29 =	simm.s32 $0x7;
	s30 =	simm.s32 $0x8;
	s28 =	smulhi.u32 $0x92492493, s0  }
0x1e: {  	s31 =	simm.s32 $0x9;
	s11 =	simm.s32 $0x1;
	s21 =	simm.s32 $0x0  }
0x1f: {  	p1 =	por $0x0, $0x0;
	s15 =	simm.s32 $0x80;
	s2 =	sshrl.u32 s28, $0x6  }
0x20: {  	s16 =	simm.s32 $0x400;
	s17 =	simm.s32 $0xA;
	s9 =	smul.u32 $0x70, s2  }
.Ltmp1:
0x21: {  	[tilespmem:s8+$0x0] =	vst v0;
	v0 =	vimm.s32 $0xFFFFFFFF;
	s18 =	simm.s32 $0x0;
	[sflag:s26] =	ssyncpa.u1 $0x0;
	(pc) =	sbr.rel .LBB2_3-.Ltmp1, $4  }
0x22: {  	[tilespmem:$0xE408] =	vst v0;
	[sflag:s29] =	ssyncpa.u1 $0x0;
	p0 =	sne.s32 s0, s9;
	s0 =	simm.s32 $0x1  }
0x23: {  	s20 =	simm.s32 $0x0;
	[sflag:s30] =	ssyncpa.u1 $0x0;
	s0 =	simm.s32 @!p0 $0x0  }
0x24: {  	s13 =	sshll.u32 s3, $0x9;
	[sflag:s31] =	ssyncpa.u1 $0x0;
	s12 =	sadd.s32 s0, s2  }
0x25: {  	v0 =	vlaneseq.u32;
	s19 =	smov.u32 s6;
	p0 =	por $0x1, $0x1;
	s14 =	sadd.s32 $0x1, s12  }
.LBB2_24:
0x26: {  	s0 =	sshrl.u32 s30, $0x2  }
.LBB2_26:
0x27: {  	_ =	swait.ge [sflag:s17], s0  }
0x28: {  	s31 =	ssub.s32 $0x0, s0;
	v1 =	vmov s23;
	vm0 =	veq.s32 v0, $0x0;
	[sflag:s17] =	ssyncset.done $0x0  }
0x29: {  	vm15 =	veq.s32 v0, $0x2;
	v1 =	vsel vm0, s29, v1;
	[sflag:s17] =	ssyncadd.s32 s31  }
0x2a: {  	v1 =	vsel vm15, s21, v1;
	[sflag:s17] =	ssyncpa.u1 $0x1  }
0x2b: {  	[tilespmem:$0xE408] =	vst v1  }
.LBB2_27:
0x2c: {  	s0 =	sadd.s32 $0x70, s19  }
0x2d: {  	s2 =	smov.u32 s6;
	p2 =	slt.s32 s0, s7  }
0x2e: {  	s2 =	smov.u32 @p2 s0;
	p2 =	sne.s32 s20, s14  }
.Ltmp2:
0x2f: {  	_ = 	snop;
	(pc) =	sbr.rel @!p2 .LBB2_28-.Ltmp2, $4  }
0x30: {  	_ = 	snop  }
0x31: {  	s21 =	smov.u32 s18  }
0x32: {  	s31 =	sadd.s32 $0x1, s20;
	s18 =	smov.u32 s19;
	p0 =	por !p0, !p0  }
0x33: {  	p1 =	por !p1, !p1;
	s20 =	smov.u32 s31;
	s19 =	smov.u32 s2  }
.LBB2_3:
0x34: {  	p2 =	sge.u32 s20, s12  }
0x35: {  	s0 =	smulhi.u32 @!p2 $0xAAAAAAAB, s20  }
0x36: {  	s2 =	smov.u32 s19;
	p3 =	sgt.s32 @!p2 s19, $0x508A0  }
0x37: {  	s8 =	sshra.s32 @!p2 s19, $0x1F;
	p3 =	por !p3, p2;
	s0 =	sshrl.u32 @!p2 s0, $0x1  }
0x38: {  	s8 =	sand.u32 @!p2 s8, s19;
	s2 =	simm.s32 @p3 $0x508A0;
	s0 =	smul.u32 @!p2 $0x3, s0  }
0x39: {  	s2 =	ssub.s32 @!p2 s2, s8  }
0x3a: {  	s2 =	sadd.s32 @!p2 $0xFFFAF760, s2;
	s0 =	ssub.s32 @!p2 s20, s0  }
0x3b: {  	s8 =	sshll.u32 @!p2 s2, $0x2;
	p3 =	sgt.s32 @!p2 s2, $0x6F;
	s0 =	smul.u32 @!p2 $0x1C0, s0  }
0x3c: {  	s9 =	sand.u32 @!p2 $0x7, s19;
	s2 =	ssub.s32 @!p2 $0x1C0, s8;
	p3 =	por !p3, p2  }
0x3d: {  	s8 =	sshrl.u32 @!p2 s19, $0x3;
	s2 =	sshrl.u32 @!p2 s2, $0x2;
	s0 =	sshrl.u32 @!p2 s0, $0x2  }
0x3e: {  	s8 =	sadd.s32 @!p2 s5, s8;
	s2 =	simm.s32 @!p3 $0x0;
	s0 =	sadd.s32 @!p2 $0x10438, s0  }
0x3f: {  	[tilespmem:s0], [sflag:$0x8] =	stream.linear.gather @!p2 [hbm4b:s8+s9], s2, $0x38;
	[tilespmem:$0x1E668] =	vst v63  }
0x40: {  	s0 =	sadd.s32 $0xFFFFFFFF, s20  }
0x41: {  	p2 =	sge.u32 s0, s12  }
0x42: {  	p3 =	sgt.s32 @!p2 s18, $0x508A0  }
0x43: {  	s2 =	smov.u32 s18;
	s8 =	sshra.s32 @!p2 s18, $0x1F;
	p3 =	por !p3, p2  }
0x44: {  	s8 =	sand.u32 @!p2 s8, s18;
	s2 =	simm.s32 @p3 $0x508A0  }
0x45: {  	s2 =	ssub.s32 @!p2 s2, s8  }
0x46: {  	s2 =	sadd.s32 @!p2 $0xFFFAF760, s2  }
0x47: {  	s8 =	sshll.u32 @!p2 s2, $0x2  }
0x48: {  	p3 =	sgt.s32 @!p2 s2, $0x6F;
	s2 =	ssub.s32 @!p2 $0x1C0, s8  }
0x49: {  	p3 =	por !p3, p2;
	s2 =	sshrl.u32 @!p2 s2, $0x2  }
0x4a: {  	s9 =	simm.s32 @!p2 $0x8;
	s8 =	sand.u32 @!p2 $0x1, s0;
	s2 =	simm.s32 @!p3 $0x0  }
0x4b: {  	s8 =	smul.u32 @!p2 $0x1C0, s8;
	_ =	swait.ge @!p2 [sflag:s9], s2  }
0x4c: {  	s22 =	ssub.s32 @!p2 $0x0, s2;
	[sflag:s9] =	ssyncset.done @!p2 $0x0  }
0x4d: {  	s8 =	sshrl.u32 @!p2 s8, $0x2;
	[sflag:s9] =	ssyncadd.s32 @!p2 s22;
	s9 =	sshrl.u32 @!p2 s18, $0x3  }
0x4e: {  	s8 =	sor.u32 @!p2 $0x10588, s8;
	s22 =	sand.u32 @!p2 $0x7, s18;
	s9 =	sadd.s32 @!p2 s10, s9  }
0x4f: {  	[tilespmem:s8], [sflag:$0x9] =	stream.linear.gather @!p2 [hbm4b:s9+s22], s2, $0x38;
	[tilespmem:$0x1E668] =	vst v63  }
0x50: {  	s22 =	ssub.s32 @!p2 $0x50910, s18  }
0x51: {  	p3 =	slt.s32 @!p2 s22, $0x1  }
0x52: {  	p3 =	por p2, p3  }
.Ltmp3:
0x53: {  	_ = 	snop;
	(pc) =	sbr.rel @p3 .LBB2_9-.Ltmp3, $1  }
0x54: {  	_ =	sdelay $0x3  }
0x55: {  	s2 =	smulhi.u32 $0xAAAAAAAB, s0;
	_ =	sdelay $0x1  }
0x56: {  	s2 =	sshrl.u32 s2, $0x1  }
0x57: {  	s2 =	smul.u32 $0x3, s2;
	_ =	sdelay $0x1  }
0x58: {  	s29 =	ssub.s32 s0, s2  }
0x59: {  	s8 =	simm.s32 $0x1;
	s0 =	smul.u32 $0x1C0, s29  }
.Ltmp4:
0x5a: {  	s8 =	simm.s32 @!p0 $0x0;
	(pc) =	sbr.rel .LBB2_6-.Ltmp4, $4  }
0x5b: {  	s30 =	smul.u32 $0x1C000, s8  }
0x5c: {  	p3 =	slt.s32 @!p2 s22, $0x70;
	s0 =	sshrl.u32 s0, $0x2  }
0x5d: {  	p2 =	por !p3, p2;
	s2 =	sshrl.u32 s30, $0x2;
	s31 =	sadd.s32 $0x10438, s0  }
0x5e: {  	s22 =	simm.s32 @p2 $0x70;
	s23 =	sor.u32 $0x10668, s2;
	s0 =	simm.s32 $0x0;
	v1 =	vmov s31  }
.LBB2_5:
0x5f: {  	p2 =	sge.s32 s0, s22  }
.Ltmp5:
0x60: {  	_ = 	snop;
	(pc) =	sbr.rel @p2 .LBB2_9-.Ltmp5, $2  }
0x61: {  	_ =	sdelay $0x2  }
0x62: {  	s23 =	sadd.s32 $0x1000, s23  }
.LBB2_6:
0x63: {  	p2 =	sle.s32 s22, s0  }
.Ltmp6:
0x64: {  	_ = 	snop;
	(pc) =	sbr.rel @p2 .LBB2_5-.Ltmp6, $2  }
0x65: {  	_ =	sdelay $0x2  }
0x66: {  	s24 =	smov.u32 s0;
	s0 =	sadd.s32 $0x10, s0  }
0x67: {  	s2 =	ssub.s32 s22, s24  }
0x68: {  	p2 =	slt.s32 s2, $0x10  }
0x69: {  	s2 =	simm.s32 @!p2 $0x10  }
0x6a: {  	v2 =	vmov s2  }
0x6b: {  	vm0 =	vgt.s32 v2, v0;
	_ =	sdelay $0x5  }
0x6c: {  	v2 =	vld.idx.msk [tilespmem:v1+s24+$0x0 ss:$0x1], vm0;
	_ =	sdelay $0x2  }
0x6d: {  	p2 =	slt.s32 s0, s22;
	s2 =	smov.u32 s22  }
0x6e: {  	s8 =	smov.u32 s23;
	s25 =	simm.s32 $0x0;
	s2 =	smov.u32 @p2 s0  }
.LBB2_8:
0x6f: {  	(v2sf) =	vpush v2, s25;
	_ =	sdelay $0xe  }
0x70: {  	s25 =	sadd.s32 $0x1, s25;
	s9 =	spop (v2sf)  }
0x71: {  	s31 =	sadd.s32 s25, s24;
	s26 =	sshll.u32 s9, $0x8;
	s9 =	sshll.u32 s9, $0x7  }
0x72: {  	p2 =	slt.s32 s31, s2;
	s26 =	sand.u32 $0xFFFFF800, s26;
	s9 =	sand.u32 $0x380, s9  }
.Ltmp7:
0x73: {  	s9 =	sor.u32 s9, s26;
	(pc) =	sbr.rel @p2 .LBB2_8-.Ltmp7, $4  }
0x74: {  	s9 =	sshrl.u32 s9, $0x3  }
0x75: {  	s9 =	sadd.s32 s4, s9  }
0x76: {  	[tilespmem:s8], [sflag:$0x7] =	stream.strided.gather [hbm4b:s9+s15], $0x100, s16, s15, $0x38;
	[tilespmem:$0x1E668] =	vst v63  }
0x77: {  	s8 =	sadd.s32 $0x100, s8  }
.Ltmp8:
0x78: {  	_ = 	snop;
	(pc) =	sbr.rel .LBB2_5-.Ltmp8, $1  }
0x79: {  	_ =	sdelay $0x3  }
.LBB2_9:
0x7a: {  	p2 =	slt.u32 s20, $0x2  }
.Ltmp9:
0x7b: {  	_ = 	snop;
	(pc) =	sbr.rel @p2 .LBB2_27-.Ltmp9, $1  }
0x7c: {  	_ =	sdelay $0x3  }
0x7d: {  	p2 =	sgt.s32 s21, $0x508A0;
	s0 =	smov.u32 s21  }
0x7e: {  	s2 =	sshra.s32 s21, $0x1F;
	s8 =	ssub.s32 $0x50910, s21;
	s0 =	simm.s32 @!p2 $0x508A0  }
0x7f: {  	s2 =	sand.u32 s2, s21;
	p2 =	slt.s32 s8, $0x70;
	s9 =	smov.u32 s8  }
0x80: {  	s0 =	ssub.s32 s0, s2;
	s9 =	simm.s32 @!p2 $0x70  }
0x81: {  	s0 =	sadd.s32 $0xFFFAF760, s0;
	s25 =	sshll.u32 s9, $0x8  }
0x82: {  	s3 =	simm.s32 $0x7;
	s26 =	sshll.u32 s0, $0x2;
	s2 =	sand.u32 $0x3FFFFF00, s25  }
0x83: {  	p2 =	sgt.s32 s0, $0x6F;
	s28 =	ssub.s32 $0x1C0, s26;
	_ =	swait.ge [sflag:s3], s2  }
0x84: {  	s2 =	ssub.s32 $0x0, s2;
	[sflag:s3] =	ssyncset.done $0x0;
	s0 =	sshrl.u32 s28, $0x2  }
0x85: {  	s30 =	simm.s32 $0x9;
	[sflag:s3] =	ssyncadd.s32 s2;
	s0 =	simm.s32 @p2 $0x0  }
0x86: {  	_ =	swait.ge [sflag:s30], s0  }
0x87: {  	s0 =	ssub.s32 $0x0, s0;
	[sflag:s30] =	ssyncset.done $0x0  }
0x88: {  	[sflag:s30] =	ssyncadd.s32 s0  }
0x89: {  	v1 =	vld [tilespmem:$0xE408];
	_ =	sdelay $0x4  }
0x8a: {  	(v2sf) =	vpush v1, $0x0  }
0x8b: {  	(v2sf) =	vpush v1, $0x1  }
0x8c: {  	(v2sf) =	vpush v1, $0x2;
	_ =	sdelay $0x3  }
0x8d: {  	s0 =	sadd.s32 $0x70, s21  }
0x8e: {  	p2 =	slt.s32 s7, s0  }
0x8f: {  	s0 =	smov.u32 @p2 s7;
	p2 =	sgt.s32 s8, $0x0  }
0x90: {  	s25 =	ssub.s32 s0, s21;
	s8 =	simm.s32 @!p2 $0x0  }
0x91: {  	p2 =	slt.s32 s8, s25  }
0x92: {  	s25 =	smov.u32 @p2 s8  }
0x93: {  	s24 =	simm.s32 $0x1;
	p2 =	slt.s32 s25, $0x1  }
.Ltmp10:
0x94: {  	s24 =	simm.s32 @!p1 $0x0;
	(pc) =	sbr.rel @p2 .LBB2_14-.Ltmp10, $4  }
0x95: {  	s31 =	smul.u32 $0x1C0, s24  }
0x96: {  	s26 =	spop (v2sf)  }
0x97: {  	s0 =	sshrl.u32 s31, $0x2;
	s29 =	spop (v2sf)  }
0x98: {  	s22 =	sor.u32 $0x10588, s0;
	s21 =	spop (v2sf)  }
0x99: {  	s0 =	smin.u32 s25, $0x10  }
0x9a: {  	v1 =	vmov s0  }
0x9b: {  	vm1 =	vgt.u32 v1, v0  }
0x9c: {  	p3 =	sgt.s32 s25, $0x10  }
.Ltmp11:
0x9d: {  	_ = 	snop;
	(pc) =	sbr.rel @!p3 .LBB2_13-.Ltmp11, $2  }
0x9e: {  	_ =	sdelay $0x2  }
0x9f: {  	s23 =	simm.s32 $0x10;
	s28 =	sadd.s32 $0xFFFFFFF0, s25;
	s0 =	smov.u32 s22;
	vm0 =	vmmov vm1;
	v1 =	vld.msk [tilespmem:s22+$0x0 ss:$0x1], vm1  }
.LBB2_12:
0xa0: {  	s2 =	smin.u32 s28, $0x10;
	s23 =	sadd.s32 $0x10, s23  }
0xa1: {  	v2 =	vmov s2;
	p3 =	slt.s32 s23, s25  }
0xa2: {  	vm1 =	vgt.u32 v2, v0;
	_ =	sdelay $0x1  }
0xa3: {  	v2 =	vshll.u32 v1, $0x5;
	v1 =	vshll.u32 v1, $0x4  }
.Ltmp12:
0xa4: {  	v2 =	vand.u32 $0xFFFFFF00, v2;
	v1 =	vand.u32 $0x70, v1;
	(pc) =	sbr.rel @p3 .LBB2_12-.Ltmp12, $4  }
0xa5: {  	v1 =	vor.u32 v1, v2  }
0xa6: {  	[tilespmem:s0+$0x0] =	vst.msk vm0, v1;
	s0 =	sadd.s32 $0x10, s0;
	vm0 =	vmmov vm1  }
0xa7: {  	v1 =	vld.msk [tilespmem:s0+$0x0 ss:$0x1], vm1  }
0xa8: {  	s28 =	sadd.s32 $0xFFFFFFF0, s28  }
.LBB2_13:
0xa9: {  	_ =	sdelay $0x3  }
0xaa: {  	v2 =	vshll.u32 v1, $0x5;
	v1 =	vshll.u32 v1, $0x4  }
0xab: {  	v2 =	vand.u32 $0xFFFFFF00, v2;
	v1 =	vand.u32 $0x70, v1  }
0xac: {  	v1 =	vor.u32 v1, v2  }
0xad: {  	[tilespmem:s0+$0x0] =	vst.msk vm0, v1  }
.LBB2_14:
0xae: {  	s0 =	sand.u32 $0x1, s20  }
0xaf: {  	s0 =	smul.u32 $0x70, s0  }
0xb0: {  	p3 =	sne.s32 s29, $0xFFFFFFFF  }
0xb1: {  	v1 =	vld.msk @!p3 [tilespmem:s0+$0x10588], $0x1;
	_ =	sdelay $0x4  }
0xb2: {  	(v2sf) =	vpush @!p3 v1, $0x0;
	_ =	sdelay $0xc  }
.Ltmp13:
0xb3: {  	_ = 	snop;
	(pc) =	sbr.rel @p2 .LBB2_25-.Ltmp13, $4  }
0xb4: {  	_ = 	snop  }
0xb5: {  	s28 =	spop @!p3 (v2sf)  }
0xb6: {  	s21 =	simm.s32 @!p3 $0x0;
	s23 =	smov.u32 s28  }
0xb7: {  	[sflag:s17] =	ssyncpa.u1 $0x0;
	s28 =	smov.u32 @p3 s26;
	s23 =	smov.u32 @p3 s29  }
0xb8: {  	v1 =	vld.msk [tilespmem:s22+$0x0], $0x1;
	_ =	sdelay $0x4  }
0xb9: {  	(v2sf) =	vpush v1, $0x0;
	_ =	sdelay $0xd  }
0xba: {  	s17 =	smov.u32 s6  }
0xbb: {  	s6 =	smov.u32 s14;
	s14 =	smov.u32 s5;
	s30 =	spop (v2sf)  }
0xbc: {  	s5 =	smov.u32 s10;
	s0 =	smul.u32 $0x1C000, s24;
	p2 =	seq.s32 s28, s30  }
0xbd: {  	s2 =	smov.u32 s28;
	s25 =	ssub.s32 $0x0, s25;
	p3 =	sgt.s32 @!p2 s28, $0x0  }
0xbe: {  	s26 =	simm.s32 $0x0;
	s0 =	sshrl.u32 s0, $0x2;
	p3 =	por !p3, p2  }
0xbf: {  	s29 =	sadd.s32 $0x1, s25;
	s24 =	sor.u32 $0x106E8, s0;
	s2 =	simm.s32 @p3 $0x0  }
0xc0: {  	s0 =	simm.s32 @!p2 $0x1;
	p3 =	seq.s32 s29, $0x0;
	s2 =	smin.u32 @!p2 s2, $0x4E170  }
.Ltmp14:
0xc1: {  	s9 =	simm.s32 @!p2 $0x7308;
	s8 =	sand.u32 @!p2 $0x7FFF8, s2;
	(pc) =	sbr.rel @p3 .LBB2_17-.Ltmp14, $4  }
0xc2: {  	s31 =	sadd.s32 @!p2 $0x80, s2;
	s10 =	sadd.s32 @!p2 s1, s8;
	s8 =	sand.u32 @!p2 $0x7, s2  }
0xc3: {  	[tilespmem:s9], [sflag:$0x2] =	stream.linear.gather @!p2 [hbm4b:s10+s8], $0x80, $0x38;
	[tilespmem:$0x1E668] =	vst v63  }
0xc4: {  	s0 =	smov.u32 @p2 s26;
	s9 =	sand.u32 @!p2 $0xFFFF8, s31  }
0xc5: {  	s2 =	simm.s32 @!p2 $0x7388;
	s31 =	sadd.s32 $0x1, s22;
	s9 =	sadd.s32 @!p2 s1, s9  }
.LBB2_16:
0xc6: {  	s10 =	smov.u32 s0  }
0xc7: {  	[tilespmem:s2], [sflag:$0x2] =	stream.linear.gather @!p2 [hbm4b:s9+s8], $0x80, $0x38;
	[tilespmem:$0x1E668] =	vst v63  }
0xc8: {  	s29 =	sadd.s32 $0x1, s29;
	s8 =	smov.u32 s30;
	v1 =	vld.msk [tilespmem:s31+$0x0], $0x1  }
0xc9: {  	p3 =	seq.s32 s29, $0x0;
	_ =	sdelay $0x3  }
0xca: {  	(v2sf) =	vpush v1, $0x0;
	_ =	sdelay $0xe  }
0xcb: {  	s30 =	spop (v2sf)  }
0xcc: {  	p2 =	seq.s32 s8, s30  }
0xcd: {  	p4 =	sgt.s32 @!p2 s8, $0x0;
	s2 =	sshll.u32 @!p2 s0, $0xA;
	s0 =	sadd.s32 @!p2 $0x1, s0  }
0xce: {  	p4 =	por !p4, p2;
	s2 =	sshra.s32 @!p2 s2, $0x2;
	s0 =	smov.u32 @p2 s10  }
0xcf: {  	s8 =	simm.s32 @p4 $0x0;
	s9 =	sadd.s32 @!p2 $0x7308, s2;
	s2 =	sadd.s32 @!p2 $0x7388, s2  }
.Ltmp15:
0xd0: {  	s8 =	smin.u32 @!p2 s8, $0x4E170;
	(pc) =	sbr.rel @!p3 .LBB2_16-.Ltmp15, $4  }
0xd1: {  	s10 =	sand.u32 @!p2 $0x7FFF8, s8;
	s3 =	sadd.s32 @!p2 $0x80, s8  }
0xd2: {  	s8 =	sand.u32 @!p2 $0x7, s8;
	s10 =	sadd.s32 @!p2 s1, s10;
	s3 =	sand.u32 @!p2 $0xFFFF8, s3  }
0xd3: {  	[tilespmem:s9], [sflag:$0x2] =	stream.linear.gather @!p2 [hbm4b:s10+s8], $0x80, $0x38;
	[tilespmem:$0x1E668] =	vst v63  }
0xd4: {  	s31 =	sadd.s32 $0x1, s31;
	s9 =	sadd.s32 @!p2 s1, s3  }
.LBB2_17:
0xd5: {  	[tilespmem:s2], [sflag:$0x2] =	stream.linear.gather @!p2 [hbm4b:s9+s8], $0x80, $0x38;
	[tilespmem:$0x1E668] =	vst v63  }
.Ltmp16:
0xd6: {  	s0 =	sshll.u32 s0, $0x8;
	(pc) =	sbr.rel .LBB2_18-.Ltmp16, $4  }
0xd7: {  	s31 =	simm.s32 $0x2;
	s30 =	simm.s32 $0x0;
	s0 =	sand.u32 $0x3FFFFF00, s0  }
0xd8: {  	s10 =	smov.u32 s5;
	s5 =	smov.u32 s14;
	_ =	swait.ge [sflag:s31], s0  }
0xd9: {  	s14 =	smov.u32 s6;
	s0 =	ssub.s32 $0x0, s0;
	[sflag:s31] =	ssyncset.done $0x0  }
0xda: {  	s6 =	smov.u32 s17;
	s17 =	simm.s32 $0xA;
	[sflag:s31] =	ssyncadd.s32 s0  }
.LBB2_19:
0xdb: {  	v1 =	vld [tilespmem:s24+$0xFFFFFF80];
	_ =	sdelay $0x4  }
0xdc: {  	[tilespmem:s31+$0x208] =	vst.add.f32.msk $0xffff, v1  }
0xdd: {  	v1 =	vld [tilespmem:s24+$0xFFFFFF90];
	_ =	sdelay $0x4  }
0xde: {  	[tilespmem:s31+$0x218] =	vst.add.f32.msk $0xffff, v1  }
0xdf: {  	v1 =	vld [tilespmem:s24+$0xFFFFFFA0];
	_ =	sdelay $0x4  }
0xe0: {  	[tilespmem:s31+$0x228] =	vst.add.f32.msk $0xffff, v1  }
0xe1: {  	v1 =	vld [tilespmem:s24+$0xFFFFFFB0];
	_ =	sdelay $0x4  }
0xe2: {  	[tilespmem:s31+$0x238] =	vst.add.f32.msk $0xffff, v1  }
0xe3: {  	v1 =	vld [tilespmem:s24+$0xFFFFFFC0];
	_ =	sdelay $0x4  }
0xe4: {  	[tilespmem:s31+$0x248] =	vst.add.f32.msk $0xffff, v1  }
0xe5: {  	v1 =	vld [tilespmem:s24+$0xFFFFFFD0];
	_ =	sdelay $0x4  }
0xe6: {  	[tilespmem:s31+$0x258] =	vst.add.f32.msk $0xffff, v1  }
0xe7: {  	v1 =	vld [tilespmem:s24+$0xFFFFFFE0];
	_ =	sdelay $0x4  }
0xe8: {  	[tilespmem:s31+$0x268] =	vst.add.f32.msk $0xffff, v1  }
0xe9: {  	v1 =	vld [tilespmem:s24+$0xFFFFFFF0];
	_ =	sdelay $0x4  }
0xea: {  	[tilespmem:s31+$0x278] =	vst.add.f32.msk $0xffff, v1  }
0xeb: {  	v1 =	vld [tilespmem:s24+$0x0];
	_ =	sdelay $0x4  }
0xec: {  	[tilespmem:s31+$0x288] =	vst.add.f32.msk $0xffff, v1  }
0xed: {  	v1 =	vld [tilespmem:s24+$0x10];
	_ =	sdelay $0x4  }
0xee: {  	[tilespmem:s31+$0x298] =	vst.add.f32.msk $0xffff, v1  }
0xef: {  	v1 =	vld [tilespmem:s24+$0x20];
	_ =	sdelay $0x4  }
0xf0: {  	[tilespmem:s31+$0x2A8] =	vst.add.f32.msk $0xffff, v1  }
0xf1: {  	v1 =	vld [tilespmem:s24+$0x30];
	_ =	sdelay $0x4  }
0xf2: {  	[tilespmem:s31+$0x2B8] =	vst.add.f32.msk $0xffff, v1  }
0xf3: {  	v1 =	vld [tilespmem:s24+$0x40];
	_ =	sdelay $0x4  }
0xf4: {  	[tilespmem:s31+$0x2C8] =	vst.add.f32.msk $0xffff, v1  }
0xf5: {  	v1 =	vld [tilespmem:s24+$0x50];
	_ =	sdelay $0x4  }
0xf6: {  	[tilespmem:s31+$0x2D8] =	vst.add.f32.msk $0xffff, v1  }
0xf7: {  	v1 =	vld [tilespmem:s24+$0x60];
	_ =	sdelay $0x4  }
0xf8: {  	[tilespmem:s31+$0x2E8] =	vst.add.f32.msk $0xffff, v1  }
0xf9: {  	v1 =	vld [tilespmem:s24+$0x70];
	_ =	sdelay $0x4  }
0xfa: {  	[tilespmem:s31+$0x2F8] =	vst.add.f32.msk $0xffff, v1  }
.LBB2_23:
0xfb: {  	s25 =	sadd.s32 $0x1, s25  }
0xfc: {  	p2 =	seq.s32 s25, $0x0  }
.Ltmp17:
0xfd: {  	_ = 	snop;
	(pc) =	sbr.rel @p2 .LBB2_24-.Ltmp17, $2  }
0xfe: {  	_ =	sdelay $0x2  }
0xff: {  	s22 =	sadd.s32 $0x1, s22;
	s24 =	sadd.s32 $0x100, s24;
	s28 =	smov.u32 s29  }
.LBB2_18:
0x100: {  	v1 =	vld.msk [tilespmem:s22+$0x0], $0x1;
	_ =	sdelay $0x4  }
0x101: {  	(v2sf) =	vpush v1, $0x0;
	_ =	sdelay $0xe  }
0x102: {  	s29 =	spop (v2sf)  }
0x103: {  	p2 =	sne.s32 s28, s29  }
.Ltmp18:
0x104: {  	_ = 	snop;
	(pc) =	sbr.rel @!p2 .LBB2_19-.Ltmp18, $3  }
0x105: {  	_ =	sdelay $0x1  }
0x106: {  	s0 =	sshll.u32 s21, $0xA  }
0x107: {  	s31 =	sshra.s32 s0, $0x2  }
0x108: {  	p2 =	seq.s32 s28, s23  }
.Ltmp19:
0x109: {  	_ = 	snop;
	(pc) =	sbr.rel @!p2 .LBB2_21-.Ltmp19, $1  }
0x10a: {  	_ =	sdelay $0x3  }
.Ltmp20:
0x10b: {  	s0 =	sadd.s32 $0x208, s31;
	(pc) =	sbr.rel .LBB2_22-.Ltmp20, $4  }
0x10c: {  	[spmem:s13] =	stream.linear.scatter [tilespmem:s0], [sflag:$0x1], $0x100, $0x38;
	[tilespmem:$0x1E668] =	vst v63  }
0x10d: {  	_ =	swait.ge [sflag:s11], $0x100  }
0x10e: {  	[sflag:s11] =	ssyncset.done $0x0  }
0x10f: {  	[sflag:s11] =	ssyncadd.s32 $0xFFFFFF00  }
.LBB2_21:
0x110: {  	s0 =	sshll.u32 s26, $0xA  }
0x111: {  	s0 =	sshra.s32 s0, $0x2  }
0x112: {  	v1 =	vld [tilespmem:s0+$0x7308];
	_ =	sdelay $0x4  }
0x113: {  	[tilespmem:s31+$0x208] =	vst.add.f32.msk $0xffff, v1  }
0x114: {  	v1 =	vld [tilespmem:s0+$0x7318];
	_ =	sdelay $0x4  }
0x115: {  	[tilespmem:s31+$0x218] =	vst.add.f32.msk $0xffff, v1  }
0x116: {  	v1 =	vld [tilespmem:s0+$0x7328];
	_ =	sdelay $0x4  }
0x117: {  	[tilespmem:s31+$0x228] =	vst.add.f32.msk $0xffff, v1  }
0x118: {  	v1 =	vld [tilespmem:s0+$0x7338];
	_ =	sdelay $0x4  }
0x119: {  	[tilespmem:s31+$0x238] =	vst.add.f32.msk $0xffff, v1  }
0x11a: {  	v1 =	vld [tilespmem:s0+$0x7348];
	_ =	sdelay $0x4  }
0x11b: {  	[tilespmem:s31+$0x248] =	vst.add.f32.msk $0xffff, v1  }
0x11c: {  	v1 =	vld [tilespmem:s0+$0x7358];
	_ =	sdelay $0x4  }
0x11d: {  	[tilespmem:s31+$0x258] =	vst.add.f32.msk $0xffff, v1  }
0x11e: {  	v1 =	vld [tilespmem:s0+$0x7368];
	_ =	sdelay $0x4  }
0x11f: {  	[tilespmem:s31+$0x268] =	vst.add.f32.msk $0xffff, v1  }
0x120: {  	v1 =	vld [tilespmem:s0+$0x7378];
	_ =	sdelay $0x4  }
0x121: {  	[tilespmem:s31+$0x278] =	vst.add.f32.msk $0xffff, v1  }
0x122: {  	v1 =	vld [tilespmem:s0+$0x7388];
	_ =	sdelay $0x4  }
0x123: {  	[tilespmem:s31+$0x288] =	vst.add.f32.msk $0xffff, v1  }
0x124: {  	v1 =	vld [tilespmem:s0+$0x7398];
	_ =	sdelay $0x4  }
0x125: {  	[tilespmem:s31+$0x298] =	vst.add.f32.msk $0xffff, v1  }
0x126: {  	v1 =	vld [tilespmem:s0+$0x73A8];
	_ =	sdelay $0x4  }
0x127: {  	[tilespmem:s31+$0x2A8] =	vst.add.f32.msk $0xffff, v1  }
0x128: {  	v1 =	vld [tilespmem:s0+$0x73B8];
	_ =	sdelay $0x4  }
0x129: {  	[tilespmem:s31+$0x2B8] =	vst.add.f32.msk $0xffff, v1  }
0x12a: {  	v1 =	vld [tilespmem:s0+$0x73C8];
	_ =	sdelay $0x4  }
0x12b: {  	[tilespmem:s31+$0x2C8] =	vst.add.f32.msk $0xffff, v1  }
0x12c: {  	v1 =	vld [tilespmem:s0+$0x73D8];
	_ =	sdelay $0x4  }
0x12d: {  	[tilespmem:s31+$0x2D8] =	vst.add.f32.msk $0xffff, v1  }
0x12e: {  	v1 =	vld [tilespmem:s0+$0x73E8];
	_ =	sdelay $0x4  }
0x12f: {  	[tilespmem:s31+$0x2E8] =	vst.add.f32.msk $0xffff, v1  }
0x130: {  	v1 =	vld [tilespmem:s0+$0x73F8];
	_ =	sdelay $0x2  }
0x131: {  	p2 =	sgt.u32 s28, $0x4E170  }
0x132: {  	s0 =	sand.u32 @!p2 $0x7FFF8, s28  }
0x133: {  	s2 =	sadd.s32 $0x208, s31;
	s3 =	sand.u32 @!p2 $0x7, s28;
	s0 =	sadd.s32 @!p2 s1, s0;
	[tilespmem:s31+$0x2F8] =	vst.add.f32.msk $0xffff, v1  }
0x134: {  	[hbm4b:s0+s3] =	stream.linear.scatter @!p2 [tilespmem:s2], [sflag:$0xA], $0x80, $0x38;
	[tilespmem:$0x1E668] =	vst v63  }
0x135: {  	s0 =	sadd.s32 @!p2 $0x80, s28  }
0x136: {  	s0 =	sand.u32 @!p2 $0xFFFF8, s0  }
0x137: {  	s2 =	sadd.s32 $0x288, s31;
	s0 =	sadd.s32 @!p2 s1, s0  }
0x138: {  	[hbm4b:s0+s3] =	stream.linear.scatter @!p2 [tilespmem:s2], [sflag:$0xA], $0x80, $0x38;
	[tilespmem:$0x1E668] =	vst v63  }
0x139: {  	s0 =	simm.s32 $0x0  }
0x13a: {  	s0 =	simm.s32 @!p2 $0x400  }
0x13b: {  	s30 =	sadd.s32 s0, s30  }
.LBB2_22:
0x13c: {  	s0 =	sadd.s32 $0x1, s21  }
0x13d: {  	s2 =	sshrl.u32 s0, $0x4  }
0x13e: {  	s2 =	smulhi.u32 $0x24924925, s2  }
0x13f: {  	v1 =	vld [tilespmem:s24+$0xFFFFFF80]  }
0x140: {  	s2 =	smul.u32 $0x70, s2;
	_ =	sdelay $0x1  }
0x141: {  	s21 =	ssub.s32 s0, s2  }
0x142: {  	s0 =	sshll.u32 s21, $0x8  }
0x143: {  	[tilespmem:s0+$0x208] =	vst v1  }
0x144: {  	v1 =	vld [tilespmem:s24+$0xFFFFFF90];
	_ =	sdelay $0x4  }
0x145: {  	[tilespmem:s0+$0x218] =	vst v1  }
0x146: {  	v1 =	vld [tilespmem:s24+$0xFFFFFFA0];
	_ =	sdelay $0x4  }
0x147: {  	[tilespmem:s0+$0x228] =	vst v1  }
0x148: {  	v1 =	vld [tilespmem:s24+$0xFFFFFFB0];
	_ =	sdelay $0x4  }
0x149: {  	[tilespmem:s0+$0x238] =	vst v1  }
0x14a: {  	v1 =	vld [tilespmem:s24+$0xFFFFFFC0];
	_ =	sdelay $0x4  }
0x14b: {  	[tilespmem:s0+$0x248] =	vst v1  }
0x14c: {  	v1 =	vld [tilespmem:s24+$0xFFFFFFD0];
	_ =	sdelay $0x4  }
0x14d: {  	[tilespmem:s0+$0x258] =	vst v1  }
0x14e: {  	v1 =	vld [tilespmem:s24+$0xFFFFFFE0];
	_ =	sdelay $0x4  }
0x14f: {  	[tilespmem:s0+$0x268] =	vst v1  }
0x150: {  	v1 =	vld [tilespmem:s24+$0xFFFFFFF0];
	_ =	sdelay $0x4  }
0x151: {  	[tilespmem:s0+$0x278] =	vst v1  }
0x152: {  	v1 =	vld [tilespmem:s24+$0x0];
	_ =	sdelay $0x4  }
0x153: {  	[tilespmem:s0+$0x288] =	vst v1  }
0x154: {  	v1 =	vld [tilespmem:s24+$0x10];
	_ =	sdelay $0x4  }
0x155: {  	[tilespmem:s0+$0x298] =	vst v1  }
0x156: {  	v1 =	vld [tilespmem:s24+$0x20];
	_ =	sdelay $0x4  }
0x157: {  	[tilespmem:s0+$0x2A8] =	vst v1  }
0x158: {  	v1 =	vld [tilespmem:s24+$0x30];
	_ =	sdelay $0x4  }
0x159: {  	[tilespmem:s0+$0x2B8] =	vst v1  }
0x15a: {  	v1 =	vld [tilespmem:s24+$0x40];
	_ =	sdelay $0x4  }
0x15b: {  	[tilespmem:s0+$0x2C8] =	vst v1  }
0x15c: {  	v1 =	vld [tilespmem:s24+$0x50];
	_ =	sdelay $0x4  }
0x15d: {  	[tilespmem:s0+$0x2D8] =	vst v1  }
0x15e: {  	v1 =	vld [tilespmem:s24+$0x60];
	_ =	sdelay $0x4  }
0x15f: {  	[tilespmem:s0+$0x2E8] =	vst v1  }
0x160: {  	v1 =	vld [tilespmem:s24+$0x70]  }
.Ltmp21:
0x161: {  	_ = 	snop;
	(pc) =	sbr.rel .LBB2_23-.Ltmp21, $2  }
0x162: {  	_ =	sdelay $0x2  }
0x163: {  	s26 =	sadd.s32 $0x1, s26;
	[tilespmem:s0+$0x2F8] =	vst v1  }
.LBB2_25:
.Ltmp22:
0x164: {  	(pc) =	sbr.rel .LBB2_26-.Ltmp22, $4  }
0x165: {  	_ = 	snop  }
0x166: {  	s0 =	simm.s32 $0x2  }
0x167: {  	_ =	swait.ge [sflag:s0], $0x0  }
0x168: {  	s29 =	smov.u32 s28;
	[sflag:s0] =	ssyncset.done $0x0;
	s0 =	simm.s32 $0x0  }
.LBB2_28:
0x169: {  	_ =	sfence.sel $0x180000  }
0x16a: {  	s0 =	simm.s32 $0x7;
	[bflag:$0x0] =	sbarrier.arrive $0xFFFF  }
0x16b: {  	s25 =	simm.s32 $0x8;
	[sflag:s0] =	ssyncpa.u1 $0x1  }
0x16c: {  	s26 =	simm.s32 $0x9;
	[sflag:s25] =	ssyncpa.u1 $0x1  }
0x16d: {  	s28 =	simm.s32 $0x2;
	[sflag:s26] =	ssyncpa.u1 $0x1  }
0x16e: {  	[sflag:s28] =	ssyncpa.u1 $0x1  }
0x16f: {  	v0 =	vld [tilespmem:$0xE408];
	_ =	sdelay $0x4  }
0x170: {  	(v2sf) =	vpush v0, $0x0  }
0x171: {  	(v2sf) =	vpush v0, $0x1;
	_ =	sdelay $0x1  }
0x172: {  	(v2sf) =	vpush v0, $0x2;
	_ =	sdelay $0xb  }
0x173: {  	s0 =	spop (v2sf)  }
0x174: {  	s2 =	spop (v2sf)  }
0x175: {  	s3 =	smov.u32 s0;
	p0 =	sne.s32 s0, s2  }
0x176: {  	s4 =	spop (v2sf);
	s3 =	simm.s32 @!p0 $0xFFFFFFFF  }
0x177: {  	v2 =	vimm.s32 $0x1;
	v3 =	vlaneseq.u32;
	p0 =	seq.s32 s4, $0xFFFFFFFF;
	v1 =	vmov s3  }
0x178: {  	s7 =	stileid.u32;
	v0 =	vperm.xlane v0, v2;
	p1 =	sne.s32 @!p0 s0, s2;
	v1 =	vperm.xlane v1, v3  }
0x179: {  	vm0 =	vcmask $0x3F04;
	s6 =	simm.s32 $0xE408;
	s0 =	simm.s32 @!p0 $0x1;
	p1 =	por !p1, p0  }
0x17a: {  	s3 =	sshll.u32 s7, $0x1;
	s2 =	sshll.u32 @!p0 s4, $0xA;
	s0 =	simm.s32 @p1 $0x0;
	v0 =	vsel vm0, v1, v0  }
0x17b: {  	s5 =	sor.u32 $0x2000, s3;
	s2 =	sshra.s32 @!p0 s2, $0x2;
	s0 =	sor.u32 @!p0 s0, s3;
	[tilespmem:$0xE408] =	vst v0  }
0x17c: {  	[spmem:s5] =	stream.linear.scatter [tilespmem:s6], [sflag:$0x1], $0x2, $0x38;
	[tilespmem:$0x1E668] =	vst v63  }
0x17d: {  	s2 =	sadd.s32 @!p0 $0x208, s2;
	s0 =	sshll.u32 @!p0 s0, $0x8  }
0x17e: {  	[spmem:s0] =	stream.linear.scatter @!p0 [tilespmem:s2], [sflag:$0x1], $0x100, $0x38;
	[tilespmem:$0x1E668] =	vst v63  }
0x17f: {  	s2 =	simm.s32 @!p0 $0x102  }
0x180: {  	s0 =	simm.s32 $0x1;
	s2 =	simm.s32 @p0 $0x2  }
0x181: {  	_ =	swait.ge [sflag:s0], s2  }
0x182: {  	s2 =	ssub.s32 $0x0, s2;
	[sflag:s0] =	ssyncset.done $0x0  }
0x183: {  	[sflag:s0] =	ssyncadd.s32 s2  }
0x184: {  	_ =	sfence.stream.spmem  }
0x185: {  	s29 =	simm.s32 $0x3;
	[bflag:$0x0] =	sbarrier.arrive $0xFFFF  }
0x186: {  	s30 =	simm.s32 $0x4;
	[sflag:s29] =	ssyncpa.u1 $0x1  }
0x187: {  	s31 =	simm.s32 $0x3C;
	[sflag:s30] =	ssyncpa.u1 $0x1  }
0x188: {  	p0 =	sne.s32 s7, $0x0;
	[sflag:s31] =	ssyncpa.u1 $0x1  }
0x189: {  	_ =	sfence @p0  }
0x18a: {  	[sflag:s0] =	ssyncpa.u1 @p0 $0x1  }
0x18b: {  	_ =	strace @p0 $0x9000004D  }
0x18c: {  	[bflag:$0x2] =	sbarrier.arrive @p0 $0xFFFF  }
0x18d: {  	_ =	shalt @p0  }
.LBB2_29:
0x18e: {  	_ =	sfence.stream.spmem;
	s0 =	simm.s32 $0x5  }
0x18f: {  	s2 =	simm.s32 $0x2000;
	s3 =	simm.s32 $0xE418;
	[sflag:s0] =	ssyncpa.u1 $0x0  }
0x190: {  	[tilespmem:s3], [sflag:$0x5] =	stream.linear.gather [spmem:s2], $0x20, $0x38;
	[tilespmem:$0x1E668] =	vst v63  }
0x191: {  	s30 =	simm.s32 $0xE438;
	s2 =	simm.s32 $0x0  }
0x192: {  	[tilespmem:s30], [sflag:$0x5] =	stream.linear.gather [spmem:s2], $0x2000, $0x38;
	[tilespmem:$0x1E668] =	vst v63  }
.Ltmp23:
0x193: {  	_ = 	snop;
	(pc) =	sbr.rel .LBB2_30-.Ltmp23, $4  }
0x194: {  	_ =	swait.ge [sflag:s0], $0x2020  }
0x195: {  	[sflag:s0] =	ssyncset.done $0x0  }
0x196: {  	s31 =	simm.s32 $0x6;
	[sflag:s0] =	ssyncadd.s32 $0xFFFFDFE0  }
0x197: {  	s3 =	simm.s32 $0x0;
	[sflag:s31] =	ssyncpa.u1 $0x0  }
.LBB2_36:
0x198: {  	p0 =	slt.u32 s4, $0x4E171  }
0x199: {  	s0 =	sand.u32 @p0 $0x7FFF8, s4  }
0x19a: {  	s5 =	sand.u32 @p0 $0x7, s4;
	s6 =	simm.s32 @p0 $0xE308;
	s0 =	sadd.s32 @p0 s1, s0  }
0x19b: {  	[tilespmem:s6], [sflag:$0x6] =	stream.linear.gather @p0 [hbm4b:s0+s5], $0x80, $0x38;
	[tilespmem:$0x1E668] =	vst v63  }
0x19c: {  	s0 =	sadd.s32 @p0 $0x80, s4  }
0x19d: {  	s0 =	sand.u32 @p0 $0xFFFF8, s0  }
0x19e: {  	s4 =	simm.s32 @p0 $0xE388;
	s0 =	sadd.s32 @p0 s1, s0  }
0x19f: {  	[tilespmem:s4], [sflag:$0x6] =	stream.linear.gather @p0 [hbm4b:s0+s5], $0x80, $0x38;
	[tilespmem:$0x1E668] =	vst v63  }
0x1a0: {  	s0 =	simm.s32 @p0 $0x6  }
0x1a1: {  	_ =	swait.ge @p0 [sflag:s0], $0x100  }
0x1a2: {  	[sflag:s0] =	ssyncset.done @p0 $0x0  }
0x1a3: {  	[sflag:s0] =	ssyncadd.s32 @p0 $0xFFFFFF00  }
0x1a4: {  	v1 =	vld @p0 [tilespmem:$0xE308];
	_ =	sdelay $0x2  }
0x1a5: {  	s0 =	sshll.u32 @p0 s3, $0xA  }
0x1a6: {  	s4 =	sshrl.u32 @p0 s0, $0x2  }
0x1a7: {  	[tilespmem:s4+$0xE438] =	vst.add.f32.msk @p0 $0xffff, v1  }
0x1a8: {  	v1 =	vld @p0 [tilespmem:$0xE318];
	_ =	sdelay $0x4  }
0x1a9: {  	[tilespmem:s4+$0xE448] =	vst.add.f32.msk @p0 $0xffff, v1  }
0x1aa: {  	v1 =	vld @p0 [tilespmem:$0xE328];
	_ =	sdelay $0x4  }
0x1ab: {  	[tilespmem:s4+$0xE458] =	vst.add.f32.msk @p0 $0xffff, v1  }
0x1ac: {  	v1 =	vld @p0 [tilespmem:$0xE338];
	_ =	sdelay $0x4  }
0x1ad: {  	[tilespmem:s4+$0xE468] =	vst.add.f32.msk @p0 $0xffff, v1  }
0x1ae: {  	v1 =	vld @p0 [tilespmem:$0xE348];
	_ =	sdelay $0x4  }
0x1af: {  	[tilespmem:s4+$0xE478] =	vst.add.f32.msk @p0 $0xffff, v1  }
0x1b0: {  	v1 =	vld @p0 [tilespmem:$0xE358];
	_ =	sdelay $0x4  }
0x1b1: {  	[tilespmem:s4+$0xE488] =	vst.add.f32.msk @p0 $0xffff, v1  }
0x1b2: {  	v1 =	vld @p0 [tilespmem:$0xE368];
	_ =	sdelay $0x4  }
0x1b3: {  	[tilespmem:s4+$0xE498] =	vst.add.f32.msk @p0 $0xffff, v1  }
0x1b4: {  	v1 =	vld @p0 [tilespmem:$0xE378];
	_ =	sdelay $0x4  }
0x1b5: {  	[tilespmem:s4+$0xE4A8] =	vst.add.f32.msk @p0 $0xffff, v1  }
0x1b6: {  	v1 =	vld @p0 [tilespmem:$0xE388];
	_ =	sdelay $0x4  }
0x1b7: {  	[tilespmem:s4+$0xE4B8] =	vst.add.f32.msk @p0 $0xffff, v1  }
0x1b8: {  	v1 =	vld @p0 [tilespmem:$0xE398];
	_ =	sdelay $0x4  }
0x1b9: {  	[tilespmem:s4+$0xE4C8] =	vst.add.f32.msk @p0 $0xffff, v1  }
0x1ba: {  	v1 =	vld @p0 [tilespmem:$0xE3A8];
	_ =	sdelay $0x4  }
0x1bb: {  	[tilespmem:s4+$0xE4D8] =	vst.add.f32.msk @p0 $0xffff, v1  }
0x1bc: {  	v1 =	vld @p0 [tilespmem:$0xE3B8];
	_ =	sdelay $0x4  }
0x1bd: {  	[tilespmem:s4+$0xE4E8] =	vst.add.f32.msk @p0 $0xffff, v1  }
0x1be: {  	v1 =	vld @p0 [tilespmem:$0xE3C8];
	_ =	sdelay $0x4  }
0x1bf: {  	[tilespmem:s4+$0xE4F8] =	vst.add.f32.msk @p0 $0xffff, v1  }
0x1c0: {  	v1 =	vld @p0 [tilespmem:$0xE3D8];
	_ =	sdelay $0x4  }
0x1c1: {  	[tilespmem:s4+$0xE508] =	vst.add.f32.msk @p0 $0xffff, v1  }
0x1c2: {  	v1 =	vld @p0 [tilespmem:$0xE3E8];
	_ =	sdelay $0x4  }
0x1c3: {  	[tilespmem:s4+$0xE518] =	vst.add.f32.msk @p0 $0xffff, v1  }
0x1c4: {  	v1 =	vld @p0 [tilespmem:$0xE3F8];
	_ =	sdelay $0x3  }
0x1c5: {  	s5 =	sshll.u32 @!p0 s3, $0xA  }
0x1c6: {  	s5 =	smov.u32 @p0 s0;
	[tilespmem:s4+$0xE528] =	vst.add.f32.msk @p0 $0xffff, v1  }
0x1c7: {  	s0 =	sshrl.u32 s5, $0x2;
	[tilespmem:s2+$0xE418] =	vst.msk $0x1, v0  }
0x1c8: {  	v0 =	vld [tilespmem:s0+$0xE438];
	_ =	sdelay $0x2  }
0x1c9: {  	s31 =	sshll.u32 s2, $0xA  }
0x1ca: {  	s4 =	sshra.s32 s31, $0x2  }
0x1cb: {  	[tilespmem:s4+$0xE438] =	vst v0  }
0x1cc: {  	v0 =	vld [tilespmem:s0+$0xE448];
	_ =	sdelay $0x4  }
0x1cd: {  	[tilespmem:s4+$0xE448] =	vst v0  }
0x1ce: {  	v0 =	vld [tilespmem:s0+$0xE458];
	_ =	sdelay $0x4  }
0x1cf: {  	[tilespmem:s4+$0xE458] =	vst v0  }
0x1d0: {  	v0 =	vld [tilespmem:s0+$0xE468];
	_ =	sdelay $0x4  }
0x1d1: {  	[tilespmem:s4+$0xE468] =	vst v0  }
0x1d2: {  	v0 =	vld [tilespmem:s0+$0xE478];
	_ =	sdelay $0x4  }
0x1d3: {  	[tilespmem:s4+$0xE478] =	vst v0  }
0x1d4: {  	v0 =	vld [tilespmem:s0+$0xE488];
	_ =	sdelay $0x4  }
0x1d5: {  	[tilespmem:s4+$0xE488] =	vst v0  }
0x1d6: {  	v0 =	vld [tilespmem:s0+$0xE498];
	_ =	sdelay $0x4  }
0x1d7: {  	[tilespmem:s4+$0xE498] =	vst v0  }
0x1d8: {  	v0 =	vld [tilespmem:s0+$0xE4A8];
	_ =	sdelay $0x4  }
0x1d9: {  	[tilespmem:s4+$0xE4A8] =	vst v0  }
0x1da: {  	v0 =	vld [tilespmem:s0+$0xE4B8];
	_ =	sdelay $0x4  }
0x1db: {  	[tilespmem:s4+$0xE4B8] =	vst v0  }
0x1dc: {  	v0 =	vld [tilespmem:s0+$0xE4C8];
	_ =	sdelay $0x4  }
0x1dd: {  	[tilespmem:s4+$0xE4C8] =	vst v0  }
0x1de: {  	v0 =	vld [tilespmem:s0+$0xE4D8];
	_ =	sdelay $0x4  }
0x1df: {  	[tilespmem:s4+$0xE4D8] =	vst v0  }
0x1e0: {  	v0 =	vld [tilespmem:s0+$0xE4E8];
	_ =	sdelay $0x4  }
0x1e1: {  	[tilespmem:s4+$0xE4E8] =	vst v0  }
0x1e2: {  	v0 =	vld [tilespmem:s0+$0xE4F8];
	_ =	sdelay $0x4  }
0x1e3: {  	[tilespmem:s4+$0xE4F8] =	vst v0  }
0x1e4: {  	v0 =	vld [tilespmem:s0+$0xE508];
	_ =	sdelay $0x4  }
0x1e5: {  	[tilespmem:s4+$0xE508] =	vst v0  }
0x1e6: {  	v0 =	vld [tilespmem:s0+$0xE518];
	_ =	sdelay $0x4  }
0x1e7: {  	[tilespmem:s4+$0xE518] =	vst v0  }
0x1e8: {  	v0 =	vld [tilespmem:s0+$0xE528];
	_ =	sdelay $0x4  }
0x1e9: {  	s2 =	sadd.s32 $0x1, s2;
	[tilespmem:s4+$0xE528] =	vst v0  }
.LBB2_37:
0x1ea: {  	s3 =	sadd.s32 $0x1, s3  }
0x1eb: {  	p0 =	sne.s32 s3, $0x20  }
.Ltmp24:
0x1ec: {  	_ = 	snop;
	(pc) =	sbr.rel @!p0 .LBB2_38-.Ltmp24, $1  }
0x1ed: {  	_ =	sdelay $0x3  }
.LBB2_30:
0x1ee: {  	v0 =	vld.msk [tilespmem:s3+$0xE418], $0x1;
	_ =	sdelay $0x4  }
0x1ef: {  	(v2sf) =	vpush v0, $0x0;
	_ =	sdelay $0xe  }
0x1f0: {  	s4 =	spop (v2sf)  }
0x1f1: {  	p0 =	seq.s32 s4, $0xFFFFFFFF  }
.Ltmp25:
0x1f2: {  	_ = 	snop;
	(pc) =	sbr.rel @p0 .LBB2_37-.Ltmp25, $1  }
0x1f3: {  	_ =	sdelay $0x3  }
0x1f4: {  	p0 =	slt.s32 s2, $0x1  }
.Ltmp26:
0x1f5: {  	_ = 	snop;
	(pc) =	sbr.rel @p0 .LBB2_36-.Ltmp26, $1  }
0x1f6: {  	_ =	sdelay $0x3  }
0x1f7: {  	s5 =	simm.s32 $0xE418;
	p0 =	por $0x0, $0x0  }
0x1f8: {  	v1 =	vld.msk @!p0 [tilespmem:s5+$0x0], $0x1;
	_ =	sdelay $0x4  }
0x1f9: {  	(v2sf) =	vpush @!p0 v1, $0x0;
	_ =	sdelay $0xd  }
0x1fa: {  	p2 =	sne.s32 s2, $0x1  }
.Ltmp27:
0x1fb: {  	s0 =	spop @!p0 (v2sf);
	(pc) =	sbr.rel @!p2 .LBB2_34-.Ltmp27, $4  }
0x1fc: {  	p1 =	seq.s32 @!p0 s4, s0  }
0x1fd: {  	s6 =	simm.s32 $0x0;
	p1 =	por !p1, p0  }
0x1fe: {  	s0 =	simm.s32 $0xFFFFFFFF;
	s6 =	simm.s32 @p1 $0xFFFFFFFF  }
0x1ff: {  	s7 =	simm.s32 $0x1;
	s6 =	smov.u32 @p0 s0  }
.LBB2_33:
0x200: {  	s0 =	smov.u32 s6;
	p0 =	sne.s32 s6, $0xFFFFFFFF  }
0x201: {  	s5 =	sadd.s32 $0x1, s5;
	s6 =	smov.u32 s7;
	s7 =	sadd.s32 $0x1, s7  }
0x202: {  	p1 =	sne.s32 s2, s7;
	v1 =	vld.msk @!p0 [tilespmem:s5+$0x0], $0x1;
	_ =	sdelay $0x4  }
0x203: {  	(v2sf) =	vpush @!p0 v1, $0x0;
	_ =	sdelay $0xe  }
.Ltmp28:
0x204: {  	s8 =	spop @!p0 (v2sf);
	(pc) =	sbr.rel @p1 .LBB2_33-.Ltmp28, $4  }
0x205: {  	p2 =	seq.s32 @!p0 s4, s8  }
0x206: {  	p2 =	por !p2, p0  }
0x207: {  	s6 =	simm.s32 @p2 $0xFFFFFFFF  }
0x208: {  	s6 =	smov.u32 @p0 s0  }
.LBB2_34:
0x209: {  	p0 =	seq.s32 s6, $0xFFFFFFFF  }
.Ltmp29:
0x20a: {  	_ = 	snop;
	(pc) =	sbr.rel @p0 .LBB2_36-.Ltmp29, $1  }
0x20b: {  	_ =	sdelay $0x3  }
0x20c: {  	s0 =	sshll.u32 s3, $0x8  }
0x20d: {  	s0 =	sand.u32 $0x3FFFFF00, s0  }
0x20e: {  	v0 =	vld [tilespmem:s0+$0xE438];
	_ =	sdelay $0x2  }
0x20f: {  	s4 =	sshll.u32 s6, $0xA  }
0x210: {  	s4 =	sshra.s32 s4, $0x2  }
0x211: {  	[tilespmem:s4+$0xE438] =	vst.add.f32.msk $0xffff, v0  }
0x212: {  	v0 =	vld [tilespmem:s0+$0xE448];
	_ =	sdelay $0x4  }
0x213: {  	[tilespmem:s4+$0xE448] =	vst.add.f32.msk $0xffff, v0  }
0x214: {  	v0 =	vld [tilespmem:s0+$0xE458];
	_ =	sdelay $0x4  }
0x215: {  	[tilespmem:s4+$0xE458] =	vst.add.f32.msk $0xffff, v0  }
0x216: {  	v0 =	vld [tilespmem:s0+$0xE468];
	_ =	sdelay $0x4  }
0x217: {  	[tilespmem:s4+$0xE468] =	vst.add.f32.msk $0xffff, v0  }
0x218: {  	v0 =	vld [tilespmem:s0+$0xE478];
	_ =	sdelay $0x4  }
0x219: {  	[tilespmem:s4+$0xE478] =	vst.add.f32.msk $0xffff, v0  }
0x21a: {  	v0 =	vld [tilespmem:s0+$0xE488];
	_ =	sdelay $0x4  }
0x21b: {  	[tilespmem:s4+$0xE488] =	vst.add.f32.msk $0xffff, v0  }
0x21c: {  	v0 =	vld [tilespmem:s0+$0xE498];
	_ =	sdelay $0x4  }
0x21d: {  	[tilespmem:s4+$0xE498] =	vst.add.f32.msk $0xffff, v0  }
0x21e: {  	v0 =	vld [tilespmem:s0+$0xE4A8];
	_ =	sdelay $0x4  }
0x21f: {  	[tilespmem:s4+$0xE4A8] =	vst.add.f32.msk $0xffff, v0  }
0x220: {  	v0 =	vld [tilespmem:s0+$0xE4B8];
	_ =	sdelay $0x4  }
0x221: {  	[tilespmem:s4+$0xE4B8] =	vst.add.f32.msk $0xffff, v0  }
0x222: {  	v0 =	vld [tilespmem:s0+$0xE4C8];
	_ =	sdelay $0x4  }
0x223: {  	[tilespmem:s4+$0xE4C8] =	vst.add.f32.msk $0xffff, v0  }
0x224: {  	v0 =	vld [tilespmem:s0+$0xE4D8];
	_ =	sdelay $0x4  }
0x225: {  	[tilespmem:s4+$0xE4D8] =	vst.add.f32.msk $0xffff, v0  }
0x226: {  	v0 =	vld [tilespmem:s0+$0xE4E8];
	_ =	sdelay $0x4  }
0x227: {  	[tilespmem:s4+$0xE4E8] =	vst.add.f32.msk $0xffff, v0  }
0x228: {  	v0 =	vld [tilespmem:s0+$0xE4F8];
	_ =	sdelay $0x4  }
0x229: {  	[tilespmem:s4+$0xE4F8] =	vst.add.f32.msk $0xffff, v0  }
0x22a: {  	v0 =	vld [tilespmem:s0+$0xE508];
	_ =	sdelay $0x4  }
0x22b: {  	[tilespmem:s4+$0xE508] =	vst.add.f32.msk $0xffff, v0  }
0x22c: {  	v0 =	vld [tilespmem:s0+$0xE518];
	_ =	sdelay $0x4  }
0x22d: {  	[tilespmem:s4+$0xE518] =	vst.add.f32.msk $0xffff, v0  }
0x22e: {  	v0 =	vld [tilespmem:s0+$0xE528]  }
.Ltmp30:
0x22f: {  	_ = 	snop;
	(pc) =	sbr.rel .LBB2_37-.Ltmp30, $2  }
0x230: {  	_ =	sdelay $0x2  }
0x231: {  	[tilespmem:s4+$0xE528] =	vst.add.f32.msk $0xffff, v0  }
.LBB2_38:
0x232: {  	p0 =	slt.s32 s2, $0x1  }
.Ltmp31:
0x233: {  	_ = 	snop;
	(pc) =	sbr.rel @p0 .LBB2_42-.Ltmp31, $3  }
0x234: {  	_ =	sdelay $0x1  }
0x235: {  	s0 =	simm.s32 $0x6  }
0x236: {  	[sflag:s0] =	ssyncpa.u1 $0x1;
	s0 =	simm.s32 $0x0  }
0x237: {  	s3 =	simm.s32 $0xE418  }
0x238: {  	v0 =	vld.msk [tilespmem:s3+$0x0], $0x1;
	_ =	sdelay $0x4  }
0x239: {  	(v2sf) =	vpush v0, $0x0;
	_ =	sdelay $0xe  }
0x23a: {  	s2 =	sadd.s32 $0xFFFFFFFF, s2;
	s4 =	spop (v2sf)  }
0x23b: {  	s5 =	simm.s32 $0xE438;
	p0 =	sne.s32 s2, $0x0;
	p1 =	sgt.u32 s4, $0x4E170  }
.Ltmp32:
0x23c: {  	s3 =	simm.s32 $0xE538;
	s6 =	sand.u32 @!p1 $0x7FFF8, s4;
	(pc) =	sbr.rel @!p0 .LBB2_41-.Ltmp32, $4  }
0x23d: {  	s7 =	sadd.s32 @!p1 $0x80, s4;
	s8 =	sadd.s32 @!p1 s1, s6;
	s6 =	sand.u32 @!p1 $0x7, s4  }
0x23e: {  	[hbm4b:s8+s6] =	stream.linear.scatter @!p1 [tilespmem:s5], [sflag:$0x5], $0x80, $0x38;
	[tilespmem:$0x1E668] =	vst v63  }
0x23f: {  	s0 =	simm.s32 @!p1 $0x400;
	s4 =	simm.s32 $0xE419;
	s5 =	sand.u32 @!p1 $0xFFFF8, s7  }
0x240: {  	s7 =	simm.s32 @!p1 $0xE4B8;
	s8 =	sadd.s32 @!p1 s1, s5;
	s5 =	sadd.s32 $0x0, s0  }
.LBB2_40:
0x241: {  	[hbm4b:s8+s6] =	stream.linear.scatter @!p1 [tilespmem:s7], [sflag:$0x5], $0x80, $0x38;
	[tilespmem:$0x1E668] =	vst v63  }
0x242: {  	s2 =	sadd.s32 $0xFFFFFFFF, s2;
	s0 =	smov.u32 s3;
	v0 =	vld.msk [tilespmem:s4+$0x0], $0x1  }
0x243: {  	p0 =	sne.s32 s2, $0x0;
	_ =	sdelay $0x3  }
0x244: {  	(v2sf) =	vpush v0, $0x0;
	_ =	sdelay $0xe  }
0x245: {  	s3 =	sadd.s32 $0x100, s3;
	s9 =	simm.s32 $0x0;
	s6 =	spop (v2sf)  }
.Ltmp33:
0x246: {  	s4 =	sadd.s32 $0x1, s4;
	p1 =	sgt.u32 s6, $0x4E170;
	(pc) =	sbr.rel @p0 .LBB2_40-.Ltmp33, $4  }
0x247: {  	s9 =	simm.s32 @!p1 $0x400;
	s7 =	sand.u32 @!p1 $0x7FFF8, s6;
	s8 =	sadd.s32 @!p1 $0x80, s6  }
0x248: {  	s6 =	sand.u32 @!p1 $0x7, s6;
	s7 =	sadd.s32 @!p1 s1, s7;
	s8 =	sand.u32 @!p1 $0xFFFF8, s8  }
0x249: {  	[hbm4b:s7+s6] =	stream.linear.scatter @!p1 [tilespmem:s0], [sflag:$0x5], $0x80, $0x38;
	[tilespmem:$0x1E668] =	vst v63  }
0x24a: {  	s5 =	sadd.s32 s5, s9;
	s7 =	sadd.s32 @!p1 $0x80, s0;
	s8 =	sadd.s32 @!p1 s1, s8  }
.LBB2_41:
0x24b: {  	[hbm4b:s8+s6] =	stream.linear.scatter @!p1 [tilespmem:s7], [sflag:$0x5], $0x80, $0x38;
	[tilespmem:$0x1E668] =	vst v63  }
0x24c: {  	s0 =	sshrl.u32 s5, $0x2  }
.LBB2_42:
0x24d: {  	s1 =	simm.s32 $0x5  }
0x24e: {  	_ =	swait.ge [sflag:s1], s0  }
0x24f: {  	s29 =	ssub.s32 $0x0, s0;
	[sflag:s1] =	ssyncset.done $0x0  }
0x250: {  	[sflag:s1] =	ssyncadd.s32 s29  }
0x251: {  	[sflag:s1] =	ssyncpa.u1 $0x1  }
0x252: {  	s30 =	simm.s32 $0x1;
	_ =	sfence  }
0x253: {  	[sflag:s30] =	ssyncpa.u1 $0x1  }
0x254: {  	_ =	strace $0x9000004D  }
0x255: {  	[bflag:$0x2] =	sbarrier.arrive $0xFFFF  }
0x256: {  	s31 =	rddreg [dreg:$0x1]  }
0x257: {  	s0 =	sadd.s32 $0x100000, s31  }
0x258: {  	[sflag:s0] =	ssyncadd.tile.s32 $0x1;
	_ =	shalt  }
.Lfunc_end2:
_tile_overlayer_lowered:
.L_overlay_start_2:
0x259: {  	(tag) =	ssettag $0x2  }
0x25a: {  	s0 =	rddreg [dreg:$0x0];
	s2 =	stileid.u32  }
0x25b: {  	s1 =	rddreg [dreg:$0x1];
	p0 =	sne.s32 s2, $0x0  }
0x25c: {  	s3 =	rddreg [dreg:$0x2];
	[bflag:$0x3] =	sbarrier.arrive $0xFFFF;
	s2 =	simm.s32 @!p0 $0x1C01  }
0x25d: {  	[timem:s3], [sflag:s2] =	dma.local @!p0 [hbm:s0], s1  }
0x25e: {  	s0 =	simm.s32 @!p0 $0x1  }
0x25f: {  	_ =	swait.ge @!p0 [sflag:s0], s1  }
0x260: {  	s1 =	ssub.s32 @!p0 $0x0, s1;
	[sflag:s0] =	ssyncset.done @!p0 $0x0  }
0x261: {  	[sflag:s0] =	ssyncadd.s32 @!p0 s1  }
0x262: {  	[bflag:$0x3] =	sbarrier.arrive $0xFFFF  }
0x263: {  	_ =	shalt  }

// kernel: scatter_offload_async_start
scs
__scs_entry_jumppad:
0x0: {  	(pc) =	sbr.rel $0x88, $3  }
0x1: {  	(tag) =	ssettag $0x0;
	lr =	simm.s32 $0x1  }
0x2: {  	[smem:$0x3F95] =	sst lr;
	_ =	strace $0xD0000000  }
0x3: {  	_ = 	snop  }
0x4: {  	_ = 	snop  }
0x5: {  	_ = 	snop  }
0x6: {  	_ = 	snop  }
0x7: {  	_ = 	snop  }
__scs_overlays_trampoline_lowered:
0x8: {  	[smem:$0x3FA4] =	sst s0  }
0x9: {  	[smem:$0x3FA5] =	sst s1  }
0xa: {  	[smem:$0x3FA6] =	sst s2  }
0xb: {  	[smem:$0x3FA7] =	sst s3  }
0xc: {  	[smem:$0x3FA8] =	sst s4  }
0xd: {  	[smem:$0x3FA9] =	sst s5  }
0xe: {  	[smem:$0x3FAA] =	sst s6  }
0xf: {  	[smem:$0x3FAB] =	sst s7  }
0x10: {  	[smem:$0x3FAC] =	sst s8  }
0x11: {  	[smem:$0x3FAD] =	sst s9;
	s0 =	simm.s32 @!p0 $0x0  }
0x12: {  	s1 =	sld [smem:$0x3F93];
	s0 =	simm.s32 @p0 $0x1  }
0x13: {  	[smem:$0x3FAE] =	sst s0;
	s0 =	simm.s32 @!p1 $0x0  }
0x14: {  	s2 =	sld [smem:$0x3F92];
	s0 =	simm.s32 @p1 $0x1  }
0x15: {  	[smem:$0x3FAF] =	sst s0;
	s0 =	simm.s32 @!p2 $0x0  }
0x16: {  	s3 =	sld [smem:$0x3FDB];
	s0 =	simm.s32 @p2 $0x1  }
0x17: {  	s4 =	simm.s32 $0x1BF5;
	[smem:$0x3FB1] =	sst s0  }
0x18: {  	s0 =	sld [smem:$0x3F94];
	_ =	swait.ge [sflag:s4], $0x0  }
0x19: {  	s7 =	sld [smem:$0x3F95]  }
0x1a: {  	s8 =	sadd.s32 $0xFFFFE003, lr  }
0x1b: {  	s9 =	sadd.s32 $0xFFFFFEF7, lr;
	s5 =	simm.s32 $0xFFFFFFFF;
	p2 =	slt.u32 s8, $0xFFFFF086  }
0x1c: {  	p1 =	slt.u32 s9, $0xF7A;
	s5 =	simm.s32 @!p2 $0x0  }
0x1d: {  	s5 =	simm.s32 @p1 $0x1;
	p0 =	seq.s32 s7, s2  }
0x1e: {  	s7 =	smul.u32 @!p0 $0xF7A, s2;
	p2 =	seq.s32 @!p0 s5, $0x0  }
0x1f: {  	s9 =	smul.u32 $0xF7A, s1;
	s8 =	simm.s32 @!p0 $0x1BF5;
	p2 =	por !p2, p0  }
0x20: {  	[sflag:s8] =	ssyncset.s32 @!p0 $0xFFFFF086;
	s6 =	sadd.s32 @!p0 s3, s7;
	s7 =	simm.s32 @!p0 $0x108  }
0x21: {  	s3 =	sadd.s32 s3, s9;
	s6 =	sadd.s32 @!p0 $0x88, s6;
	s7 =	simm.s32 @p2 $0x1082  }
0x22: {  	[simem:s7], [sflag:s8] =	dma.local @!p0 [hbm:s6], $0xF7A  }
0x23: {  	s9 =	sor.u32 $0xD0000000, s2;
	s6 =	simm.s32 $0x108;
	_ =	swait.ge @!p0 [sflag:s8], $0x0  }
0x24: {  	s3 =	sadd.s32 $0x88, s3;
	s6 =	simm.s32 @!p1 $0x1082;
	[sflag:s4] =	ssyncset.s32 $0xFFFFF086  }
0x25: {  	[simem:s6], [sflag:s4] =	dma.local [hbm:s3], $0xF7A  }
0x26: {  	[smem:$0x3F95] =	sst s1;
	(tag) =	ssettag s2;
	_ =	strace s9  }
0x27: {  	s1 =	sld [smem:$0x3FA5]  }
0x28: {  	s2 =	sld [smem:$0x3FA6]  }
0x29: {  	s4 =	sld [smem:$0x3FA8]  }
0x2a: {  	p0 =	seq.s32 s5, $0x0;
	s5 =	sld [smem:$0x3FA9]  }
0x2b: {  	s6 =	sld [smem:$0x3FAA]  }
0x2c: {  	s7 =	sld [smem:$0x3FAB]  }
0x2d: {  	s3 =	simm.s32 $0x108;
	s8 =	sld [smem:$0x3FAC]  }
0x2e: {  	s3 =	simm.s32 @!p0 $0x1082;
	s9 =	sld [smem:$0x3FAD]  }
0x2f: {  	lr =	sadd.s32 s0, s3;
	s0 =	sld [smem:$0x3FA4]  }
0x30: {  	s3 =	sld [smem:$0x3FA7]  }
0x31: {  	[smem:$0x3FB0] =	sst s10  }
0x32: {  	s10 =	sld [smem:$0x3FAE];
	_ =	sdelay $0x3  }
0x33: {  	p0 =	seq.s32 s10, $0x1;
	s10 =	sld [smem:$0x3FB0];
	_ =	sdelay $0x3  }
0x34: {  	[smem:$0x3FB0] =	sst s10  }
0x35: {  	s10 =	sld [smem:$0x3FAF];
	_ =	sdelay $0x3  }
0x36: {  	p1 =	seq.s32 s10, $0x1;
	s10 =	sld [smem:$0x3FB0];
	_ =	sdelay $0x3  }
0x37: {  	[smem:$0x3FB0] =	sst s10  }
0x38: {  	s10 =	sld [smem:$0x3FB1]  }
0x39: {  	_ = 	snop;
	(pc) =	sbr.ind lr, $3  }
0x3a: {  	_ = 	snop  }
0x3b: {  	_ = 	snop  }
0x3c: {  	p2 =	seq.s32 s10, $0x1;
	s10 =	sld [smem:$0x3FB0]  }
0x3d: {  	_ =	shalt  }
0x3e: {  	_ =	shalt  }
0x3f: {  	_ =	shalt  }
0x40: {  	_ =	shalt  }
0x41: {  	_ =	shalt  }
0x42: {  	_ =	shalt  }
0x43: {  	_ =	shalt  }
0x44: {  	_ =	shalt  }
0x45: {  	_ =	shalt  }
0x46: {  	_ =	shalt  }
0x47: {  	_ =	shalt  }
0x48: {  	_ =	shalt  }
0x49: {  	_ =	shalt  }
0x4a: {  	_ =	shalt  }
0x4b: {  	_ =	shalt  }
0x4c: {  	_ =	shalt  }
0x4d: {  	_ =	shalt  }
0x4e: {  	_ =	shalt  }
0x4f: {  	_ =	shalt  }
0x50: {  	_ =	shalt  }
0x51: {  	_ =	shalt  }
0x52: {  	_ =	shalt  }
0x53: {  	_ =	shalt  }
0x54: {  	_ =	shalt  }
0x55: {  	_ =	shalt  }
0x56: {  	_ =	shalt  }
0x57: {  	_ =	shalt  }
0x58: {  	_ =	shalt  }
0x59: {  	_ =	shalt  }
0x5a: {  	_ =	shalt  }
0x5b: {  	_ =	shalt  }
0x5c: {  	_ =	shalt  }
0x5d: {  	_ =	shalt  }
0x5e: {  	_ =	shalt  }
0x5f: {  	_ =	shalt  }
0x60: {  	_ =	shalt  }
0x61: {  	_ =	shalt  }
0x62: {  	_ =	shalt  }
0x63: {  	_ =	shalt  }
0x64: {  	_ =	shalt  }
0x65: {  	_ =	shalt  }
0x66: {  	_ =	shalt  }
0x67: {  	_ =	shalt  }
0x68: {  	_ =	shalt  }
0x69: {  	_ =	shalt  }
0x6a: {  	_ =	shalt  }
0x6b: {  	_ =	shalt  }
0x6c: {  	_ =	shalt  }
0x6d: {  	_ =	shalt  }
0x6e: {  	_ =	shalt  }
0x6f: {  	_ =	shalt  }
0x70: {  	_ =	shalt  }
0x71: {  	_ =	shalt  }
0x72: {  	_ =	shalt  }
0x73: {  	_ =	shalt  }
0x74: {  	_ =	shalt  }
0x75: {  	_ =	shalt  }
0x76: {  	_ =	shalt  }
0x77: {  	_ =	shalt  }
0x78: {  	_ =	shalt  }
0x79: {  	_ =	shalt  }
0x7a: {  	_ =	shalt  }
0x7b: {  	_ =	shalt  }
0x7c: {  	_ =	shalt  }
0x7d: {  	_ =	shalt  }
0x7e: {  	_ =	shalt  }
0x7f: {  	_ =	shalt  }
0x80: {  	_ =	shalt  }
0x81: {  	_ =	shalt  }
0x82: {  	_ =	shalt  }
0x83: {  	_ =	shalt  }
0x84: {  	_ =	shalt  }
0x85: {  	_ =	shalt  }
0x86: {  	_ =	shalt  }
0x87: {  	_ =	shalt  }
.Lfunc_end0:
.L_simem_size_0:
called_computation_lowered:
.L_overlay_start_0:
0x88: {  	s0 =	sld [smem:$0x3FD9]  }
0x89: {  	s1 =	sld [smem:$0x3FFE];
	_ =	sdelay $0x3  }
0x8a: {  	s0 =	sadd.s32 s1, s0  }
0x8b: {  	[smem:$0x3FBC] =	sst s0  }
0x8c: {  	_ = 	snop  }
0x8d: {  	(tm) =	ssettm $0x1  }
0x8e: {  	s15 =	sld [smem:$0x3FFB];
	_ =	sdelay $0x3  }
0x8f: {  	_ =	strace s15  }
0x90: {  	s0 =	sld [smem:$0x3FFC];
	_ =	sdelay $0x3  }
0x91: {  	_ =	strace s0  }
0x92: {  	s0 =	sld [smem:$0x3FFD];
	_ =	sdelay $0x3  }
0x93: {  	_ =	strace s0  }
0x94: {  	_ =	strace $0x8FFFFFFF  }
0x95: {  	s16 =	sld [smem:$0x3FDB];
	_ =	sdelay $0x1  }
0x96: {  	s17 =	simm.s32 $_scs_section_size  }
0x97: {  	s2 =	simm.s32 $_size__tile_overlayer_lowered;
	s3 =	simm.s32 $_tile_overlayer_lowered  }
0x98: {  	s20 =	simm.s32 $0x1BFF;
	s19 =	sshll.u32 s3, $0x1;
	s0 =	sadd.s32 s17, s16  }
0x99: {  	s4 =	simm.s32 $0x0;
	s18 =	sshll.u32 s2, $0x1;
	s2 =	sadd.s32 s19, s0  }
0x9a: {  	[timem:s4], [sflag:s20] =	dma.local [hbm:s2], s18  }
0x9b: {  	_ =	swait.ge [sflag:s20], s18  }
0x9c: {  	s1 =	ssub.s32 $0x0, s18;
	[sflag:s20] =	ssyncset.done $0x0  }
0x9d: {  	[sflag:s20] =	ssyncadd.s32 s1;
	_ =	sdelay $0x1  }
0x9e: {  	s21 =	simm.s32 $0x1B8B  }
0x9f: {  	_ =	swait.ge [sflag:s21], $0x1  }
0xa0: {  	[sflag:s21] =	ssyncset.done $0x0  }
0xa1: {  	s23 =	simm.s32 $0x1B8E;
	s22 =	sld [smem:$0x3FFE];
	[sflag:s21] =	ssyncadd.s32 $0xFFFFFFFF  }
0xa2: {  	s24 =	simm.s32 $execute0_lowered;
	[smem:$0x3FD2] =	sst s23  }
0xa3: {  	s2 =	sshll.u32 s24, $0x1;
	_ =	strace $0x80000046;
	[dreg:$0x1] =	wrdreg $0xFFFFFFFF  }
0xa4: {  	s25 =	simm.s32 $_size_execute0_lowered;
	s0 =	sadd.s32 s0, s2;
	[dreg:$0x0] =	wrdreg $0x0  }
0xa5: {  	s2 =	sshll.u32 s25, $0x1;
	[dreg:$0x2] =	wrdreg s0  }
0xa6: {  	[dreg:$0x3] =	wrdreg s2  }
0xa7: {  	[dreg:$0x4] =	wrdreg $0xC0  }
0xa8: {  	_ =	task [dreg:s4], $0x5FFFF  }
0xa9: {  	[dreg:$0x1] =	wrdreg $0xFFFFFFFF  }
0xaa: {  	[dreg:$0x0] =	wrdreg $0x60  }
0xab: {  	[dreg:$0x2] =	wrdreg s22  }
0xac: {  	[dreg:$0x3] =	wrdreg $0x9  }
0xad: {  	_ =	task.clear_ibuf [dreg:s4], $0x4FFFF;
	_ =	strace $0x90000046  }
0xae: {  	s26 =	simm.s32 $0x9;
	_ =	strace $0x80000048  }
0xaf: {  	_ =	swait.ge [sflag:s26], $0x1  }
0xb0: {  	[sflag:s26] =	ssyncadd.s32 $0xFFFFFFFF  }
0xb1: {  	_ =	strace $0x90000048  }
0xb2: {  	_ =	sfence  }
0xb3: {  	s28 =	sld [smem:$0x0];
	_ =	sdelay $0x1  }
0xb4: {  	s29 =	srdreg.scid  }
0xb5: {  	s30 =	sshll.u32 s29, $0xD;
	s31 =	sshrl.u32 s29, $0x2  }
0xb6: {  	s1 =	sand.u32 $0x1, s29;
	s2 =	sand.u32 $0x4000, s30;
	s0 =	sadd.s32 s31, s28  }
0xb7: {  	s1 =	sor.u32 s2, s1;
	s0 =	sshll.u32 s0, $0x11  }
0xb8: {  	s0 =	sor.u32 s0, s1  }
0xb9: {  	s0 =	sadd.s32 $0x8F2B, s0  }
0xba: {  	[sflag:s0] =	ssyncadd.remote.s32 $0x1  }
0xbb: {  	_ =	sfence.sel $0xFFFF  }
0xbc: {  	[dreg:$0x0] =	wrdreg $0xFFFFFFFF;
	(pc) =	sbr.abs _section_cstart, $3  }
0xbd: {  	[dreg:$0x1] =	wrdreg $0xFFFFFFFF  }
0xbe: {  	_ =	task.clear_ibuf [dreg:s4], $0x2FFFF;
	_ =	strace $0x9FFFFFFF  }
0xbf: {  	(tm) =	ssettm $0x7FFFFFFF  }
tec
execute0_lowered:
.L_overlay_start_1:
0x0: {  	(tag) =	ssettag $0x1  }
0x1: {  	s8 =	rddreg [dreg:$0x0];
	_ =	strace $0x80000047;
	s11 =	simm.s32 $0x1  }
0x2: {  	v0 =	vimm.s32 $0x0;
	[sflag:s11] =	ssyncpa.u1 $0x0  }
0x3: {  	[tilespmem:$0x28] =	vst v0  }
0x4: {  	[tilespmem:$0x38] =	vst v0  }
0x5: {  	[tilespmem:$0x48] =	vst v0  }
0x6: {  	[tilespmem:$0x58] =	vst v0  }
0x7: {  	[tilespmem:$0x68] =	vst v0  }
0x8: {  	[tilespmem:$0x78] =	vst v0  }
0x9: {  	[tilespmem:$0x88] =	vst v0  }
0xa: {  	[tilespmem:$0x98] =	vst v0  }
0xb: {  	[tilespmem:$0xA8] =	vst v0  }
0xc: {  	[tilespmem:$0xB8] =	vst v0  }
0xd: {  	[tilespmem:$0xC8] =	vst v0  }
0xe: {  	[tilespmem:$0xD8] =	vst v0  }
0xf: {  	[tilespmem:$0xE8] =	vst v0  }
0x10: {  	[tilespmem:$0xF8] =	vst v0  }
0x11: {  	[tilespmem:$0x108] =	vst v0  }
0x12: {  	[tilespmem:$0x118] =	vst v0  }
0x13: {  	[tilespmem:$0x128] =	vst v0  }
0x14: {  	[tilespmem:$0x138] =	vst v0  }
0x15: {  	[tilespmem:$0x148] =	vst v0  }
0x16: {  	[tilespmem:$0x158] =	vst v0  }
0x17: {  	[tilespmem:$0x168] =	vst v0  }
0x18: {  	[tilespmem:$0x178] =	vst v0  }
0x19: {  	[tilespmem:$0x188] =	vst v0  }
0x1a: {  	[tilespmem:$0x198] =	vst v0  }
0x1b: {  	[tilespmem:$0x1A8] =	vst v0  }
0x1c: {  	[tilespmem:$0x1B8] =	vst v0  }
0x1d: {  	[tilespmem:$0x1C8] =	vst v0  }
0x1e: {  	[tilespmem:$0x1D8] =	vst v0  }
0x1f: {  	[tilespmem:$0x1E8] =	vst v0  }
0x20: {  	[tilespmem:$0x1F8] =	vst v0  }
0x21: {  	[tilespmem:$0x208] =	vst v0  }
0x22: {  	[tilespmem:$0x218] =	vst v0  }
0x23: {  	[tilespmem:$0x228] =	vst v0  }
0x24: {  	[tilespmem:$0x238] =	vst v0  }
0x25: {  	[tilespmem:$0x248] =	vst v0  }
0x26: {  	[tilespmem:$0x258] =	vst v0  }
0x27: {  	[tilespmem:$0x268] =	vst v0  }
0x28: {  	[tilespmem:$0x278] =	vst v0  }
0x29: {  	[tilespmem:$0x288] =	vst v0  }
0x2a: {  	[tilespmem:$0x298] =	vst v0  }
0x2b: {  	[tilespmem:$0x2A8] =	vst v0  }
0x2c: {  	[tilespmem:$0x2B8] =	vst v0  }
0x2d: {  	[tilespmem:$0x2C8] =	vst v0  }
0x2e: {  	[tilespmem:$0x2D8] =	vst v0  }
0x2f: {  	[tilespmem:$0x2E8] =	vst v0  }
0x30: {  	[tilespmem:$0x2F8] =	vst v0  }
0x31: {  	[tilespmem:$0x308] =	vst v0  }
0x32: {  	[tilespmem:$0x318] =	vst v0  }
0x33: {  	[tilespmem:$0x328] =	vst v0  }
0x34: {  	[tilespmem:$0x338] =	vst v0  }
0x35: {  	[tilespmem:$0x348] =	vst v0  }
0x36: {  	[tilespmem:$0x358] =	vst v0  }
0x37: {  	[tilespmem:$0x368] =	vst v0  }
0x38: {  	[tilespmem:$0x378] =	vst v0  }
0x39: {  	[tilespmem:$0x388] =	vst v0  }
0x3a: {  	[tilespmem:$0x398] =	vst v0  }
0x3b: {  	[tilespmem:$0x3A8] =	vst v0  }
0x3c: {  	[tilespmem:$0x3B8] =	vst v0  }
0x3d: {  	[tilespmem:$0x3C8] =	vst v0  }
0x3e: {  	[tilespmem:$0x3D8] =	vst v0  }
0x3f: {  	[tilespmem:$0x3E8] =	vst v0  }
0x40: {  	[tilespmem:$0x3F8] =	vst v0  }
0x41: {  	[tilespmem:$0x408] =	vst v0  }
0x42: {  	[tilespmem:$0x418] =	vst v0  }
0x43: {  	[tilespmem:$0x428] =	vst v0  }
0x44: {  	[tilespmem:$0x438] =	vst v0  }
0x45: {  	[tilespmem:$0x448] =	vst v0  }
0x46: {  	[tilespmem:$0x458] =	vst v0  }
0x47: {  	[tilespmem:$0x468] =	vst v0  }
0x48: {  	[tilespmem:$0x478] =	vst v0  }
0x49: {  	[tilespmem:$0x488] =	vst v0  }
0x4a: {  	[tilespmem:$0x498] =	vst v0  }
0x4b: {  	[tilespmem:$0x4A8] =	vst v0  }
0x4c: {  	[tilespmem:$0x4B8] =	vst v0  }
0x4d: {  	[tilespmem:$0x4C8] =	vst v0  }
0x4e: {  	[tilespmem:$0x4D8] =	vst v0  }
0x4f: {  	[tilespmem:$0x4E8] =	vst v0  }
0x50: {  	[tilespmem:$0x4F8] =	vst v0  }
0x51: {  	[tilespmem:$0x508] =	vst v0  }
0x52: {  	[tilespmem:$0x518] =	vst v0  }
0x53: {  	[tilespmem:$0x528] =	vst v0  }
0x54: {  	[tilespmem:$0x538] =	vst v0  }
0x55: {  	[tilespmem:$0x548] =	vst v0  }
0x56: {  	[tilespmem:$0x558] =	vst v0  }
0x57: {  	[tilespmem:$0x568] =	vst v0  }
0x58: {  	[tilespmem:$0x578] =	vst v0  }
0x59: {  	[tilespmem:$0x588] =	vst v0  }
0x5a: {  	[tilespmem:$0x598] =	vst v0  }
0x5b: {  	[tilespmem:$0x5A8] =	vst v0  }
0x5c: {  	[tilespmem:$0x5B8] =	vst v0  }
0x5d: {  	[tilespmem:$0x5C8] =	vst v0  }
0x5e: {  	[tilespmem:$0x5D8] =	vst v0  }
0x5f: {  	[tilespmem:$0x5E8] =	vst v0  }
0x60: {  	[tilespmem:$0x5F8] =	vst v0  }
0x61: {  	[tilespmem:$0x608] =	vst v0  }
0x62: {  	[tilespmem:$0x618] =	vst v0  }
0x63: {  	[tilespmem:$0x628] =	vst v0  }
0x64: {  	[tilespmem:$0x638] =	vst v0  }
0x65: {  	[tilespmem:$0x648] =	vst v0  }
0x66: {  	[tilespmem:$0x658] =	vst v0  }
0x67: {  	[tilespmem:$0x668] =	vst v0  }
0x68: {  	[tilespmem:$0x678] =	vst v0  }
0x69: {  	[tilespmem:$0x688] =	vst v0  }
0x6a: {  	[tilespmem:$0x698] =	vst v0  }
0x6b: {  	[tilespmem:$0x6A8] =	vst v0  }
0x6c: {  	[tilespmem:$0x6B8] =	vst v0  }
0x6d: {  	[tilespmem:$0x6C8] =	vst v0  }
0x6e: {  	[tilespmem:$0x6D8] =	vst v0  }
0x6f: {  	[tilespmem:$0x6E8] =	vst v0  }
0x70: {  	[tilespmem:$0x6F8] =	vst v0  }
0x71: {  	[tilespmem:$0x708] =	vst v0  }
0x72: {  	[tilespmem:$0x718] =	vst v0  }
0x73: {  	[tilespmem:$0x728] =	vst v0  }
0x74: {  	[tilespmem:$0x738] =	vst v0  }
0x75: {  	[tilespmem:$0x748] =	vst v0  }
0x76: {  	[tilespmem:$0x758] =	vst v0  }
0x77: {  	[tilespmem:$0x768] =	vst v0  }
0x78: {  	[tilespmem:$0x778] =	vst v0  }
0x79: {  	[tilespmem:$0x788] =	vst v0  }
0x7a: {  	[tilespmem:$0x798] =	vst v0  }
0x7b: {  	[tilespmem:$0x7A8] =	vst v0  }
0x7c: {  	[tilespmem:$0x7B8] =	vst v0  }
0x7d: {  	[tilespmem:$0x7C8] =	vst v0  }
0x7e: {  	[tilespmem:$0x7D8] =	vst v0  }
0x7f: {  	[tilespmem:$0x7E8] =	vst v0  }
0x80: {  	[tilespmem:$0x7F8] =	vst v0  }
0x81: {  	[tilespmem:$0x808] =	vst v0  }
0x82: {  	[tilespmem:$0x818] =	vst v0  }
0x83: {  	[tilespmem:$0x828] =	vst v0  }
0x84: {  	[tilespmem:$0x838] =	vst v0  }
0x85: {  	[tilespmem:$0x848] =	vst v0  }
0x86: {  	[tilespmem:$0x858] =	vst v0  }
0x87: {  	[tilespmem:$0x868] =	vst v0  }
0x88: {  	[tilespmem:$0x878] =	vst v0  }
0x89: {  	[tilespmem:$0x888] =	vst v0  }
0x8a: {  	[tilespmem:$0x898] =	vst v0  }
0x8b: {  	[tilespmem:$0x8A8] =	vst v0  }
0x8c: {  	[tilespmem:$0x8B8] =	vst v0  }
0x8d: {  	[tilespmem:$0x8C8] =	vst v0  }
0x8e: {  	[tilespmem:$0x8D8] =	vst v0  }
0x8f: {  	[tilespmem:$0x8E8] =	vst v0  }
0x90: {  	[tilespmem:$0x8F8] =	vst v0  }
0x91: {  	[tilespmem:$0x908] =	vst v0  }
0x92: {  	[tilespmem:$0x918] =	vst v0  }
0x93: {  	[tilespmem:$0x928] =	vst v0  }
0x94: {  	[tilespmem:$0x938] =	vst v0  }
0x95: {  	[tilespmem:$0x948] =	vst v0  }
0x96: {  	[tilespmem:$0x958] =	vst v0  }
0x97: {  	[tilespmem:$0x968] =	vst v0  }
0x98: {  	[tilespmem:$0x978] =	vst v0  }
0x99: {  	[tilespmem:$0x988] =	vst v0  }
0x9a: {  	[tilespmem:$0x998] =	vst v0  }
0x9b: {  	[tilespmem:$0x9A8] =	vst v0  }
0x9c: {  	[tilespmem:$0x9B8] =	vst v0  }
0x9d: {  	[tilespmem:$0x9C8] =	vst v0  }
0x9e: {  	[tilespmem:$0x9D8] =	vst v0  }
0x9f: {  	[tilespmem:$0x9E8] =	vst v0  }
0xa0: {  	[tilespmem:$0x9F8] =	vst v0  }
0xa1: {  	[tilespmem:$0xA08] =	vst v0  }
0xa2: {  	[tilespmem:$0xA18] =	vst v0  }
0xa3: {  	[tilespmem:$0xA28] =	vst v0  }
0xa4: {  	[tilespmem:$0xA38] =	vst v0  }
0xa5: {  	[tilespmem:$0xA48] =	vst v0  }
0xa6: {  	[tilespmem:$0xA58] =	vst v0  }
0xa7: {  	[tilespmem:$0xA68] =	vst v0  }
0xa8: {  	[tilespmem:$0xA78] =	vst v0  }
0xa9: {  	[tilespmem:$0xA88] =	vst v0  }
0xaa: {  	[tilespmem:$0xA98] =	vst v0  }
0xab: {  	[tilespmem:$0xAA8] =	vst v0  }
0xac: {  	[tilespmem:$0xAB8] =	vst v0  }
0xad: {  	[tilespmem:$0xAC8] =	vst v0  }
0xae: {  	[tilespmem:$0xAD8] =	vst v0  }
0xaf: {  	[tilespmem:$0xAE8] =	vst v0  }
0xb0: {  	[tilespmem:$0xAF8] =	vst v0  }
0xb1: {  	[tilespmem:$0xB08] =	vst v0  }
0xb2: {  	[tilespmem:$0xB18] =	vst v0  }
0xb3: {  	[tilespmem:$0xB28] =	vst v0  }
0xb4: {  	[tilespmem:$0xB38] =	vst v0  }
0xb5: {  	[tilespmem:$0xB48] =	vst v0  }
0xb6: {  	[tilespmem:$0xB58] =	vst v0  }
0xb7: {  	[tilespmem:$0xB68] =	vst v0  }
0xb8: {  	[tilespmem:$0xB78] =	vst v0  }
0xb9: {  	[tilespmem:$0xB88] =	vst v0  }
0xba: {  	[tilespmem:$0xB98] =	vst v0  }
0xbb: {  	[tilespmem:$0xBA8] =	vst v0  }
0xbc: {  	[tilespmem:$0xBB8] =	vst v0  }
0xbd: {  	[tilespmem:$0xBC8] =	vst v0  }
0xbe: {  	[tilespmem:$0xBD8] =	vst v0  }
0xbf: {  	[tilespmem:$0xBE8] =	vst v0  }
0xc0: {  	[tilespmem:$0xBF8] =	vst v0  }
0xc1: {  	[tilespmem:$0xC08] =	vst v0  }
0xc2: {  	[tilespmem:$0xC18] =	vst v0  }
0xc3: {  	[tilespmem:$0xC28] =	vst v0  }
0xc4: {  	[tilespmem:$0xC38] =	vst v0  }
0xc5: {  	[tilespmem:$0xC48] =	vst v0  }
0xc6: {  	[tilespmem:$0xC58] =	vst v0  }
0xc7: {  	[tilespmem:$0xC68] =	vst v0  }
0xc8: {  	[tilespmem:$0xC78] =	vst v0  }
0xc9: {  	[tilespmem:$0xC88] =	vst v0  }
0xca: {  	[tilespmem:$0xC98] =	vst v0  }
0xcb: {  	[tilespmem:$0xCA8] =	vst v0  }
0xcc: {  	[tilespmem:$0xCB8] =	vst v0  }
0xcd: {  	[tilespmem:$0xCC8] =	vst v0  }
0xce: {  	[tilespmem:$0xCD8] =	vst v0  }
0xcf: {  	[tilespmem:$0xCE8] =	vst v0  }
0xd0: {  	[tilespmem:$0xCF8] =	vst v0  }
0xd1: {  	[tilespmem:$0xD08] =	vst v0  }
0xd2: {  	[tilespmem:$0xD18] =	vst v0  }
0xd3: {  	[tilespmem:$0xD28] =	vst v0  }
0xd4: {  	[tilespmem:$0xD38] =	vst v0  }
0xd5: {  	[tilespmem:$0xD48] =	vst v0  }
0xd6: {  	[tilespmem:$0xD58] =	vst v0  }
0xd7: {  	[tilespmem:$0xD68] =	vst v0  }
0xd8: {  	[tilespmem:$0xD78] =	vst v0  }
0xd9: {  	[tilespmem:$0xD88] =	vst v0  }
0xda: {  	[tilespmem:$0xD98] =	vst v0  }
0xdb: {  	[tilespmem:$0xDA8] =	vst v0  }
0xdc: {  	[tilespmem:$0xDB8] =	vst v0  }
0xdd: {  	[tilespmem:$0xDC8] =	vst v0  }
0xde: {  	[tilespmem:$0xDD8] =	vst v0  }
0xdf: {  	[tilespmem:$0xDE8] =	vst v0  }
0xe0: {  	[tilespmem:$0xDF8] =	vst v0  }
0xe1: {  	[tilespmem:$0xE08] =	vst v0  }
0xe2: {  	[tilespmem:$0xE18] =	vst v0  }
0xe3: {  	[tilespmem:$0xE28] =	vst v0  }
0xe4: {  	[tilespmem:$0xE38] =	vst v0  }
0xe5: {  	[tilespmem:$0xE48] =	vst v0  }
0xe6: {  	[tilespmem:$0xE58] =	vst v0  }
0xe7: {  	[tilespmem:$0xE68] =	vst v0  }
0xe8: {  	[tilespmem:$0xE78] =	vst v0  }
0xe9: {  	[tilespmem:$0xE88] =	vst v0  }
0xea: {  	[tilespmem:$0xE98] =	vst v0  }
0xeb: {  	[tilespmem:$0xEA8] =	vst v0  }
0xec: {  	[tilespmem:$0xEB8] =	vst v0  }
0xed: {  	[tilespmem:$0xEC8] =	vst v0  }
0xee: {  	[tilespmem:$0xED8] =	vst v0  }
0xef: {  	[tilespmem:$0xEE8] =	vst v0  }
0xf0: {  	[tilespmem:$0xEF8] =	vst v0  }
0xf1: {  	[tilespmem:$0xF08] =	vst v0  }
0xf2: {  	[tilespmem:$0xF18] =	vst v0  }
0xf3: {  	[tilespmem:$0xF28] =	vst v0  }
0xf4: {  	[tilespmem:$0xF38] =	vst v0  }
0xf5: {  	[tilespmem:$0xF48] =	vst v0  }
0xf6: {  	[tilespmem:$0xF58] =	vst v0  }
0xf7: {  	[tilespmem:$0xF68] =	vst v0  }
0xf8: {  	[tilespmem:$0xF78] =	vst v0  }
0xf9: {  	[tilespmem:$0xF88] =	vst v0  }
0xfa: {  	[tilespmem:$0xF98] =	vst v0  }
0xfb: {  	[tilespmem:$0xFA8] =	vst v0  }
0xfc: {  	[tilespmem:$0xFB8] =	vst v0  }
0xfd: {  	[tilespmem:$0xFC8] =	vst v0  }
0xfe: {  	[tilespmem:$0xFD8] =	vst v0  }
0xff: {  	[tilespmem:$0xFE8] =	vst v0  }
0x100: {  	[tilespmem:$0xFF8] =	vst v0  }
0x101: {  	[tilespmem:$0x1018] =	vst v0  }
0x102: {  	[tilespmem:$0x10D8] =	vst v0  }
0x103: {  	[tilespmem:$0x1B28] =	vst v0  }
0x104: {  	[tilespmem:$0x1B18] =	vst v0  }
0x105: {  	[tilespmem:$0x1B08] =	vst v0  }
0x106: {  	[tilespmem:$0x1AF8] =	vst v0  }
0x107: {  	[tilespmem:$0x1AE8] =	vst v0  }
0x108: {  	[tilespmem:$0x1AD8] =	vst v0  }
0x109: {  	[tilespmem:$0x1AC8] =	vst v0  }
0x10a: {  	[tilespmem:$0x1AB8] =	vst v0  }
0x10b: {  	[tilespmem:$0x1AA8] =	vst v0  }
0x10c: {  	[tilespmem:$0x1A98] =	vst v0  }
0x10d: {  	[tilespmem:$0x1A88] =	vst v0  }
0x10e: {  	[tilespmem:$0x1A78] =	vst v0  }
0x10f: {  	[tilespmem:$0x1A68] =	vst v0  }
0x110: {  	[tilespmem:$0x1A58] =	vst v0  }
0x111: {  	[tilespmem:$0x1A48] =	vst v0  }
0x112: {  	[tilespmem:$0x1A38] =	vst v0  }
0x113: {  	[tilespmem:$0x1A28] =	vst v0  }
0x114: {  	[tilespmem:$0x1A18] =	vst v0  }
0x115: {  	[tilespmem:$0x1A08] =	vst v0  }
0x116: {  	[tilespmem:$0x19F8] =	vst v0  }
0x117: {  	[tilespmem:$0x19E8] =	vst v0  }
0x118: {  	[tilespmem:$0x19D8] =	vst v0  }
0x119: {  	[tilespmem:$0x19C8] =	vst v0  }
0x11a: {  	[tilespmem:$0x19B8] =	vst v0  }
0x11b: {  	[tilespmem:$0x19A8] =	vst v0  }
0x11c: {  	[tilespmem:$0x1998] =	vst v0  }
0x11d: {  	[tilespmem:$0x1988] =	vst v0  }
0x11e: {  	[tilespmem:$0x1978] =	vst v0  }
0x11f: {  	[tilespmem:$0x1968] =	vst v0  }
0x120: {  	[tilespmem:$0x1958] =	vst v0  }
0x121: {  	[tilespmem:$0x1948] =	vst v0  }
0x122: {  	[tilespmem:$0x1938] =	vst v0  }
0x123: {  	[tilespmem:$0x1928] =	vst v0  }
0x124: {  	[tilespmem:$0x1918] =	vst v0  }
0x125: {  	[tilespmem:$0x1908] =	vst v0  }
0x126: {  	[tilespmem:$0x18F8] =	vst v0  }
0x127: {  	[tilespmem:$0x18E8] =	vst v0  }
0x128: {  	[tilespmem:$0x18D8] =	vst v0  }
0x129: {  	[tilespmem:$0x18C8] =	vst v0  }
0x12a: {  	[tilespmem:$0x18B8] =	vst v0  }
0x12b: {  	[tilespmem:$0x18A8] =	vst v0  }
0x12c: {  	[tilespmem:$0x1898] =	vst v0  }
0x12d: {  	[tilespmem:$0x1888] =	vst v0  }
0x12e: {  	[tilespmem:$0x1878] =	vst v0  }
0x12f: {  	[tilespmem:$0x1868] =	vst v0  }
0x130: {  	[tilespmem:$0x1858] =	vst v0  }
0x131: {  	[tilespmem:$0x1848] =	vst v0  }
0x132: {  	[tilespmem:$0x1838] =	vst v0  }
0x133: {  	[tilespmem:$0x1828] =	vst v0  }
0x134: {  	[tilespmem:$0x1818] =	vst v0  }
0x135: {  	[tilespmem:$0x1808] =	vst v0  }
0x136: {  	[tilespmem:$0x17F8] =	vst v0  }
0x137: {  	[tilespmem:$0x17E8] =	vst v0  }
0x138: {  	[tilespmem:$0x17D8] =	vst v0  }
0x139: {  	[tilespmem:$0x17C8] =	vst v0  }
0x13a: {  	[tilespmem:$0x17B8] =	vst v0  }
0x13b: {  	[tilespmem:$0x17A8] =	vst v0  }
0x13c: {  	[tilespmem:$0x1798] =	vst v0  }
0x13d: {  	[tilespmem:$0x1788] =	vst v0  }
0x13e: {  	[tilespmem:$0x1778] =	vst v0  }
0x13f: {  	[tilespmem:$0x1768] =	vst v0  }
0x140: {  	[tilespmem:$0x1758] =	vst v0  }
0x141: {  	[tilespmem:$0x1748] =	vst v0  }
0x142: {  	[tilespmem:$0x1738] =	vst v0  }
0x143: {  	[tilespmem:$0x1728] =	vst v0  }
0x144: {  	[tilespmem:$0x1718] =	vst v0  }
0x145: {  	[tilespmem:$0x1708] =	vst v0  }
0x146: {  	[tilespmem:$0x16F8] =	vst v0  }
0x147: {  	[tilespmem:$0x16E8] =	vst v0  }
0x148: {  	[tilespmem:$0x16D8] =	vst v0  }
0x149: {  	[tilespmem:$0x16C8] =	vst v0  }
0x14a: {  	[tilespmem:$0x16B8] =	vst v0  }
0x14b: {  	[tilespmem:$0x16A8] =	vst v0  }
0x14c: {  	[tilespmem:$0x1698] =	vst v0  }
0x14d: {  	[tilespmem:$0x1688] =	vst v0  }
0x14e: {  	[tilespmem:$0x1678] =	vst v0  }
0x14f: {  	[tilespmem:$0x1668] =	vst v0  }
0x150: {  	[tilespmem:$0x1658] =	vst v0  }
0x151: {  	[tilespmem:$0x1648] =	vst v0  }
0x152: {  	[tilespmem:$0x1638] =	vst v0  }
0x153: {  	[tilespmem:$0x1628] =	vst v0  }
0x154: {  	[tilespmem:$0x1618] =	vst v0  }
0x155: {  	[tilespmem:$0x1608] =	vst v0  }
0x156: {  	[tilespmem:$0x15F8] =	vst v0  }
0x157: {  	[tilespmem:$0x15E8] =	vst v0  }
0x158: {  	[tilespmem:$0x15D8] =	vst v0  }
0x159: {  	[tilespmem:$0x15C8] =	vst v0  }
0x15a: {  	[tilespmem:$0x15B8] =	vst v0  }
0x15b: {  	[tilespmem:$0x15A8] =	vst v0  }
0x15c: {  	[tilespmem:$0x1598] =	vst v0  }
0x15d: {  	[tilespmem:$0x1588] =	vst v0  }
0x15e: {  	[tilespmem:$0x1578] =	vst v0  }
0x15f: {  	[tilespmem:$0x1568] =	vst v0  }
0x160: {  	[tilespmem:$0x1558] =	vst v0  }
0x161: {  	[tilespmem:$0x1548] =	vst v0  }
0x162: {  	[tilespmem:$0x1538] =	vst v0  }
0x163: {  	[tilespmem:$0x1528] =	vst v0  }
0x164: {  	[tilespmem:$0x1518] =	vst v0  }
0x165: {  	[tilespmem:$0x1508] =	vst v0  }
0x166: {  	[tilespmem:$0x14F8] =	vst v0  }
0x167: {  	[tilespmem:$0x14E8] =	vst v0  }
0x168: {  	[tilespmem:$0x14D8] =	vst v0  }
0x169: {  	[tilespmem:$0x14C8] =	vst v0  }
0x16a: {  	[tilespmem:$0x14B8] =	vst v0  }
0x16b: {  	[tilespmem:$0x14A8] =	vst v0  }
0x16c: {  	[tilespmem:$0x1498] =	vst v0  }
0x16d: {  	[tilespmem:$0x1488] =	vst v0  }
0x16e: {  	[tilespmem:$0x1478] =	vst v0  }
0x16f: {  	[tilespmem:$0x1468] =	vst v0  }
0x170: {  	[tilespmem:$0x1458] =	vst v0  }
0x171: {  	[tilespmem:$0x1448] =	vst v0  }
0x172: {  	[tilespmem:$0x1438] =	vst v0  }
0x173: {  	[tilespmem:$0x1428] =	vst v0  }
0x174: {  	[tilespmem:$0x1418] =	vst v0  }
0x175: {  	[tilespmem:$0x1408] =	vst v0  }
0x176: {  	[tilespmem:$0x13F8] =	vst v0  }
0x177: {  	[tilespmem:$0x13E8] =	vst v0  }
0x178: {  	[tilespmem:$0x13D8] =	vst v0  }
0x179: {  	[tilespmem:$0x13C8] =	vst v0  }
0x17a: {  	[tilespmem:$0x13B8] =	vst v0  }
0x17b: {  	[tilespmem:$0x13A8] =	vst v0  }
0x17c: {  	[tilespmem:$0x1398] =	vst v0  }
0x17d: {  	[tilespmem:$0x1388] =	vst v0  }
0x17e: {  	[tilespmem:$0x1378] =	vst v0  }
0x17f: {  	[tilespmem:$0x1368] =	vst v0  }
0x180: {  	[tilespmem:$0x1358] =	vst v0  }
0x181: {  	[tilespmem:$0x1348] =	vst v0  }
0x182: {  	[tilespmem:$0x1338] =	vst v0  }
0x183: {  	[tilespmem:$0x1328] =	vst v0  }
0x184: {  	[tilespmem:$0x1318] =	vst v0  }
0x185: {  	[tilespmem:$0x1308] =	vst v0  }
0x186: {  	[tilespmem:$0x12F8] =	vst v0  }
0x187: {  	[tilespmem:$0x12E8] =	vst v0  }
0x188: {  	[tilespmem:$0x12D8] =	vst v0  }
0x189: {  	[tilespmem:$0x12C8] =	vst v0  }
0x18a: {  	[tilespmem:$0x12B8] =	vst v0  }
0x18b: {  	[tilespmem:$0x12A8] =	vst v0  }
0x18c: {  	[tilespmem:$0x1298] =	vst v0  }
0x18d: {  	[tilespmem:$0x1288] =	vst v0  }
0x18e: {  	[tilespmem:$0x1278] =	vst v0  }
0x18f: {  	[tilespmem:$0x1268] =	vst v0  }
0x190: {  	[tilespmem:$0x1258] =	vst v0  }
0x191: {  	[tilespmem:$0x1248] =	vst v0  }
0x192: {  	[tilespmem:$0x1238] =	vst v0  }
0x193: {  	[tilespmem:$0x1228] =	vst v0  }
0x194: {  	[tilespmem:$0x1218] =	vst v0  }
0x195: {  	[tilespmem:$0x1208] =	vst v0  }
0x196: {  	[tilespmem:$0x11F8] =	vst v0  }
0x197: {  	[tilespmem:$0x11E8] =	vst v0  }
0x198: {  	[tilespmem:$0x11D8] =	vst v0  }
0x199: {  	[tilespmem:$0x11C8] =	vst v0  }
0x19a: {  	[tilespmem:$0x11B8] =	vst v0  }
0x19b: {  	[tilespmem:$0x11A8] =	vst v0  }
0x19c: {  	[tilespmem:$0x1198] =	vst v0  }
0x19d: {  	[tilespmem:$0x1188] =	vst v0  }
0x19e: {  	[tilespmem:$0x1178] =	vst v0  }
0x19f: {  	[tilespmem:$0x1168] =	vst v0  }
0x1a0: {  	[tilespmem:$0x1158] =	vst v0  }
0x1a1: {  	[tilespmem:$0x1148] =	vst v0  }
0x1a2: {  	[tilespmem:$0x1138] =	vst v0  }
0x1a3: {  	[tilespmem:$0x1128] =	vst v0  }
0x1a4: {  	[tilespmem:$0x1118] =	vst v0  }
0x1a5: {  	s2 =	stileid.u32;
	[tilespmem:$0x1108] =	vst v0  }
0x1a6: {  	s0 =	smul.u32 $0x2F, s2;
	[tilespmem:$0x10F8] =	vst v0  }
0x1a7: {  	s1 =	smin.u32 s2, $0xC;
	[tilespmem:$0x10E8] =	vst v0  }
0x1a8: {  	[tilespmem:$0x10B8] =	vst v0;
	s0 =	sadd.s32 s1, s0  }
0x1a9: {  	p0 =	slt.u32 s2, $0xC;
	[tilespmem:$0x10C8] =	vst v0;
	s1 =	simm.s32 $0x5100;
	s3 =	smul.u32 $0x1B0, s0  }
0x1aa: {  	s1 =	simm.s32 @!p0 $0x4F50;
	[tilespmem:$0x10A8] =	vst v0  }
0x1ab: {  	[tilespmem:$0x1038] =	vst v0;
	s0 =	sadd.s32 s1, s3  }
0x1ac: {  	[tilespmem:$0x1098] =	vst v0;
	s4 =	smin.u32 s0, $0x50910  }
0x1ad: {  	[tilespmem:$0x1088] =	vst v0;
	s0 =	ssub.s32 s4, s3  }
0x1ae: {  	s5 =	simm.s32 $0x2;
	[tilespmem:$0x1078] =	vst v0;
	p0 =	sgt.s32 s0, $0x0  }
0x1af: {  	s29 =	simm.s32 $0x7;
	s13 =	simm.s32 $0x8;
	[tilespmem:$0x1068] =	vst v0;
	s0 =	simm.s32 @!p0 $0x0  }
0x1b0: {  	s30 =	simm.s32 $0x9;
	p4 =	por $0x0, $0x0;
	[tilespmem:$0x1058] =	vst v0;
	s6 =	smulhi.u32 $0x4BDA12F7, s0  }
0x1b1: {  	s14 =	simm.s32 $0xA;
	s18 =	simm.s32 $0x0;
	s15 =	simm.s32 $0x0;
	[tilespmem:$0x1048] =	vst v0  }
0x1b2: {  	s17 =	simm.s32 $0x0;
	s7 =	sadd.s32 $0x638C00, s8;
	[tilespmem:$0x1028] =	vst v0;
	s12 =	sshrl.u32 s6, $0x7  }
0x1b3: {  	s31 =	sshll.u32 s2, $0x5;
	[tilespmem:$0x1008] =	vst v0;
	[sflag:s5] =	ssyncpa.u1 $0x0;
	v0 =	vimm.s32 $0xFFFFFFFF;
	s10 =	smul.u32 $0x1B0, s12  }
.Ltmp0:
0x1b4: {  	[dreg:$0x2] =	wrdreg s31;
	[tilespmem:$0x3648] =	vst v0;
	[sflag:s29] =	ssyncpa.u1 $0x0;
	(pc) =	sbr.rel .LBB2_1-.Ltmp0, $4  }
0x1b5: {  	[sflag:s13] =	ssyncpa.u1 $0x0;
	s13 =	simm.s32 $0x0;
	p0 =	sne.s32 s0, s10  }
0x1b6: {  	[sflag:s30] =	ssyncpa.u1 $0x0;
	s1 =	sadd.s32 $0x12FA00, s8;
	s11 =	simm.s32 @!p0 $0x0  }
0x1b7: {  	s16 =	smov.u32 s3;
	s6 =	sadd.s32 $0xF4400, s8;
	s11 =	sadd.s32 s11, s12  }
0x1b8: {  	v0 =	vlaneseq.u32;
	s8 =	sadd.s32 $0xFE600, s8;
	p0 =	por $0x1, $0x1;
	s12 =	sadd.s32 $0x1, s11  }
.LBB2_18:
0x1b9: {  	s0 =	simm.s32 $0x2  }
0x1ba: {  	_ =	swait.ge [sflag:s0], $0x0  }
0x1bb: {  	[sflag:s0] =	ssyncset.done $0x0;
	s0 =	simm.s32 $0x0  }
.LBB2_19:
0x1bc: {  	_ =	swait.ge [sflag:s14], s0  }
0x1bd: {  	s31 =	ssub.s32 $0x0, s0;
	v1 =	vmov s20;
	vm0 =	veq.s32 v0, $0x0;
	[sflag:s14] =	ssyncset.done $0x0  }
0x1be: {  	vm15 =	veq.s32 v0, $0x2;
	v1 =	vsel vm0, s24, v1;
	[sflag:s14] =	ssyncadd.s32 s31  }
0x1bf: {  	v1 =	vsel vm15, s18, v1;
	[sflag:s14] =	ssyncpa.u1 $0x1  }
0x1c0: {  	[tilespmem:$0x3648] =	vst v1  }
.LBB2_20:
0x1c1: {  	s0 =	sadd.s32 $0x1B0, s16  }
0x1c2: {  	s2 =	smov.u32 s3;
	p1 =	slt.s32 s0, s4  }
0x1c3: {  	s2 =	smov.u32 @p1 s0;
	p1 =	sne.s32 s17, s12  }
.Ltmp1:
0x1c4: {  	_ = 	snop;
	(pc) =	sbr.rel @!p1 .LBB2_21-.Ltmp1, $4  }
0x1c5: {  	_ = 	snop  }
0x1c6: {  	s18 =	smov.u32 s15  }
0x1c7: {  	s31 =	sadd.s32 $0x1, s17;
	s15 =	smov.u32 s16;
	p0 =	por !p0, !p0  }
0x1c8: {  	p4 =	por !p4, !p4;
	s17 =	smov.u32 s31;
	s16 =	smov.u32 s2  }
.LBB2_1:
0x1c9: {  	p2 =	sge.u32 s17, s11  }
0x1ca: {  	s0 =	smulhi.u32 @!p2 $0xAAAAAAAB, s17  }
0x1cb: {  	s19 =	smov.u32 s16;
	p3 =	sgt.s32 @!p2 s16, $0x50760  }
0x1cc: {  	s20 =	sshra.s32 @!p2 s16, $0x1F;
	p3 =	por !p3, p2;
	s0 =	sshrl.u32 @!p2 s0, $0x1  }
0x1cd: {  	s20 =	sand.u32 @!p2 s20, s16;
	s19 =	simm.s32 @p3 $0x50760;
	s0 =	smul.u32 @!p2 $0x3, s0  }
0x1ce: {  	s19 =	ssub.s32 @!p2 s19, s20  }
0x1cf: {  	s19 =	sadd.s32 @!p2 $0xFFFAF8A0, s19;
	s0 =	ssub.s32 @!p2 s17, s0  }
0x1d0: {  	s20 =	sshll.u32 @!p2 s19, $0x2;
	p3 =	sgt.s32 @!p2 s19, $0x1AF;
	s0 =	smul.u32 @!p2 $0x6C0, s0  }
0x1d1: {  	s21 =	sand.u32 @!p2 $0x7, s16;
	s19 =	ssub.s32 @!p2 $0x6C0, s20;
	p3 =	por !p3, p2  }
0x1d2: {  	s20 =	sshrl.u32 @!p2 s16, $0x3;
	s19 =	sshrl.u32 @!p2 s19, $0x2;
	s0 =	sshrl.u32 @!p2 s0, $0x2  }
0x1d3: {  	s20 =	sadd.s32 @!p2 s8, s20;
	s19 =	simm.s32 @!p3 $0x0;
	s0 =	sadd.s32 @!p2 $0x3878, s0  }
0x1d4: {  	[tilespmem:s0], [sflag:$0x8] =	stream.linear.gather @!p2 [hbm4b:s20+s21], s19, $0x38;
	[tilespmem:$0x1F0E8] =	vst v63  }
0x1d5: {  	s20 =	sadd.s32 $0xFFFFFFFF, s17  }
0x1d6: {  	p2 =	sge.u32 s20, s11  }
0x1d7: {  	p3 =	sgt.s32 @!p2 s15, $0x50760  }
0x1d8: {  	s0 =	smov.u32 s15;
	s19 =	sshra.s32 @!p2 s15, $0x1F;
	p3 =	por !p3, p2  }
0x1d9: {  	s19 =	sand.u32 @!p2 s19, s15;
	s0 =	simm.s32 @p3 $0x50760  }
0x1da: {  	s0 =	ssub.s32 @!p2 s0, s19  }
0x1db: {  	s0 =	sadd.s32 @!p2 $0xFFFAF8A0, s0  }
0x1dc: {  	s19 =	sshll.u32 @!p2 s0, $0x2  }
0x1dd: {  	p3 =	sgt.s32 @!p2 s0, $0x1AF;
	s0 =	ssub.s32 @!p2 $0x6C0, s19  }
0x1de: {  	p3 =	por !p3, p2;
	s0 =	sshrl.u32 @!p2 s0, $0x2  }
0x1df: {  	s21 =	simm.s32 @!p2 $0x8;
	s19 =	sand.u32 @!p2 $0x1, s20;
	s0 =	simm.s32 @!p3 $0x0  }
0x1e0: {  	s19 =	smul.u32 @!p2 $0x6C0, s19;
	_ =	swait.ge @!p2 [sflag:s21], s0  }
0x1e1: {  	s22 =	ssub.s32 @!p2 $0x0, s0;
	[sflag:s21] =	ssyncset.done @!p2 $0x0  }
0x1e2: {  	s19 =	sshrl.u32 @!p2 s19, $0x2;
	[sflag:s21] =	ssyncadd.s32 @!p2 s22;
	s21 =	sshrl.u32 @!p2 s15, $0x3  }
0x1e3: {  	s19 =	sadd.s32 @!p2 $0x3D88, s19;
	s22 =	sand.u32 @!p2 $0x7, s15;
	s21 =	sadd.s32 @!p2 s6, s21  }
0x1e4: {  	[tilespmem:s19], [sflag:$0x9] =	stream.linear.gather @!p2 [hbm4b:s21+s22], s0, $0x38;
	[tilespmem:$0x1F0E8] =	vst v63  }
0x1e5: {  	s19 =	ssub.s32 @!p2 $0x50910, s15  }
0x1e6: {  	p3 =	slt.s32 @!p2 s19, $0x1  }
0x1e7: {  	p3 =	por p2, p3  }
.Ltmp2:
0x1e8: {  	_ = 	snop;
	(pc) =	sbr.rel @p3 .LBB2_7-.Ltmp2, $1  }
0x1e9: {  	_ =	sdelay $0x3  }
0x1ea: {  	s0 =	smulhi.u32 $0xAAAAAAAB, s20;
	_ =	sdelay $0x1  }
0x1eb: {  	s0 =	sshrl.u32 s0, $0x1  }
0x1ec: {  	s0 =	smul.u32 $0x3, s0;
	_ =	sdelay $0x1  }
0x1ed: {  	s0 =	ssub.s32 s20, s0  }
0x1ee: {  	s21 =	simm.s32 $0x1;
	s0 =	smul.u32 $0x6C0, s0  }
.Ltmp3:
0x1ef: {  	s21 =	simm.s32 @!p0 $0x0;
	(pc) =	sbr.rel .LBB2_4-.Ltmp3, $4  }
0x1f0: {  	s31 =	smul.u32 $0x36000, s21  }
0x1f1: {  	p3 =	slt.s32 @!p2 s19, $0x1B0;
	s0 =	sshrl.u32 s0, $0x2  }
0x1f2: {  	p2 =	por !p3, p2;
	s20 =	sshrl.u32 s31, $0x2;
	s0 =	sadd.s32 $0x3878, s0  }
0x1f3: {  	s19 =	simm.s32 @p2 $0x1B0;
	s21 =	simm.s32 $0x0;
	s20 =	sadd.s32 $0x40E8, s20;
	v1 =	vmov s0  }
.LBB2_3:
0x1f4: {  	p2 =	sge.s32 s21, s19  }
.Ltmp4:
0x1f5: {  	_ = 	snop;
	(pc) =	sbr.rel @p2 .LBB2_7-.Ltmp4, $2  }
0x1f6: {  	_ =	sdelay $0x2  }
0x1f7: {  	s20 =	sadd.s32 $0x800, s20  }
.LBB2_4:
0x1f8: {  	p2 =	sle.s32 s19, s21  }
.Ltmp5:
0x1f9: {  	_ = 	snop;
	(pc) =	sbr.rel @p2 .LBB2_3-.Ltmp5, $2  }
0x1fa: {  	_ =	sdelay $0x2  }
0x1fb: {  	s22 =	smov.u32 s21;
	s21 =	sadd.s32 $0x10, s21  }
0x1fc: {  	s0 =	ssub.s32 s19, s22  }
0x1fd: {  	p2 =	slt.s32 s0, $0x10  }
0x1fe: {  	s0 =	simm.s32 @!p2 $0x10  }
0x1ff: {  	v2 =	vmov s0  }
0x200: {  	vm0 =	vgt.s32 v2, v0;
	_ =	sdelay $0x5  }
0x201: {  	v2 =	vld.idx.msk [tilespmem:v1+s22+$0x0 ss:$0x1], vm0;
	_ =	sdelay $0x2  }
0x202: {  	s23 =	smov.u32 s19;
	p2 =	slt.s32 s21, s19  }
0x203: {  	s24 =	smov.u32 s20;
	s25 =	simm.s32 $0x0;
	s23 =	smov.u32 @p2 s21  }
.LBB2_6:
0x204: {  	(v2sf) =	vpush v2, s25;
	_ =	sdelay $0xc  }
0x205: {  	s25 =	sadd.s32 $0x1, s25  }
0x206: {  	s31 =	sadd.s32 s25, s22  }
0x207: {  	p2 =	slt.s32 s31, s23;
	s0 =	spop (v2sf)  }
.Ltmp6:
0x208: {  	s0 =	sshll.u32 s0, $0x4;
	(pc) =	sbr.rel @p2 .LBB2_6-.Ltmp6, $4  }
0x209: {  	s0 =	sand.u32 $0x1FFFFFF0, s0  }
0x20a: {  	s0 =	sadd.s32 s7, s0  }
0x20b: {  	[tilespmem:s24], [sflag:$0x7] =	stream.linear.gather [hbm4b:s0+s13], $0x2, $0x38;
	[tilespmem:$0x1F0E8] =	vst v63  }
0x20c: {  	s24 =	sadd.s32 $0x80, s24  }
.Ltmp7:
0x20d: {  	_ = 	snop;
	(pc) =	sbr.rel .LBB2_3-.Ltmp7, $1  }
0x20e: {  	_ =	sdelay $0x3  }
.LBB2_7:
0x20f: {  	p2 =	slt.u32 s17, $0x2  }
.Ltmp8:
0x210: {  	_ = 	snop;
	(pc) =	sbr.rel @p2 .LBB2_20-.Ltmp8, $1  }
0x211: {  	_ =	sdelay $0x3  }
0x212: {  	p2 =	sgt.s32 s18, $0x50760;
	s0 =	smov.u32 s18  }
0x213: {  	s19 =	sshra.s32 s18, $0x1F;
	s20 =	ssub.s32 $0x50910, s18;
	s0 =	simm.s32 @!p2 $0x50760  }
0x214: {  	s19 =	sand.u32 s19, s18;
	p2 =	slt.s32 s20, $0x1B0;
	s21 =	smov.u32 s20  }
0x215: {  	s0 =	ssub.s32 s0, s19;
	s21 =	simm.s32 @!p2 $0x1B0  }
0x216: {  	s0 =	sadd.s32 $0xFFFAF8A0, s0;
	s26 =	sshll.u32 s21, $0x1  }
0x217: {  	s2 =	simm.s32 $0x7;
	s28 =	sshll.u32 s0, $0x2;
	s19 =	sand.u32 $0x3FFFFFFE, s26  }
0x218: {  	p2 =	sgt.s32 s0, $0x1AF;
	s29 =	ssub.s32 $0x6C0, s28;
	_ =	swait.ge [sflag:s2], s19  }
0x219: {  	s19 =	ssub.s32 $0x0, s19;
	[sflag:s2] =	ssyncset.done $0x0;
	s0 =	sshrl.u32 s29, $0x2  }
0x21a: {  	s30 =	simm.s32 $0x9;
	[sflag:s2] =	ssyncadd.s32 s19;
	s0 =	simm.s32 @p2 $0x0  }
0x21b: {  	_ =	swait.ge [sflag:s30], s0  }
0x21c: {  	s0 =	ssub.s32 $0x0, s0;
	[sflag:s30] =	ssyncset.done $0x0  }
0x21d: {  	[sflag:s30] =	ssyncadd.s32 s0  }
0x21e: {  	v1 =	vld [tilespmem:$0x3648];
	_ =	sdelay $0x4  }
0x21f: {  	(v2sf) =	vpush v1, $0x0  }
0x220: {  	(v2sf) =	vpush v1, $0x1  }
0x221: {  	(v2sf) =	vpush v1, $0x2;
	_ =	sdelay $0x3  }
0x222: {  	s0 =	sadd.s32 $0x1B0, s18  }
0x223: {  	p2 =	slt.s32 s4, s0  }
0x224: {  	s0 =	smov.u32 @p2 s4;
	p2 =	sgt.s32 s20, $0x0  }
0x225: {  	s22 =	ssub.s32 s0, s18;
	s20 =	simm.s32 @!p2 $0x0  }
0x226: {  	p2 =	slt.s32 s20, s22  }
0x227: {  	s22 =	smov.u32 @p2 s20  }
0x228: {  	s21 =	simm.s32 $0x1;
	p2 =	slt.s32 s22, $0x1  }
.Ltmp9:
0x229: {  	s21 =	simm.s32 @!p4 $0x0;
	(pc) =	sbr.rel @p2 .LBB2_12-.Ltmp9, $4  }
0x22a: {  	s31 =	smul.u32 $0x6C0, s21  }
0x22b: {  	s23 =	spop (v2sf)  }
0x22c: {  	s0 =	sshrl.u32 s31, $0x2;
	s25 =	spop (v2sf)  }
0x22d: {  	s19 =	sadd.s32 $0x3D88, s0;
	s18 =	spop (v2sf)  }
0x22e: {  	s0 =	smin.u32 s22, $0x10  }
0x22f: {  	v1 =	vmov s0  }
0x230: {  	p3 =	sgt.s32 s22, $0x10;
	vm1 =	vgt.u32 v1, v0  }
.Ltmp10:
0x231: {  	_ = 	snop;
	(pc) =	sbr.rel @!p3 .LBB2_11-.Ltmp10, $2  }
0x232: {  	_ =	sdelay $0x2  }
0x233: {  	s24 =	simm.s32 $0x10;
	s26 =	sadd.s32 $0xFFFFFFF0, s22;
	s20 =	smov.u32 s19;
	vm0 =	vmmov vm1  }
.LBB2_10:
0x234: {  	s0 =	smin.u32 s26, $0x10;
	s24 =	sadd.s32 $0x10, s24;
	v1 =	vld.msk [tilespmem:s20+$0x0 ss:$0x1], vm1  }
0x235: {  	v2 =	vmov s0;
	p3 =	slt.s32 s24, s22  }
0x236: {  	vm1 =	vgt.u32 v2, v0  }
.Ltmp11:
0x237: {  	(pc) =	sbr.rel @p3 .LBB2_10-.Ltmp11, $3  }
0x238: {  	_ =	sdelay $0x1  }
0x239: {  	v1 =	vshll.u32 v1, $0x4  }
0x23a: {  	s26 =	sadd.s32 $0xFFFFFFF0, s26;
	[tilespmem:s20+$0x0] =	vst.msk vm0, v1;
	s20 =	sadd.s32 $0x10, s20;
	vm0 =	vmmov vm1  }
.LBB2_11:
0x23b: {  	_ =	sdelay $0x4  }
0x23c: {  	v1 =	vld.msk [tilespmem:s20+$0x0 ss:$0x1], vm1;
	_ =	sdelay $0x4  }
0x23d: {  	v1 =	vshll.u32 v1, $0x4  }
0x23e: {  	[tilespmem:s20+$0x0] =	vst.msk vm0, v1  }
.LBB2_12:
0x23f: {  	s0 =	sand.u32 $0x1, s17  }
0x240: {  	s20 =	smul.u32 $0x1B0, s0  }
0x241: {  	p3 =	sne.s32 s25, $0xFFFFFFFF  }
0x242: {  	v1 =	vld.msk @!p3 [tilespmem:s20+$0x3D88], $0x1;
	_ =	sdelay $0x4  }
0x243: {  	(v2sf) =	vpush @!p3 v1, $0x0;
	_ =	sdelay $0x9  }
0x244: {  	s0 =	smul.u32 $0xD800, s0;
	_ =	sdelay $0x1  }
0x245: {  	v1 =	vld.msk @!p3 [tilespmem:s0+$0x40E8], $0x3  }
.Ltmp12:
0x246: {  	_ = 	snop;
	(pc) =	sbr.rel @p2 .LBB2_18-.Ltmp12, $4  }
0x247: {  	_ = 	snop  }
0x248: {  	s24 =	spop @!p3 (v2sf)  }
0x249: {  	s18 =	simm.s32 @!p3 $0x0;
	s0 =	simm.s32 @!p3 $0x28;
	s20 =	smov.u32 s24  }
0x24a: {  	[tilespmem:s0+$0x0] =	vst.msk @!p3 $0x3, v1;
	[sflag:s14] =	ssyncpa.u1 $0x0;
	s24 =	smov.u32 @p3 s23;
	s20 =	smov.u32 @p3 s25  }
0x24b: {  	v1 =	vld.msk [tilespmem:s19+$0x0], $0x1;
	_ =	sdelay $0x4  }
0x24c: {  	(v2sf) =	vpush v1, $0x0;
	_ =	sdelay $0xd  }
0x24d: {  	s0 =	simm.s32 @!p4 $0x0  }
0x24e: {  	s26 =	smul.u32 $0x36000, s21;
	s25 =	ssub.s32 $0x0, s22;
	s28 =	spop (v2sf)  }
0x24f: {  	s0 =	simm.s32 @p4 $0x1;
	s23 =	sadd.s32 $0x1, s25;
	p2 =	seq.s32 s24, s28  }
0x250: {  	[smem:$0x7FD] =	sst s0;
	s0 =	sshrl.u32 s26, $0x2;
	p3 =	sgt.s32 @!p2 s24, $0x0  }
0x251: {  	s21 =	sadd.s32 $0x40E8, s0;
	s0 =	smov.u32 s24;
	p3 =	por !p3, p2  }
0x252: {  	s0 =	simm.s32 @p3 $0x0;
	p3 =	seq.s32 s23, $0x0  }
.Ltmp13:
0x253: {  	_ = 	snop;
	(pc) =	sbr.rel @p3 .LBB2_15-.Ltmp13, $4  }
0x254: {  	_ = 	snop  }
0x255: {  	s22 =	simm.s32 $0x0;
	s29 =	simm.s32 @!p2 $0x1;
	s0 =	smin.u32 @!p2 s0, $0x270FF  }
0x256: {  	s30 =	simm.s32 @!p2 $0x1B38;
	s29 =	smov.u32 @p2 s22;
	s26 =	sand.u32 @!p2 $0x3FFF8, s0  }
0x257: {  	s31 =	sand.u32 @!p2 $0x7, s0;
	s0 =	sadd.s32 @!p2 s1, s26;
	s26 =	sadd.s32 $0x1, s19  }
.LBB2_14:
0x258: {  	s2 =	smov.u32 s29  }
0x259: {  	[tilespmem:s30], [sflag:$0x2] =	stream.linear.gather @!p2 [hbm4b:s0+s31], $0x2, $0x38;
	[tilespmem:$0x1F0E8] =	vst v63  }
0x25a: {  	s23 =	sadd.s32 $0x1, s23;
	s0 =	smov.u32 s28;
	v1 =	vld.msk [tilespmem:s26+$0x0], $0x1  }
0x25b: {  	p3 =	seq.s32 s23, $0x0;
	_ =	sdelay $0x3  }
0x25c: {  	(v2sf) =	vpush v1, $0x0;
	_ =	sdelay $0xe  }
0x25d: {  	s28 =	spop (v2sf)  }
0x25e: {  	p2 =	seq.s32 s0, s28  }
0x25f: {  	p4 =	sgt.s32 @!p2 s0, $0x0;
	s30 =	sshll.u32 @!p2 s29, $0x6;
	s29 =	sadd.s32 @!p2 $0x1, s29  }
.Ltmp14:
0x260: {  	p4 =	por !p4, p2;
	s30 =	sshra.s32 @!p2 s30, $0x2;
	(pc) =	sbr.rel @!p3 .LBB2_14-.Ltmp14, $4  }
0x261: {  	s29 =	smov.u32 @p2 s2;
	s0 =	simm.s32 @p4 $0x0;
	s30 =	sadd.s32 @!p2 $0x1B38, s30  }
0x262: {  	s0 =	smin.u32 @!p2 s0, $0x270FF  }
0x263: {  	s2 =	sand.u32 @!p2 $0x3FFF8, s0;
	s31 =	sand.u32 @!p2 $0x7, s0  }
0x264: {  	s26 =	sadd.s32 $0x1, s26;
	s0 =	sadd.s32 @!p2 s1, s2  }
.LBB2_15:
0x265: {  	[tilespmem:s30], [sflag:$0x2] =	stream.linear.gather @!p2 [hbm4b:s0+s31], $0x2, $0x38;
	[tilespmem:$0x1F0E8] =	vst v63  }
0x266: {  	s31 =	sshll.u32 s29, $0x1  }
0x267: {  	s2 =	simm.s32 $0x2;
	s0 =	sand.u32 $0x3FFFFFFE, s31  }
0x268: {  	_ =	swait.ge [sflag:s2], s0  }
0x269: {  	s0 =	ssub.s32 $0x0, s0;
	[sflag:s2] =	ssyncset.done $0x0  }
0x26a: {  	[sflag:s2] =	ssyncadd.s32 s0  }
0x26b: {  	v1 =	vld.msk [tilespmem:s19+$0x0], $0x1;
	_ =	sdelay $0x4  }
0x26c: {  	(v2sf) =	vpush v1, $0x0;
	_ =	sdelay $0xe  }
0x26d: {  	s23 =	spop (v2sf)  }
0x26e: {  	p2 =	sne.s32 s24, s23  }
0x26f: {  	p4 =	sne.s32 @p2 s24, s20  }
0x270: {  	p3 =	por !p4, !p2  }
0x271: {  	s0 =	sshll.u32 @!p3 s18, $0x6;
	s2 =	simm.s32 @!p3 $0x0  }
0x272: {  	s0 =	sshra.s32 @!p3 s0, $0x2;
	v1 =	vld.msk @!p3 [tilespmem:s2+$0x1B38], $0x3  }
0x273: {  	v2 =	vld.msk @!p3 [tilespmem:s0+$0x28], $0x3;
	_ =	sdelay $0x1  }
0x274: {  	p5 =	sgt.u32 @!p3 s24, $0x270FF  }
0x275: {  	p6 =	por @p2 p5, !p4  }
0x276: {  	p1 =	por p6, !p2;
	p6 =	por p4, !p2  }
0x277: {  	s26 =	sadd.s32 @!p3 $0x28, s0;
	s2 =	sand.u32 @!p1 $0x3FFF8, s24;
	s28 =	sshll.u32 @!p6 s18, $0x6;
	v1 =	vmax.f32 @!p3 v1, v2  }
0x278: {  	s24 =	sand.u32 @!p1 $0x7, s24;
	s2 =	sadd.s32 @!p1 s1, s2;
	[tilespmem:s0+$0x28] =	vst.msk @!p3 $0x3, v1;
	s0 =	sshra.s32 @!p6 s28, $0x2  }
0x279: {  	[hbm4b:s2+s24] =	stream.linear.scatter @!p1 [tilespmem:s26], [sflag:$0xA], $0x2, $0x38;
	[tilespmem:$0x1F0E8] =	vst v63  }
0x27a: {  	s29 =	rddreg [dreg:$0x2];
	s0 =	sadd.s32 @!p6 $0x28, s0;
	s2 =	simm.s32 @!p6 $0x1  }
0x27b: {  	[spmem:s29] =	stream.linear.scatter @!p6 [tilespmem:s0], [sflag:$0x1], $0x2, $0x38;
	[tilespmem:$0x1F0E8] =	vst v63  }
0x27c: {  	s0 =	sadd.s32 @p2 $0x1, s18;
	_ =	swait.ge @!p6 [sflag:s2], $0x2  }
0x27d: {  	s24 =	sshrl.u32 @p2 s0, $0x4;
	[sflag:s2] =	ssyncset.done @!p6 $0x0  }
0x27e: {  	s26 =	smulhi.u32 @p2 $0x97B425F, s24;
	[sflag:s2] =	ssyncadd.s32 @!p6 $0xFFFFFFFE  }
0x27f: {  	v1 =	vld.msk @p2 [tilespmem:s21+$0x0], $0x3  }
0x280: {  	p1 =	por @p2 !p5, !p4;
	s24 =	sadd.s32 $0x1, s25;
	s2 =	smul.u32 @p2 $0x1B0, s26  }
0x281: {  	p1 =	por !p1, !p2;
	p6 =	seq.s32 s24, $0x0  }
.Ltmp15:
0x282: {  	s26 =	simm.s32 @!p3 $0x0;
	s0 =	ssub.s32 @p2 s0, s2;
	(pc) =	sbr.rel @p6 .LBB2_17-.Ltmp15, $4  }
0x283: {  	s26 =	simm.s32 @!p1 $0x8;
	s28 =	sshll.u32 @p2 s0, $0x4  }
0x284: {  	s29 =	simm.s32 @p2 $0x1;
	s2 =	sshll.u32 @!p2 s18, $0x6;
	s26 =	sadd.s32 @!p3 $0x0, s26;
	[tilespmem:s28+$0x28] =	vst.msk @p2 $0x3, v1  }
0x285: {  	s25 =	simm.s32 $0x0;
	s26 =	smov.u32 @p3 s22;
	s28 =	sshra.s32 @!p2 s2, $0x2;
	v1 =	vld.msk @!p2 [tilespmem:s21+$0x0], $0x3  }
0x286: {  	s25 =	smov.u32 @p2 s29;
	s18 =	smov.u32 @p2 s0;
	s22 =	smov.u32 @p2 s26;
	v2 =	vld.msk @!p2 [tilespmem:s28+$0x28], $0x3  }
.LBB2_16:
0x287: {  	_ =	sdelay $0x3  }
0x288: {  	v1 =	vmax.f32 @!p2 v1, v2  }
0x289: {  	s19 =	sadd.s32 $0x1, s19;
	[tilespmem:s28+$0x28] =	vst.msk @!p2 $0x3, v1  }
0x28a: {  	v1 =	vld.msk [tilespmem:s19+$0x0], $0x1;
	_ =	sdelay $0x4  }
0x28b: {  	(v2sf) =	vpush v1, $0x0;
	_ =	sdelay $0xe  }
0x28c: {  	s26 =	smov.u32 s23;
	s23 =	spop (v2sf)  }
0x28d: {  	p2 =	sne.s32 s26, s23  }
0x28e: {  	p5 =	sne.s32 @p2 s26, s20  }
0x28f: {  	s0 =	sadd.s32 @p2 $0x1, s18;
	p4 =	por !p5, !p2  }
0x290: {  	s28 =	sshll.u32 @!p2 s18, $0x6;
	s29 =	sadd.s32 @p2 $0x1, s25;
	s30 =	sshll.u32 @!p4 s25, $0x6  }
0x291: {  	s2 =	sshrl.u32 @p2 s0, $0x4;
	s31 =	sshll.u32 @!p4 s18, $0x6;
	s30 =	sshra.s32 @!p4 s30, $0x2  }
0x292: {  	p1 =	sgt.u32 @!p4 s26, $0x270FF;
	s2 =	smulhi.u32 @p2 $0x97B425F, s2;
	s31 =	sshra.s32 @!p4 s31, $0x2;
	v1 =	vld.msk @!p4 [tilespmem:s30+$0x1B38], $0x3  }
0x293: {  	s5 =	simm.s32 @!p4 $0x0;
	s25 =	smov.u32 @p2 s29;
	s29 =	rddreg [dreg:$0x2];
	v2 =	vld.msk @!p4 [tilespmem:s31+$0x28], $0x3  }
0x294: {  	p6 =	por @p2 p1, !p5;
	p1 =	por @p2 !p1, !p5;
	p5 =	por p5, !p2  }
0x295: {  	s30 =	sadd.s32 @!p4 $0x28, s31;
	p6 =	por p6, !p2;
	p1 =	por !p1, !p2  }
0x296: {  	s2 =	smul.u32 @p2 $0x1B0, s2;
	s10 =	sshll.u32 @!p5 s18, $0x6;
	s5 =	simm.s32 @!p1 $0x8  }
0x297: {  	s9 =	sand.u32 @!p6 $0x3FFF8, s26;
	s26 =	sand.u32 @!p6 $0x7, s26;
	s5 =	sadd.s32 @!p4 s5, s22  }
0x298: {  	s9 =	sadd.s32 @!p6 s1, s9;
	s0 =	ssub.s32 @p2 s0, s2;
	s5 =	smov.u32 @p4 s22;
	v1 =	vmax.f32 @!p4 v1, v2  }
0x299: {  	s2 =	sshll.u32 @p2 s0, $0x4;
	s22 =	smov.u32 @p2 s5;
	s5 =	sshra.s32 @!p5 s10, $0x2;
	[tilespmem:s31+$0x28] =	vst.msk @!p4 $0x3, v1  }
0x29a: {  	[hbm4b:s9+s26] =	stream.linear.scatter @!p6 [tilespmem:s30], [sflag:$0xA], $0x2, $0x38;
	[tilespmem:$0x1F0E8] =	vst v63  }
0x29b: {  	s18 =	smov.u32 @p2 s0;
	s0 =	sadd.s32 @!p5 $0x28, s5;
	s5 =	simm.s32 @!p5 $0x1  }
0x29c: {  	[spmem:s29] =	stream.linear.scatter @!p5 [tilespmem:s0], [sflag:$0x1], $0x2, $0x38;
	[tilespmem:$0x1F0E8] =	vst v63  }
0x29d: {  	_ =	swait.ge @!p5 [sflag:s5], $0x2  }
0x29e: {  	[sflag:s5] =	ssyncset.done @!p5 $0x0  }
0x29f: {  	s21 =	sadd.s32 $0x80, s21;
	[sflag:s5] =	ssyncadd.s32 @!p5 $0xFFFFFFFE  }
0x2a0: {  	v1 =	vld.msk @p2 [tilespmem:s21+$0x0], $0x3  }
0x2a1: {  	s24 =	sadd.s32 $0x1, s24  }
0x2a2: {  	p3 =	seq.s32 s24, $0x0  }
.Ltmp16:
0x2a3: {  	_ = 	snop;
	(pc) =	sbr.rel @!p3 .LBB2_16-.Ltmp16, $4  }
0x2a4: {  	_ = 	snop  }
0x2a5: {  	[tilespmem:s2+$0x28] =	vst.msk @p2 $0x3, v1  }
0x2a6: {  	s28 =	sshra.s32 @!p2 s28, $0x2;
	v1 =	vld.msk @!p2 [tilespmem:s21+$0x0], $0x3  }
0x2a7: {  	v2 =	vld.msk @!p2 [tilespmem:s28+$0x28], $0x3  }
.LBB2_17:
0x2a8: {  	_ = 	snop  }
.Ltmp17:
0x2a9: {  	_ = 	snop;
	(pc) =	sbr.rel .LBB2_19-.Ltmp17, $3  }
0x2aa: {  	s2 =	sld [smem:$0x7FD];
	_ =	sdelay $0x1  }
0x2ab: {  	v1 =	vmax.f32 @!p2 v1, v2  }
0x2ac: {  	s0 =	sshrl.u32 s22, $0x2;
	s24 =	smov.u32 s23;
	p4 =	seq.s32 s2, $0x1;
	[tilespmem:s28+$0x28] =	vst.msk @!p2 $0x3, v1  }
.LBB2_21:
0x2ad: {  	_ =	sfence.sel $0x180000  }
0x2ae: {  	s0 =	simm.s32 $0x7;
	[bflag:$0x0] =	sbarrier.arrive $0xFFFF  }
0x2af: {  	s25 =	simm.s32 $0x8;
	[sflag:s0] =	ssyncpa.u1 $0x1  }
0x2b0: {  	s26 =	simm.s32 $0x9;
	[sflag:s25] =	ssyncpa.u1 $0x1  }
0x2b1: {  	s28 =	simm.s32 $0x2;
	[sflag:s26] =	ssyncpa.u1 $0x1  }
0x2b2: {  	[sflag:s28] =	ssyncpa.u1 $0x1  }
0x2b3: {  	v0 =	vld [tilespmem:$0x3648];
	_ =	sdelay $0x4  }
0x2b4: {  	(v2sf) =	vpush v0, $0x0  }
0x2b5: {  	(v2sf) =	vpush v0, $0x1;
	_ =	sdelay $0x1  }
0x2b6: {  	(v2sf) =	vpush v0, $0x2;
	_ =	sdelay $0xb  }
0x2b7: {  	s0 =	spop (v2sf)  }
0x2b8: {  	s2 =	spop (v2sf)  }
0x2b9: {  	s3 =	smov.u32 s0;
	p0 =	sne.s32 s0, s2  }
0x2ba: {  	s4 =	spop (v2sf);
	s3 =	simm.s32 @!p0 $0xFFFFFFFF  }
0x2bb: {  	v2 =	vimm.s32 $0x1;
	v3 =	vlaneseq.u32;
	p0 =	seq.s32 s4, $0xFFFFFFFF;
	v1 =	vmov s3  }
0x2bc: {  	s7 =	stileid.u32;
	v0 =	vperm.xlane v0, v2;
	p1 =	sne.s32 @!p0 s0, s2;
	v1 =	vperm.xlane v1, v3  }
0x2bd: {  	vm0 =	vcmask $0x3F04;
	s6 =	simm.s32 $0x3648;
	s0 =	simm.s32 @!p0 $0x1;
	p1 =	por !p1, p0  }
0x2be: {  	s3 =	sshll.u32 s7, $0x1;
	s2 =	sshll.u32 @!p0 s4, $0x6;
	s0 =	simm.s32 @p1 $0x0;
	v0 =	vsel vm0, v1, v0  }
0x2bf: {  	s5 =	sor.u32 $0x200, s3;
	s2 =	sshra.s32 @!p0 s2, $0x2;
	s0 =	sor.u32 @!p0 s0, s3;
	[tilespmem:$0x3648] =	vst v0  }
0x2c0: {  	[spmem:s5] =	stream.linear.scatter [tilespmem:s6], [sflag:$0x1], $0x2, $0x38;
	[tilespmem:$0x1F0E8] =	vst v63  }
0x2c1: {  	s2 =	sadd.s32 @!p0 $0x28, s2;
	s0 =	sshll.u32 @!p0 s0, $0x4  }
0x2c2: {  	[spmem:s0] =	stream.linear.scatter @!p0 [tilespmem:s2], [sflag:$0x1], $0x10, $0x38;
	[tilespmem:$0x1F0E8] =	vst v63  }
0x2c3: {  	s0 =	simm.s32 @!p0 $0x12  }
0x2c4: {  	s3 =	simm.s32 $0x1;
	s0 =	simm.s32 @p0 $0x2  }
0x2c5: {  	_ =	swait.ge [sflag:s3], s0  }
0x2c6: {  	s0 =	ssub.s32 $0x0, s0;
	[sflag:s3] =	ssyncset.done $0x0  }
0x2c7: {  	[sflag:s3] =	ssyncadd.s32 s0  }
0x2c8: {  	_ =	sfence.stream.spmem  }
0x2c9: {  	s29 =	simm.s32 $0x3;
	[bflag:$0x0] =	sbarrier.arrive $0xFFFF  }
0x2ca: {  	s30 =	simm.s32 $0x4;
	[sflag:s29] =	ssyncpa.u1 $0x1  }
0x2cb: {  	s31 =	simm.s32 $0x3C;
	[sflag:s30] =	ssyncpa.u1 $0x1  }
0x2cc: {  	p0 =	sne.s32 s7, $0x0;
	[sflag:s31] =	ssyncpa.u1 $0x1  }
0x2cd: {  	_ =	sfence @p0  }
0x2ce: {  	[sflag:s3] =	ssyncpa.u1 @p0 $0x1  }
0x2cf: {  	_ =	strace @p0 $0x90000047  }
0x2d0: {  	[bflag:$0x2] =	sbarrier.arrive @p0 $0xFFFF  }
0x2d1: {  	_ =	shalt @p0  }
.LBB2_22:
0x2d2: {  	_ =	sfence.stream.spmem;
	s0 =	simm.s32 $0x5  }
0x2d3: {  	s2 =	simm.s32 $0x200;
	s3 =	simm.s32 $0x3658;
	[sflag:s0] =	ssyncpa.u1 $0x0  }
0x2d4: {  	[tilespmem:s3], [sflag:$0x5] =	stream.linear.gather [spmem:s2], $0x20, $0x38;
	[tilespmem:$0x1F0E8] =	vst v63  }
0x2d5: {  	s30 =	simm.s32 $0x3678;
	s2 =	simm.s32 $0x0  }
0x2d6: {  	[tilespmem:s30], [sflag:$0x5] =	stream.linear.gather [spmem:s2], $0x200, $0x38;
	[tilespmem:$0x1F0E8] =	vst v63  }
.Ltmp18:
0x2d7: {  	_ = 	snop;
	(pc) =	sbr.rel .LBB2_23-.Ltmp18, $4  }
0x2d8: {  	_ =	swait.ge [sflag:s0], $0x220  }
0x2d9: {  	[sflag:s0] =	ssyncset.done $0x0  }
0x2da: {  	s31 =	simm.s32 $0x6;
	[sflag:s0] =	ssyncadd.s32 $0xFFFFFDE0  }
0x2db: {  	s3 =	simm.s32 $0x0;
	[sflag:s31] =	ssyncpa.u1 $0x0  }
.LBB2_28:
0x2dc: {  	p0 =	slt.u32 s4, $0x27100  }
0x2dd: {  	s0 =	sand.u32 @p0 $0x3FFF8, s4  }
0x2de: {  	s4 =	sand.u32 @p0 $0x7, s4;
	s5 =	simm.s32 @p0 $0x3638;
	s0 =	sadd.s32 @p0 s1, s0  }
0x2df: {  	[tilespmem:s5], [sflag:$0x6] =	stream.linear.gather @p0 [hbm4b:s0+s4], $0x2, $0x38;
	[tilespmem:$0x1F0E8] =	vst v63  }
0x2e0: {  	s0 =	simm.s32 @p0 $0x6  }
0x2e1: {  	_ =	swait.ge @p0 [sflag:s0], $0x2  }
0x2e2: {  	[sflag:s0] =	ssyncset.done @p0 $0x0  }
0x2e3: {  	[sflag:s0] =	ssyncadd.s32 @p0 $0xFFFFFFFE;
	s0 =	sshll.u32 @p0 s3, $0x6  }
0x2e4: {  	v1 =	vld @p0 [tilespmem:$0x3638];
	s4 =	sshrl.u32 @p0 s0, $0x2  }
0x2e5: {  	v2 =	vld @p0 [tilespmem:s4+$0x3678];
	_ =	sdelay $0x4  }
0x2e6: {  	s5 =	sshll.u32 @!p0 s3, $0x6;
	v1 =	vmax.f32 @p0 v1, v2  }
0x2e7: {  	s5 =	smov.u32 @p0 s0;
	[tilespmem:s4+$0x3678] =	vst @p0 v1  }
0x2e8: {  	s0 =	sshrl.u32 s5, $0x2;
	[tilespmem:s2+$0x3658] =	vst.msk $0x1, v0  }
0x2e9: {  	v0 =	vld [tilespmem:s0+$0x3678];
	_ =	sdelay $0x2  }
0x2ea: {  	s31 =	sshll.u32 s2, $0x6  }
0x2eb: {  	s0 =	sshra.s32 s31, $0x2  }
0x2ec: {  	s2 =	sadd.s32 $0x1, s2;
	[tilespmem:s0+$0x3678] =	vst v0  }
.LBB2_30:
0x2ed: {  	s3 =	sadd.s32 $0x1, s3  }
0x2ee: {  	p0 =	sne.s32 s3, $0x20  }
.Ltmp19:
0x2ef: {  	_ = 	snop;
	(pc) =	sbr.rel @!p0 .LBB2_31-.Ltmp19, $1  }
0x2f0: {  	_ =	sdelay $0x3  }
.LBB2_23:
0x2f1: {  	v0 =	vld.msk [tilespmem:s3+$0x3658], $0x1;
	_ =	sdelay $0x4  }
0x2f2: {  	(v2sf) =	vpush v0, $0x0;
	_ =	sdelay $0xe  }
0x2f3: {  	s4 =	spop (v2sf)  }
0x2f4: {  	p0 =	seq.s32 s4, $0xFFFFFFFF  }
.Ltmp20:
0x2f5: {  	_ = 	snop;
	(pc) =	sbr.rel @p0 .LBB2_30-.Ltmp20, $1  }
0x2f6: {  	_ =	sdelay $0x3  }
0x2f7: {  	p0 =	slt.s32 s2, $0x1  }
.Ltmp21:
0x2f8: {  	_ = 	snop;
	(pc) =	sbr.rel @p0 .LBB2_28-.Ltmp21, $1  }
0x2f9: {  	_ =	sdelay $0x3  }
0x2fa: {  	s5 =	simm.s32 $0x3658;
	p0 =	por $0x0, $0x0  }
0x2fb: {  	v1 =	vld.msk @!p0 [tilespmem:s5+$0x0], $0x1;
	_ =	sdelay $0x4  }
0x2fc: {  	(v2sf) =	vpush @!p0 v1, $0x0;
	_ =	sdelay $0xd  }
0x2fd: {  	p2 =	sne.s32 s2, $0x1  }
.Ltmp22:
0x2fe: {  	s0 =	spop @!p0 (v2sf);
	(pc) =	sbr.rel @!p2 .LBB2_27-.Ltmp22, $4  }
0x2ff: {  	p1 =	seq.s32 @!p0 s4, s0  }
0x300: {  	s6 =	simm.s32 $0x0;
	p1 =	por !p1, p0  }
0x301: {  	s0 =	simm.s32 $0xFFFFFFFF;
	s6 =	simm.s32 @p1 $0xFFFFFFFF  }
0x302: {  	s7 =	simm.s32 $0x1;
	s6 =	smov.u32 @p0 s0  }
.LBB2_26:
0x303: {  	s0 =	smov.u32 s6;
	p0 =	sne.s32 s6, $0xFFFFFFFF  }
0x304: {  	s5 =	sadd.s32 $0x1, s5;
	s6 =	smov.u32 s7;
	s7 =	sadd.s32 $0x1, s7  }
0x305: {  	p1 =	sne.s32 s2, s7;
	v1 =	vld.msk @!p0 [tilespmem:s5+$0x0], $0x1;
	_ =	sdelay $0x4  }
0x306: {  	(v2sf) =	vpush @!p0 v1, $0x0;
	_ =	sdelay $0xe  }
.Ltmp23:
0x307: {  	s8 =	spop @!p0 (v2sf);
	(pc) =	sbr.rel @p1 .LBB2_26-.Ltmp23, $4  }
0x308: {  	p2 =	seq.s32 @!p0 s4, s8  }
0x309: {  	p2 =	por !p2, p0  }
0x30a: {  	s6 =	simm.s32 @p2 $0xFFFFFFFF  }
0x30b: {  	s6 =	smov.u32 @p0 s0  }
.LBB2_27:
0x30c: {  	p0 =	sne.s32 s6, $0xFFFFFFFF  }
.Ltmp24:
0x30d: {  	_ = 	snop;
	(pc) =	sbr.rel @!p0 .LBB2_28-.Ltmp24, $1  }
0x30e: {  	_ =	sdelay $0x3  }
0x30f: {  	s0 =	sshll.u32 s3, $0x4  }
0x310: {  	s4 =	sshll.u32 s6, $0x6;
	s0 =	sand.u32 $0x3FFFFFF0, s0  }
0x311: {  	s31 =	sshra.s32 s4, $0x2;
	v0 =	vld [tilespmem:s0+$0x3678]  }
0x312: {  	v1 =	vld [tilespmem:s31+$0x3678];
	_ =	sdelay $0x1  }
.Ltmp25:
0x313: {  	_ = 	snop;
	(pc) =	sbr.rel .LBB2_30-.Ltmp25, $3  }
0x314: {  	_ =	sdelay $0x1  }
0x315: {  	v0 =	vmax.f32 v0, v1  }
0x316: {  	[tilespmem:s31+$0x3678] =	vst v0  }
.LBB2_31:
0x317: {  	p0 =	slt.s32 s2, $0x1  }
.Ltmp26:
0x318: {  	_ = 	snop;
	(pc) =	sbr.rel @p0 .LBB2_35-.Ltmp26, $3  }
0x319: {  	_ =	sdelay $0x1  }
0x31a: {  	s0 =	simm.s32 $0x6  }
0x31b: {  	s3 =	simm.s32 $0x0;
	[sflag:s0] =	ssyncpa.u1 $0x1  }
0x31c: {  	s0 =	simm.s32 $0x3658  }
0x31d: {  	v0 =	vld.msk [tilespmem:s0+$0x0], $0x1;
	_ =	sdelay $0x4  }
0x31e: {  	(v2sf) =	vpush v0, $0x0;
	_ =	sdelay $0xd  }
0x31f: {  	s2 =	sadd.s32 $0xFFFFFFFF, s2  }
0x320: {  	p1 =	sne.s32 s2, $0x0;
	s0 =	spop (v2sf)  }
.Ltmp27:
0x321: {  	p0 =	sgt.u32 s0, $0x270FF;
	(pc) =	sbr.rel @!p1 .LBB2_34-.Ltmp27, $4  }
0x322: {  	s4 =	simm.s32 $0x3678;
	s5 =	sand.u32 @!p0 $0x3FFF8, s0  }
0x323: {  	s6 =	simm.s32 $0x0;
	s0 =	sand.u32 @!p0 $0x7, s0;
	s5 =	sadd.s32 @!p0 s1, s5  }
0x324: {  	[hbm4b:s5+s0] =	stream.linear.scatter @!p0 [tilespmem:s4], [sflag:$0x5], $0x2, $0x38;
	[tilespmem:$0x1F0E8] =	vst v63  }
0x325: {  	s6 =	simm.s32 @!p0 $0x8;
	s5 =	simm.s32 $0x3659  }
.LBB2_33:
0x326: {  	v0 =	vld.msk [tilespmem:s5+$0x0], $0x1;
	s2 =	sadd.s32 $0xFFFFFFFF, s2;
	s3 =	sadd.s32 s3, s6  }
0x327: {  	p0 =	sne.s32 s2, $0x0;
	_ =	sdelay $0x3  }
0x328: {  	(v2sf) =	vpush v0, $0x0;
	_ =	sdelay $0xe  }
.Ltmp28:
0x329: {  	s0 =	spop (v2sf);
	(pc) =	sbr.rel @p0 .LBB2_33-.Ltmp28, $4  }
0x32a: {  	s6 =	simm.s32 $0x0;
	p1 =	sgt.u32 s0, $0x270FF  }
0x32b: {  	s4 =	sadd.s32 $0x10, s4;
	s6 =	simm.s32 @!p1 $0x8;
	s7 =	sand.u32 @!p1 $0x3FFF8, s0  }
0x32c: {  	s5 =	sadd.s32 $0x1, s5;
	s0 =	sand.u32 @!p1 $0x7, s0;
	s7 =	sadd.s32 @!p1 s1, s7  }
0x32d: {  	[hbm4b:s7+s0] =	stream.linear.scatter @!p1 [tilespmem:s4], [sflag:$0x5], $0x2, $0x38;
	[tilespmem:$0x1F0E8] =	vst v63  }
.LBB2_34:
0x32e: {  	s0 =	sadd.s32 s3, s6  }
0x32f: {  	s3 =	sshrl.u32 s0, $0x2  }
.LBB2_35:
0x330: {  	s0 =	simm.s32 $0x5  }
0x331: {  	_ =	swait.ge [sflag:s0], s3  }
0x332: {  	s1 =	ssub.s32 $0x0, s3;
	[sflag:s0] =	ssyncset.done $0x0  }
0x333: {  	[sflag:s0] =	ssyncadd.s32 s1  }
0x334: {  	[sflag:s0] =	ssyncpa.u1 $0x1  }
0x335: {  	s30 =	simm.s32 $0x1;
	_ =	sfence  }
0x336: {  	[sflag:s30] =	ssyncpa.u1 $0x1  }
0x337: {  	_ =	strace $0x90000047  }
0x338: {  	[bflag:$0x2] =	sbarrier.arrive $0xFFFF  }
0x339: {  	s31 =	rddreg [dreg:$0x1]  }
0x33a: {  	s0 =	sadd.s32 $0x100000, s31  }
0x33b: {  	[sflag:s0] =	ssyncadd.tile.s32 $0x1;
	_ =	shalt  }
.Lfunc_end2:
_tile_overlayer_lowered:
.L_overlay_start_2:
0x33c: {  	(tag) =	ssettag $0x2  }
0x33d: {  	s0 =	rddreg [dreg:$0x0];
	s2 =	stileid.u32  }
0x33e: {  	s1 =	rddreg [dreg:$0x1];
	p0 =	sne.s32 s2, $0x0  }
0x33f: {  	s3 =	rddreg [dreg:$0x2];
	[bflag:$0x3] =	sbarrier.arrive $0xFFFF;
	s2 =	simm.s32 @!p0 $0x1C01  }
0x340: {  	[timem:s3], [sflag:s2] =	dma.local @!p0 [hbm:s0], s1  }
0x341: {  	s0 =	simm.s32 @!p0 $0x1  }
0x342: {  	_ =	swait.ge @!p0 [sflag:s0], s1  }
0x343: {  	s1 =	ssub.s32 @!p0 $0x0, s1;
	[sflag:s0] =	ssyncset.done @!p0 $0x0  }
0x344: {  	[sflag:s0] =	ssyncadd.s32 @!p0 s1  }
0x345: {  	[bflag:$0x3] =	sbarrier.arrive $0xFFFF  }
0x346: {  	_ =	shalt  }

</sc_bundles>
